<compile_context>
chip_gen: v7x
topology: tpu7x:2x2x1
jax: 0.10.2.dev20260603
libtpu: 0.0.44.dev20260713+nightly
codegen_flags: <defaults>
</compile_context>

<pallas_src>
import dataclasses
import functools

import jax
import jax.numpy as jnp
from jax import lax
from jax.experimental import pallas as pl
from jax.experimental.pallas import tpu as pltpu
from jax.experimental.pallas import tpu_sc as plsc

N = 10000
E = 320000
D = 128
H = 256
NC = 2
NS = 16
NW = NC * NS
CHUNK = 128
NCHUNK = 80
IDXB = 40
PER_TILE = NCHUNK * CHUNK
E_PAD = NW * PER_TILE
ACC_N = 10240
SLAB = ACC_N // NS
HW = 128
EPS = 1e-5

_mesh = functools.partial(
    plsc.VectorSubcoreMesh, core_axis_name="c", subcore_axis_name="s"
)


def _sc_hist(dst_flat):

    cp = pltpu.CompilerParams()
    if "needs_layout_passes" in pltpu.CompilerParams.__dataclass_fields__:
        cp = dataclasses.replace(cp, needs_layout_passes=False)

    @functools.partial(
        pl.kernel,
        out_type=jax.ShapeDtypeStruct((NW, ACC_N), jnp.float32),
        mesh=_mesh(),
        compiler_params=cp,
        scratch_types=[
            pltpu.VMEM((PER_TILE,), jnp.int32),
            pltpu.VMEM((ACC_N,), jnp.float32),
        ],
    )
    def k(dst_hbm, out_hbm, dst_v, hist_v):
        c = lax.axis_index("c")
        s = lax.axis_index("s")
        wid = s * NC + c
        pltpu.sync_copy(dst_hbm.at[wid], dst_v)
        zeros16 = jnp.zeros((16,), jnp.float32)

        @pl.loop(0, ACC_N // 16)
        def _(i):
            hist_v[pl.ds(i * 16, 16)] = zeros16

        ones16 = jnp.ones((16,), jnp.float32)

        @pl.loop(0, PER_TILE // 16)
        def _(i):
            iv = dst_v[pl.ds(i * 16, 16)]
            plsc.addupdate_scatter(hist_v, [iv], ones16)

        pltpu.sync_copy(hist_v, out_hbm.at[wid])

    return k(dst_flat)


def _sc_agg(table, src_idx, dst_idx, zeros_acc):

    @functools.partial(
        pl.kernel,
        out_type=jax.ShapeDtypeStruct((NC, ACC_N, D), jnp.float32),
        mesh=_mesh(),
        scratch_types=[
            pltpu.VMEM((2 * IDXB, CHUNK // 2), jnp.int32),
            pltpu.VMEM((IDXB, CHUNK), jnp.int32),
            pltpu.VMEM((CHUNK, D), jnp.float32),
            pltpu.VMEM((CHUNK, D), jnp.float32),
            pltpu.VMEM_SHARED((ACC_N, D), jnp.float32),
            pltpu.SemaphoreType.DMA,
            pltpu.SemaphoreType.DMA,
        ],
    )
    def k(table_hbm, src_hbm, dst_hbm, zeros_hbm, out_hbm,
          src_v, dst_v, rows0, rows1, acc, sem0, sem1):
        c = lax.axis_index("c")
        s = lax.axis_index("s")
        wid = s * NC + c
        pltpu.sync_copy(
            zeros_hbm.at[pl.ds(s * SLAB, SLAB)], acc.at[pl.ds(s * SLAB, SLAB)]
        )
        plsc.subcore_barrier()

        HC = CHUNK // 2

        def gather(j, buf, sem):
            return (
                pltpu.make_async_copy(
                    table_hbm.at[src_v.at[2 * j]], buf.at[pl.ds(0, HC)], sem
                ),
                pltpu.make_async_copy(
                    table_hbm.at[src_v.at[2 * j + 1]], buf.at[pl.ds(HC, HC)], sem
                ),
            )

        def gstart(j, buf, sem):
            a, b = gather(j, buf, sem)
            a.start()
            b.start()

        def gwait(j, buf, sem):
            a, b = gather(j, buf, sem)
            a.wait()
            b.wait()

        for half in range(NCHUNK // IDXB):
            pltpu.sync_copy(
                src_hbm.at[wid].at[pl.ds(half * 2 * IDXB, 2 * IDXB)], src_v
            )
            pltpu.sync_copy(dst_hbm.at[wid].at[pl.ds(half * IDXB, IDXB)], dst_v)
            gstart(0, rows0, sem0)
            gstart(1, rows1, sem1)

            @pl.loop(0, IDXB // 2 - 1)
            def _(i):
                j = 2 * i
                gwait(j, rows0, sem0)
                pltpu.sync_copy(rows0, acc.at[dst_v.at[j]], add=True)
                gstart(j + 2, rows0, sem0)
                gwait(j + 1, rows1, sem1)
                pltpu.sync_copy(rows1, acc.at[dst_v.at[j + 1]], add=True)
                gstart(j + 3, rows1, sem1)

            gwait(IDXB - 2, rows0, sem0)
            pltpu.sync_copy(rows0, acc.at[dst_v.at[IDXB - 2]], add=True)
            gwait(IDXB - 1, rows1, sem1)
            pltpu.sync_copy(rows1, acc.at[dst_v.at[IDXB - 1]], add=True)

        plsc.subcore_barrier()
        pltpu.sync_copy(
            acc.at[pl.ds(s * SLAB, SLAB)], out_hbm.at[c].at[pl.ds(s * SLAB, SLAB)]
        )

    return k(table, src_idx, dst_idx, zeros_acc)


def _tc_prep(hist2, x):

    def body(hist2_ref, x_ref, xp_ref, dinv_ref, invc_ref):
        hv = hist2_ref[...]
        hist = jnp.sum(hv, axis=0)[:, None]
        dinv = lax.rsqrt(hist + 1.0)
        invc = 1.0 / jnp.maximum(hist, 1.0)
        dinv_ref[...] = dinv
        invc_ref[...] = invc
        xp_ref[0:N, :] = dinv[0:N] * x_ref[...]
        xp_ref[N:ACC_N, :] = jnp.zeros((ACC_N - N, D), jnp.float32)

    return pl.pallas_call(
        body,
        out_shape=(
            jax.ShapeDtypeStruct((ACC_N, D), jnp.float32),
            jax.ShapeDtypeStruct((ACC_N, 1), jnp.float32),
            jax.ShapeDtypeStruct((ACC_N, 1), jnp.float32),
        ),
    )(hist2, x)


def _tc_layer1(S2, xp, dinv, W1, b1, g1, beta1, Wl):

    def body(S2_ref, xp_ref, dinv_ref, W1_ref, b1_ref, g1_ref, beta1_ref,
             Wl_ref, h2_ref, p_ref):
        Sv = S2_ref[...]
        S = Sv[0, 0:N] + Sv[1, 0:N]
        z = dinv_ref[0:N] * (S + xp_ref[0:N])
        m1 = lax.dot_general(
            z, W1_ref[...], (((1,), (1,)), ((), ())),
            preferred_element_type=jnp.float32,
        ) + b1_ref[...][None, :]
        mu = jnp.mean(m1, axis=0, keepdims=True)
        var = jnp.mean(m1 * m1, axis=0, keepdims=True) - mu * mu
        h2 = (m1 - mu) * lax.rsqrt(var + EPS) * g1_ref[...][None, :] \
            + beta1_ref[...][None, :]
        h2 = jnp.maximum(h2, 0.0)
        h2_ref[...] = h2
        p_ref[0:N, :] = lax.dot_general(
            h2, Wl_ref[...], (((1,), (1,)), ((), ())),
            preferred_element_type=jnp.float32,
        )
        p_ref[N:ACC_N, :] = jnp.zeros((ACC_N - N, D), jnp.float32)

    return pl.pallas_call(
        body,
        out_shape=(
            jax.ShapeDtypeStruct((N, H), jnp.float32),
            jax.ShapeDtypeStruct((ACC_N, D), jnp.float32),
        ),
    )(S2, xp, dinv, W1, b1, g1, beta1, Wl)


def _tc_right(h2, Wr):

    def body(h2_ref, Wr_ref, q_ref):
        q_ref[...] = lax.dot_general(
            h2_ref[...], Wr_ref[...], (((1,), (1,)), ((), ())),
            preferred_element_type=jnp.float32,
        )

    return pl.pallas_call(
        body, out_shape=jax.ShapeDtypeStruct((N, D), jnp.float32)
    )(h2, Wr)


def _tc_layer2(T2, invc, q, bl, g2, beta2):

    def body(T2_ref, invc_ref, q_ref, bl_ref, g2_ref, beta2_ref, out_ref):
        Tv = T2_ref[...]
        T = Tv[0, 0:N] + Tv[1, 0:N]
        r = T * invc_ref[0:N] + bl_ref[...][None, :] + q_ref[...]
        mu = jnp.mean(r, axis=0, keepdims=True)
        var = jnp.mean(r * r, axis=0, keepdims=True) - mu * mu
        out = (r - mu) * lax.rsqrt(var + EPS) * g2_ref[...][None, :] \
            + beta2_ref[...][None, :]
        out_ref[...] = jnp.maximum(out, 0.0)

    return pl.pallas_call(
        body, out_shape=jax.ShapeDtypeStruct((N, D), jnp.float32)
    )(T2, invc, q, bl, g2, beta2)


def kernel(x, edge_index, W1, b1, g1, beta1, Wl, bl, Wr, g2, beta2):
    src = edge_index[0].astype(jnp.int32)
    dst = edge_index[1].astype(jnp.int32)
    pad_tile = PER_TILE - E // NW
    dummy = jnp.broadcast_to(
        N + jnp.arange(pad_tile, dtype=jnp.int32), (NW, pad_tile)
    )
    src_p = jnp.concatenate([src.reshape(NW, E // NW), dummy], axis=1)
    dst_p = jnp.concatenate([dst.reshape(NW, E // NW), dummy], axis=1)
    src_p = src_p.reshape(NW, 2 * NCHUNK, CHUNK // 2)
    dst_p = dst_p.reshape(NW, NCHUNK, CHUNK)

    zeros_acc = jnp.zeros((ACC_N, D), jnp.float32)

    hist2 = _sc_hist(dst_p.reshape(NW, PER_TILE))
    xp, dinv, invc = _tc_prep(hist2, x)
    S2 = _sc_agg(xp, src_p, dst_p, zeros_acc)
    h2, p = _tc_layer1(S2, xp, dinv, W1, b1, g1, beta1, Wl)
    q = _tc_right(h2, Wr)
    T2 = _sc_agg(p, src_p, dst_p, zeros_acc)
    return _tc_layer2(T2, invc, q, bl, g2, beta2)

# --- scband reference (transcript-rebuilt; emitter-appended) ---
"""Pipeline reference for scband-net-need-name-80582176407954 (READ-ONLY COPY).

The authoritative reference and input builder live on the scoring server;
editing this copy changes nothing except your own understanding.
"""

import jax, jax.numpy as jnp
import numpy as np

N_NODES = 10000
IN_BANDS = 128
HIDDEN = IN_BANDS * 2
OUT_BANDS = 128
N_EDGES = 320000
EPS = 1e-5


def setup_inputs(seed: int = 0) -> dict:
    key = jax.random.key(seed)
    ks = jax.random.split(key, 12)
    x = jax.random.normal(ks[0], (N_NODES, IN_BANDS), dtype=jnp.float32)
    edge_index = jax.random.randint(ks[1], (2, N_EDGES), 0, N_NODES, dtype=jnp.int64 if jax.config.jax_enable_x64 else jnp.int32)
    # GCNConv 1: in=128 -> out=256
    W1 = jax.random.normal(ks[2], (HIDDEN, IN_BANDS), dtype=jnp.float32) * (1.0 / np.sqrt(IN_BANDS))
    b1 = jnp.zeros((HIDDEN,), dtype=jnp.float32)
    g1 = jnp.ones((HIDDEN,), dtype=jnp.float32)
    beta1 = jnp.zeros((HIDDEN,), dtype=jnp.float32)
    # SAGEConv: in=256 -> out=128 (mean aggr), lin_l has bias, lin_r no bias
    Wl = jax.random.normal(ks[3], (OUT_BANDS, HIDDEN), dtype=jnp.float32) * (1.0 / np.sqrt(HIDDEN))
    bl = jnp.zeros((OUT_BANDS,), dtype=jnp.float32)
    Wr = jax.random.normal(ks[4], (OUT_BANDS, HIDDEN), dtype=jnp.float32) * (1.0 / np.sqrt(HIDDEN))
    g2 = jnp.ones((OUT_BANDS,), dtype=jnp.float32)
    beta2 = jnp.zeros((OUT_BANDS,), dtype=jnp.float32)
    return {"x": x, "edge_index": edge_index, "W1": W1, "b1": b1, "g1": g1, "beta1": beta1,
            "Wl": Wl, "bl": bl, "Wr": Wr, "g2": g2, "beta2": beta2}


def _gcn_conv(x, edge_index, W, b):
    n = x.shape[0]
    src = edge_index[0]
    dst = edge_index[1]
    loop = jnp.arange(n, dtype=src.dtype)
    src = jnp.concatenate([src, loop])
    dst = jnp.concatenate([dst, loop])
    deg = jnp.zeros((n,), dtype=x.dtype).at[dst].add(1.0)
    dinv = jnp.where(deg > 0, jax.lax.rsqrt(deg), 0.0)
    norm = dinv[src] * dinv[dst]
    h = x @ W.T
    out = jnp.zeros((n, h.shape[1]), dtype=x.dtype).at[dst].add(norm[:, None] * h[src])
    return out + b


def _sage_conv(x, edge_index, Wl, bl, Wr):
    n = x.shape[0]
    src = edge_index[0]
    dst = edge_index[1]
    s = jnp.zeros((n, x.shape[1]), dtype=x.dtype).at[dst].add(x[src])
    cnt = jnp.zeros((n,), dtype=x.dtype).at[dst].add(1.0)
    mean = s / jnp.clip(cnt, 1.0)[:, None]
    return mean @ Wl.T + bl + x @ Wr.T


def _batchnorm(x, g, b):
    mu = jnp.mean(x, axis=0, keepdims=True)
    var = jnp.mean((x - mu) ** 2, axis=0, keepdims=True)
    return (x - mu) * jax.lax.rsqrt(var + EPS) * g + b


def reference(x, edge_index, W1, b1, g1, beta1, Wl, bl, Wr, g2, beta2):
    h = _gcn_conv(x, edge_index, W1, b1)
    h = _batchnorm(h, g1, beta1)
    h = jax.nn.relu(h)
    # dropout disabled (eval-mode determinism)
    h = _sage_conv(h, edge_index, Wl, bl, Wr)
    h = _batchnorm(h, g2, beta2)
    h = jax.nn.relu(h)
    return h

if __name__ == "__main__":
    import jax
    _d = setup_inputs()
    print(jax.jit(kernel)(*tuple(_d.values())))

</pallas_src>

<mosaic_0001>
#map = affine_map<(d0, d1) -> (0, 0)>
module attributes {stable_mosaic.version = 14 : i64} {
  func.func @k(%arg0: i32, %arg1: i32, %arg2: memref<32x10240xi32, #tpu.memory_space<hbm>>, %arg3: memref<32x10240xf32, #tpu.memory_space<hbm>>, %arg4: memref<10240xi32, #tpu.memory_space<vmem>>, %arg5: memref<10240xf32, #tpu.memory_space<vmem>>) attributes {dimension_semantics = [#tpu.dimension_semantics<core_parallel>, #tpu.dimension_semantics<subcore_parallel>], iteration_bounds = array<i64: 2, 16>, scalar_prefetch = 0 : i64, scratch_operands = 2 : i64, tpu.core_type = #tpu.core_type<sc_vector_subcore>, window_params = [{transform_indices = #map}, {transform_indices = #map}]} {
    %mul3A = arith.constant 2 : i32
    %mul3A_0 = arith.muli %arg1, %mul3A : i32
    %add3A = arith.addi %mul3A_0, %arg0 : i32
    "tpu.region"() ({
      %run_scoped3A = tpu.sem_alloc : memref<!tpu.dma_semaphore, #tpu.memory_space<semaphore_mem>>
      %dma_start3A = arith.constant 0 : i32
      %dma_start3A_13 = tpu.memref_slice %arg2[%add3A, %dma_start3A] : memref<32x10240xi32, #tpu.memory_space<hbm>> -> memref<1x10240xi32, #tpu.memory_space<hbm>>
      %dma_start3A_14 = tpu.memref_squeeze %dma_start3A_13 : memref<1x10240xi32, #tpu.memory_space<hbm>> -> memref<10240xi32, #tpu.memory_space<hbm>>
      %dma_start3A_15 = arith.constant 0 : i32
      %dma_start3A_16 = tpu.memref_slice %arg2[%add3A, %dma_start3A_15] : memref<32x10240xi32, #tpu.memory_space<hbm>> -> memref<1x10240xi32, #tpu.memory_space<hbm>>
      %dma_start3A_17 = tpu.memref_squeeze %dma_start3A_16 : memref<1x10240xi32, #tpu.memory_space<hbm>> -> memref<10240xi32, #tpu.memory_space<hbm>>
      tpu.enqueue_dma source(%dma_start3A_17 : memref<10240xi32, #tpu.memory_space<hbm>>) target(%arg4 : memref<10240xi32, #tpu.memory_space<vmem>>) target_semaphore(%run_scoped3A : memref<!tpu.dma_semaphore, #tpu.memory_space<semaphore_mem>>)
      %dma_wait3A = arith.constant 0 : i32
      %dma_wait3A_18 = tpu.memref_slice %arg2[%add3A, %dma_wait3A] : memref<32x10240xi32, #tpu.memory_space<hbm>> -> memref<1x10240xi32, #tpu.memory_space<hbm>>
      %dma_wait3A_19 = tpu.memref_squeeze %dma_wait3A_18 : memref<1x10240xi32, #tpu.memory_space<hbm>> -> memref<10240xi32, #tpu.memory_space<hbm>>
      %dma_wait3A_20 = arith.constant 0 : i32
      %dma_wait3A_21 = tpu.memref_slice %arg2[%add3A, %dma_wait3A_20] : memref<32x10240xi32, #tpu.memory_space<hbm>> -> memref<1x10240xi32, #tpu.memory_space<hbm>>
      %dma_wait3A_22 = tpu.memref_squeeze %dma_wait3A_21 : memref<1x10240xi32, #tpu.memory_space<hbm>> -> memref<10240xi32, #tpu.memory_space<hbm>>
      tpu.wait_dma2 semaphore(%run_scoped3A : memref<!tpu.dma_semaphore, #tpu.memory_space<semaphore_mem>>) src(%dma_wait3A_22 : memref<10240xi32, #tpu.memory_space<hbm>>) dst(%arg4 : memref<10240xi32, #tpu.memory_space<vmem>>)
      tpu.yield
    }) : () -> ()
    %broadcast_in_dim3A = arith.constant 0.000000e+00 : f32
    %broadcast_in_dim3A_1 = vector.broadcast %broadcast_in_dim3A : f32 to vector<16xf32>
    %scan3A = arith.constant 0 : i32
    %scan3A_2 = arith.constant 640 : i32
    %scan3A_3 = arith.addi %scan3A, %scan3A_2 : i32
    %scan3A_4 = arith.constant 1 : i32
    scf.for %scan3A_13 = %scan3A to %scan3A_3 step %scan3A_4  : i32 {
      %mul3A_14 = arith.constant 1 : i32
      %mul3A_15 = arith.muli %scan3A_13, %mul3A_14 : i32
      %add3A_16 = arith.constant 0 : i32
      %add3A_17 = arith.addi %add3A_16, %mul3A_15 : i32
      %mul3A_18 = arith.constant 16 : i32
      %mul3A_19 = arith.muli %add3A_17, %mul3A_18 : i32
      %swap3A = arith.index_cast %mul3A_19 : i32 to index
      %swap3A_20 = tpu.vector_load %arg5[%swap3A] {strides = array<i32>} : memref<10240xf32, #tpu.memory_space<vmem>>, vector<16xf32>,
      tpu.vector_store %arg5[%swap3A], %broadcast_in_dim3A_1 {strides = array<i32>} : memref<10240xf32, #tpu.memory_space<vmem>>, vector<16xf32>,
    }
    %scan3A_5 = arith.constant 640 : i32
    %broadcast_in_dim3A_6 = arith.constant 1.000000e+00 : f32
    %broadcast_in_dim3A_7 = vector.broadcast %broadcast_in_dim3A_6 : f32 to vector<16xf32>
    %scan3A_8 = arith.constant 0 : i32
    %scan3A_9 = arith.constant 640 : i32
    %scan3A_10 = arith.addi %scan3A_8, %scan3A_9 : i32
    %scan3A_11 = arith.constant 1 : i32
    scf.for %scan3A_13 = %scan3A_8 to %scan3A_10 step %scan3A_11  : i32 {
      %mul3A_14 = arith.constant 1 : i32
      %mul3A_15 = arith.muli %scan3A_13, %mul3A_14 : i32
      %add3A_16 = arith.constant 0 : i32
      %add3A_17 = arith.addi %add3A_16, %mul3A_15 : i32
      %mul3A_18 = arith.constant 16 : i32
      %mul3A_19 = arith.muli %add3A_17, %mul3A_18 : i32
      %get3A = arith.index_cast %mul3A_19 : i32 to index
      %get3A_20 = tpu.vector_load %arg4[%get3A] {strides = array<i32>} : memref<10240xi32, #tpu.memory_space<vmem>>, vector<16xi32>,
      tpu.vector_store_idx %arg5[%get3A_20], %broadcast_in_dim3A_7 {add = true} : memref<10240xf32, #tpu.memory_space<vmem>>[vector<16xi32>], vector<16xf32>,
    }
    %scan3A_12 = arith.constant 640 : i32
    "tpu.region"() ({
      %run_scoped3A = tpu.sem_alloc : memref<!tpu.dma_semaphore, #tpu.memory_space<semaphore_mem>>
      %dma_start3A = arith.constant 0 : i32
      %dma_start3A_13 = tpu.memref_slice %arg3[%add3A, %dma_start3A] : memref<32x10240xf32, #tpu.memory_space<hbm>> -> memref<1x10240xf32, #tpu.memory_space<hbm>>
      %dma_start3A_14 = tpu.memref_squeeze %dma_start3A_13 : memref<1x10240xf32, #tpu.memory_space<hbm>> -> memref<10240xf32, #tpu.memory_space<hbm>>
      %dma_start3A_15 = arith.constant 0 : i32
      %dma_start3A_16 = tpu.memref_slice %arg3[%add3A, %dma_start3A_15] : memref<32x10240xf32, #tpu.memory_space<hbm>> -> memref<1x10240xf32, #tpu.memory_space<hbm>>
      %dma_start3A_17 = tpu.memref_squeeze %dma_start3A_16 : memref<1x10240xf32, #tpu.memory_space<hbm>> -> memref<10240xf32, #tpu.memory_space<hbm>>
      tpu.enqueue_dma source(%arg5 : memref<10240xf32, #tpu.memory_space<vmem>>) target(%dma_start3A_17 : memref<10240xf32, #tpu.memory_space<hbm>>) target_semaphore(%run_scoped3A : memref<!tpu.dma_semaphore, #tpu.memory_space<semaphore_mem>>)
      %dma_wait3A = arith.constant 0 : i32
      %dma_wait3A_18 = tpu.memref_slice %arg3[%add3A, %dma_wait3A] : memref<32x10240xf32, #tpu.memory_space<hbm>> -> memref<1x10240xf32, #tpu.memory_space<hbm>>
      %dma_wait3A_19 = tpu.memref_squeeze %dma_wait3A_18 : memref<1x10240xf32, #tpu.memory_space<hbm>> -> memref<10240xf32, #tpu.memory_space<hbm>>
      %dma_wait3A_20 = arith.constant 0 : i32
      %dma_wait3A_21 = tpu.memref_slice %arg3[%add3A, %dma_wait3A_20] : memref<32x10240xf32, #tpu.memory_space<hbm>> -> memref<1x10240xf32, #tpu.memory_space<hbm>>
      %dma_wait3A_22 = tpu.memref_squeeze %dma_wait3A_21 : memref<1x10240xf32, #tpu.memory_space<hbm>> -> memref<10240xf32, #tpu.memory_space<hbm>>
      tpu.wait_dma2 semaphore(%run_scoped3A : memref<!tpu.dma_semaphore, #tpu.memory_space<semaphore_mem>>) src(%arg5 : memref<10240xf32, #tpu.memory_space<vmem>>) dst(%dma_wait3A_22 : memref<10240xf32, #tpu.memory_space<hbm>>)
      tpu.yield
    }) : () -> ()
    return
  }
}

#map = affine_map<(d0, d1) -> (0, 0)>
#map1 = affine_map<(d0, d1) -> (0, 0, 0)>
module attributes {stable_mosaic.version = 14 : i64} {
  func.func @k(%arg0: i32, %arg1: i32, %arg2: memref<10240x128xf32, #tpu.memory_space<hbm>>, %arg3: memref<32x160x64xi32, #tpu.memory_space<hbm>>, %arg4: memref<32x80x128xi32, #tpu.memory_space<hbm>>, %arg5: memref<10240x128xf32, #tpu.memory_space<hbm>>, %arg6: memref<2x10240x128xf32, #tpu.memory_space<hbm>>, %arg7: memref<80x64xi32, #tpu.memory_space<vmem>>, %arg8: memref<40x128xi32, #tpu.memory_space<vmem>>, %arg9: memref<128x128xf32, #tpu.memory_space<vmem>>, %arg10: memref<128x128xf32, #tpu.memory_space<vmem>>, %arg11: memref<10240x128xf32, #tpu.memory_space<vmem_shared>>, %arg12: memref<!tpu.dma_semaphore, #tpu.memory_space<semaphore_mem>>, %arg13: memref<!tpu.dma_semaphore, #tpu.memory_space<semaphore_mem>>) attributes {dimension_semantics = [#tpu.dimension_semantics<core_parallel>, #tpu.dimension_semantics<subcore_parallel>], iteration_bounds = array<i64: 2, 16>, scalar_prefetch = 0 : i64, scratch_operands = 7 : i64, tpu.core_type = #tpu.core_type<sc_vector_subcore>, window_params = [{transform_indices = #map}, {transform_indices = #map1}, {transform_indices = #map1}, {transform_indices = #map}, {transform_indices = #map1}]} {
    %mul3A = arith.constant 2 : i32
    %mul3A_0 = arith.muli %arg1, %mul3A : i32
    %add3A = arith.addi %mul3A_0, %arg0 : i32
    %mul3A_1 = arith.constant 640 : i32
    %mul3A_2 = arith.muli %arg1, %mul3A_1 : i32
    %mul3A_3 = arith.constant 640 : i32
    %mul3A_4 = arith.muli %arg1, %mul3A_3 : i32
    "tpu.region"() ({
      %run_scoped3A_180 = tpu.sem_alloc : memref<!tpu.dma_semaphore, #tpu.memory_space<semaphore_mem>>
      %dma_start3A_181 = arith.constant 0 : i32
      %dma_start3A_182 = tpu.memref_slice %arg11[%mul3A_4, %dma_start3A_181] : memref<10240x128xf32, #tpu.memory_space<vmem_shared>> -> memref<640x128xf32, #tpu.memory_space<vmem_shared>>
      %dma_start3A_183 = arith.constant 0 : i32
      %dma_start3A_184 = tpu.memref_slice %arg5[%mul3A_2, %dma_start3A_183] : memref<10240x128xf32, #tpu.memory_space<hbm>> -> memref<640x128xf32, #tpu.memory_space<hbm>>
      tpu.enqueue_dma source(%dma_start3A_184 : memref<640x128xf32, #tpu.memory_space<hbm>>) target(%dma_start3A_182 : memref<640x128xf32, #tpu.memory_space<vmem_shared>>) target_semaphore(%run_scoped3A_180 : memref<!tpu.dma_semaphore, #tpu.memory_space<semaphore_mem>>)
      %dma_wait3A_185 = arith.constant 0 : i32
      %dma_wait3A_186 = tpu.memref_slice %arg11[%mul3A_4, %dma_wait3A_185] : memref<10240x128xf32, #tpu.memory_space<vmem_shared>> -> memref<640x128xf32, #tpu.memory_space<vmem_shared>>
      %dma_wait3A_187 = arith.constant 0 : i32
      %dma_wait3A_188 = tpu.memref_slice %arg5[%mul3A_2, %dma_wait3A_187] : memref<10240x128xf32, #tpu.memory_space<hbm>> -> memref<640x128xf32, #tpu.memory_space<hbm>>
      tpu.wait_dma2 semaphore(%run_scoped3A_180 : memref<!tpu.dma_semaphore, #tpu.memory_space<semaphore_mem>>) src(%dma_wait3A_188 : memref<640x128xf32, #tpu.memory_space<hbm>>) dst(%dma_wait3A_186 : memref<640x128xf32, #tpu.memory_space<vmem_shared>>)
      tpu.yield
    }) : () -> ()
    %barrier3A = arith.constant 0 : index
    tpu.barrier barrier_id(%barrier3A)
    "tpu.region"() ({
      %run_scoped3A_180 = tpu.sem_alloc : memref<!tpu.dma_semaphore, #tpu.memory_space<semaphore_mem>>
      %dma_start3A_181 = arith.constant 0 : i32
      %dma_start3A_182 = arith.constant 0 : i32
      %dma_start3A_183 = tpu.memref_slice %arg3[%add3A, %dma_start3A_181, %dma_start3A_182] : memref<32x160x64xi32, #tpu.memory_space<hbm>> -> memref<1x160x64xi32, #tpu.memory_space<hbm>>
      %dma_start3A_184 = tpu.memref_squeeze %dma_start3A_183 : memref<1x160x64xi32, #tpu.memory_space<hbm>> -> memref<160x64xi32, #tpu.memory_space<hbm>>
      %dma_start3A_185 = arith.constant 0 : i32
      %dma_start3A_186 = arith.constant 0 : i32
      %dma_start3A_187 = tpu.memref_slice %dma_start3A_184[%dma_start3A_185, %dma_start3A_186] : memref<160x64xi32, #tpu.memory_space<hbm>> -> memref<80x64xi32, #tpu.memory_space<hbm>>
      %dma_start3A_188 = arith.constant 0 : i32
      %dma_start3A_189 = arith.constant 0 : i32
      %dma_start3A_190 = tpu.memref_slice %arg3[%add3A, %dma_start3A_188, %dma_start3A_189] : memref<32x160x64xi32, #tpu.memory_space<hbm>> -> memref<1x160x64xi32, #tpu.memory_space<hbm>>
      %dma_start3A_191 = tpu.memref_squeeze %dma_start3A_190 : memref<1x160x64xi32, #tpu.memory_space<hbm>> -> memref<160x64xi32, #tpu.memory_space<hbm>>
      %dma_start3A_192 = arith.constant 0 : i32
      %dma_start3A_193 = arith.constant 0 : i32
      %dma_start3A_194 = tpu.memref_slice %dma_start3A_191[%dma_start3A_192, %dma_start3A_193] : memref<160x64xi32, #tpu.memory_space<hbm>> -> memref<80x64xi32, #tpu.memory_space<hbm>>
      tpu.enqueue_dma source(%dma_start3A_194 : memref<80x64xi32, #tpu.memory_space<hbm>>) target(%arg7 : memref<80x64xi32, #tpu.memory_space<vmem>>) target_semaphore(%run_scoped3A_180 : memref<!tpu.dma_semaphore, #tpu.memory_space<semaphore_mem>>)
      %dma_wait3A_195 = arith.constant 0 : i32
      %dma_wait3A_196 = arith.constant 0 : i32
      %dma_wait3A_197 = tpu.memref_slice %arg3[%add3A, %dma_wait3A_195, %dma_wait3A_196] : memref<32x160x64xi32, #tpu.memory_space<hbm>> -> memref<1x160x64xi32, #tpu.memory_space<hbm>>
      %dma_wait3A_198 = tpu.memref_squeeze %dma_wait3A_197 : memref<1x160x64xi32, #tpu.memory_space<hbm>> -> memref<160x64xi32, #tpu.memory_space<hbm>>
      %dma_wait3A_199 = arith.constant 0 : i32
      %dma_wait3A_200 = arith.constant 0 : i32
      %dma_wait3A_201 = tpu.memref_slice %dma_wait3A_198[%dma_wait3A_199, %dma_wait3A_200] : memref<160x64xi32, #tpu.memory_space<hbm>> -> memref<80x64xi32, #tpu.memory_space<hbm>>
      %dma_wait3A_202 = arith.constant 0 : i32
      %dma_wait3A_203 = arith.constant 0 : i32
      %dma_wait3A_204 = tpu.memref_slice %arg3[%add3A, %dma_wait3A_202, %dma_wait3A_203] : memref<32x160x64xi32, #tpu.memory_space<hbm>> -> memref<1x160x64xi32, #tpu.memory_space<hbm>>
      %dma_wait3A_205 = tpu.memref_squeeze %dma_wait3A_204 : memref<1x160x64xi32, #tpu.memory_space<hbm>> -> memref<160x64xi32, #tpu.memory_space<hbm>>
      %dma_wait3A_206 = arith.constant 0 : i32
      %dma_wait3A_207 = arith.constant 0 : i32
      %dma_wait3A_208 = tpu.memref_slice %dma_wait3A_205[%dma_wait3A_206, %dma_wait3A_207] : memref<160x64xi32, #tpu.memory_space<hbm>> -> memref<80x64xi32, #tpu.memory_space<hbm>>
      tpu.wait_dma2 semaphore(%run_scoped3A_180 : memref<!tpu.dma_semaphore, #tpu.memory_space<semaphore_mem>>) src(%dma_wait3A_208 : memref<80x64xi32, #tpu.memory_space<hbm>>) dst(%arg7 : memref<80x64xi32, #tpu.memory_space<vmem>>)
      tpu.yield
    }) : () -> ()
    "tpu.region"() ({
      %run_scoped3A_180 = tpu.sem_alloc : memref<!tpu.dma_semaphore, #tpu.memory_space<semaphore_mem>>
      %dma_start3A_181 = arith.constant 0 : i32
      %dma_start3A_182 = arith.constant 0 : i32
      %dma_start3A_183 = tpu.memref_slice %arg4[%add3A, %dma_start3A_181, %dma_start3A_182] : memref<32x80x128xi32, #tpu.memory_space<hbm>> -> memref<1x80x128xi32, #tpu.memory_space<hbm>>
      %dma_start3A_184 = tpu.memref_squeeze %dma_start3A_183 : memref<1x80x128xi32, #tpu.memory_space<hbm>> -> memref<80x128xi32, #tpu.memory_space<hbm>>
      %dma_start3A_185 = arith.constant 0 : i32
      %dma_start3A_186 = arith.constant 0 : i32
      %dma_start3A_187 = tpu.memref_slice %dma_start3A_184[%dma_start3A_185, %dma_start3A_186] : memref<80x128xi32, #tpu.memory_space<hbm>> -> memref<40x128xi32, #tpu.memory_space<hbm>>
      %dma_start3A_188 = arith.constant 0 : i32
      %dma_start3A_189 = arith.constant 0 : i32
      %dma_start3A_190 = tpu.memref_slice %arg4[%add3A, %dma_start3A_188, %dma_start3A_189] : memref<32x80x128xi32, #tpu.memory_space<hbm>> -> memref<1x80x128xi32, #tpu.memory_space<hbm>>
      %dma_start3A_191 = tpu.memref_squeeze %dma_start3A_190 : memref<1x80x128xi32, #tpu.memory_space<hbm>> -> memref<80x128xi32, #tpu.memory_space<hbm>>
      %dma_start3A_192 = arith.constant 0 : i32
      %dma_start3A_193 = arith.constant 0 : i32
      %dma_start3A_194 = tpu.memref_slice %dma_start3A_191[%dma_start3A_192, %dma_start3A_193] : memref<80x128xi32, #tpu.memory_space<hbm>> -> memref<40x128xi32, #tpu.memory_space<hbm>>
      tpu.enqueue_dma source(%dma_start3A_194 : memref<40x128xi32, #tpu.memory_space<hbm>>) target(%arg8 : memref<40x128xi32, #tpu.memory_space<vmem>>) target_semaphore(%run_scoped3A_180 : memref<!tpu.dma_semaphore, #tpu.memory_space<semaphore_mem>>)
      %dma_wait3A_195 = arith.constant 0 : i32
      %dma_wait3A_196 = arith.constant 0 : i32
      %dma_wait3A_197 = tpu.memref_slice %arg4[%add3A, %dma_wait3A_195, %dma_wait3A_196] : memref<32x80x128xi32, #tpu.memory_space<hbm>> -> memref<1x80x128xi32, #tpu.memory_space<hbm>>
      %dma_wait3A_198 = tpu.memref_squeeze %dma_wait3A_197 : memref<1x80x128xi32, #tpu.memory_space<hbm>> -> memref<80x128xi32, #tpu.memory_space<hbm>>
      %dma_wait3A_199 = arith.constant 0 : i32
      %dma_wait3A_200 = arith.constant 0 : i32
      %dma_wait3A_201 = tpu.memref_slice %dma_wait3A_198[%dma_wait3A_199, %dma_wait3A_200] : memref<80x128xi32, #tpu.memory_space<hbm>> -> memref<40x128xi32, #tpu.memory_space<hbm>>
      %dma_wait3A_202 = arith.constant 0 : i32
      %dma_wait3A_203 = arith.constant 0 : i32
      %dma_wait3A_204 = tpu.memref_slice %arg4[%add3A, %dma_wait3A_202, %dma_wait3A_203] : memref<32x80x128xi32, #tpu.memory_space<hbm>> -> memref<1x80x128xi32, #tpu.memory_space<hbm>>
      %dma_wait3A_205 = tpu.memref_squeeze %dma_wait3A_204 : memref<1x80x128xi32, #tpu.memory_space<hbm>> -> memref<80x128xi32, #tpu.memory_space<hbm>>
      %dma_wait3A_206 = arith.constant 0 : i32
      %dma_wait3A_207 = arith.constant 0 : i32
      %dma_wait3A_208 = tpu.memref_slice %dma_wait3A_205[%dma_wait3A_206, %dma_wait3A_207] : memref<80x128xi32, #tpu.memory_space<hbm>> -> memref<40x128xi32, #tpu.memory_space<hbm>>
      tpu.wait_dma2 semaphore(%run_scoped3A_180 : memref<!tpu.dma_semaphore, #tpu.memory_space<semaphore_mem>>) src(%dma_wait3A_208 : memref<40x128xi32, #tpu.memory_space<hbm>>) dst(%arg8 : memref<40x128xi32, #tpu.memory_space<vmem>>)
      tpu.yield
    }) : () -> ()
    %dma_start3A = arith.constant 0 : i32
    %dma_start3A_5 = arith.constant 0 : i32
    %dma_start3A_6 = arith.constant 0 : i32
    %dma_start3A_7 = tpu.memref_slice %arg9[%dma_start3A_5, %dma_start3A_6] : memref<128x128xf32, #tpu.memory_space<vmem>> -> memref<64x128xf32, #tpu.memory_space<vmem>>
    %dma_start3A_8 = arith.constant 0 : i32
    %dma_start3A_9 = tpu.memref_slice %arg7[%dma_start3A, %dma_start3A_8] : memref<80x64xi32, #tpu.memory_space<vmem>> -> memref<1x64xi32, #tpu.memory_space<vmem>>
    %dma_start3A_10 = tpu.memref_squeeze %dma_start3A_9 : memref<1x64xi32, #tpu.memory_space<vmem>> -> memref<64xi32, #tpu.memory_space<vmem>>
    %dma_start3A_11 = arith.constant 0 : i32
    %dma_start3A_12 = arith.constant 0 : i32
    %dma_start3A_13 = tpu.memref_slice %arg2[%dma_start3A_11, %dma_start3A_12] : memref<10240x128xf32, #tpu.memory_space<hbm>> -> memref<10240x128xf32, #tpu.memory_space<hbm>>
    tpu.enqueue_indirect_dma source(%dma_start3A_13 : memref<10240x128xf32, #tpu.memory_space<hbm>>) target(%dma_start3A_7 : memref<64x128xf32, #tpu.memory_space<vmem>>) offsets(%dma_start3A_10 : memref<64xi32, #tpu.memory_space<vmem>>) semaphore(%arg12 : memref<!tpu.dma_semaphore, #tpu.memory_space<semaphore_mem>>)
    %dma_start3A_14 = arith.constant 1 : i32
    %dma_start3A_15 = arith.constant 64 : i32
    %dma_start3A_16 = arith.constant 0 : i32
    %dma_start3A_17 = tpu.memref_slice %arg9[%dma_start3A_15, %dma_start3A_16] : memref<128x128xf32, #tpu.memory_space<vmem>> -> memref<64x128xf32, #tpu.memory_space<vmem>>
    %dma_start3A_18 = arith.constant 0 : i32
    %dma_start3A_19 = tpu.memref_slice %arg7[%dma_start3A_14, %dma_start3A_18] : memref<80x64xi32, #tpu.memory_space<vmem>> -> memref<1x64xi32, #tpu.memory_space<vmem>>
    %dma_start3A_20 = tpu.memref_squeeze %dma_start3A_19 : memref<1x64xi32, #tpu.memory_space<vmem>> -> memref<64xi32, #tpu.memory_space<vmem>>
    %dma_start3A_21 = arith.constant 0 : i32
    %dma_start3A_22 = arith.constant 0 : i32
    %dma_start3A_23 = tpu.memref_slice %arg2[%dma_start3A_21, %dma_start3A_22] : memref<10240x128xf32, #tpu.memory_space<hbm>> -> memref<10240x128xf32, #tpu.memory_space<hbm>>
    tpu.enqueue_indirect_dma source(%dma_start3A_23 : memref<10240x128xf32, #tpu.memory_space<hbm>>) target(%dma_start3A_17 : memref<64x128xf32, #tpu.memory_space<vmem>>) offsets(%dma_start3A_20 : memref<64xi32, #tpu.memory_space<vmem>>) semaphore(%arg12 : memref<!tpu.dma_semaphore, #tpu.memory_space<semaphore_mem>>)
    %dma_start3A_24 = arith.constant 2 : i32
    %dma_start3A_25 = arith.constant 0 : i32
    %dma_start3A_26 = arith.constant 0 : i32
    %dma_start3A_27 = tpu.memref_slice %arg10[%dma_start3A_25, %dma_start3A_26] : memref<128x128xf32, #tpu.memory_space<vmem>> -> memref<64x128xf32, #tpu.memory_space<vmem>>
    %dma_start3A_28 = arith.constant 0 : i32
    %dma_start3A_29 = tpu.memref_slice %arg7[%dma_start3A_24, %dma_start3A_28] : memref<80x64xi32, #tpu.memory_space<vmem>> -> memref<1x64xi32, #tpu.memory_space<vmem>>
    %dma_start3A_30 = tpu.memref_squeeze %dma_start3A_29 : memref<1x64xi32, #tpu.memory_space<vmem>> -> memref<64xi32, #tpu.memory_space<vmem>>
    %dma_start3A_31 = arith.constant 0 : i32
    %dma_start3A_32 = arith.constant 0 : i32
    %dma_start3A_33 = tpu.memref_slice %arg2[%dma_start3A_31, %dma_start3A_32] : memref<10240x128xf32, #tpu.memory_space<hbm>> -> memref<10240x128xf32, #tpu.memory_space<hbm>>
    tpu.enqueue_indirect_dma source(%dma_start3A_33 : memref<10240x128xf32, #tpu.memory_space<hbm>>) target(%dma_start3A_27 : memref<64x128xf32, #tpu.memory_space<vmem>>) offsets(%dma_start3A_30 : memref<64xi32, #tpu.memory_space<vmem>>) semaphore(%arg13 : memref<!tpu.dma_semaphore, #tpu.memory_space<semaphore_mem>>)
    %dma_start3A_34 = arith.constant 3 : i32
    %dma_start3A_35 = arith.constant 64 : i32
    %dma_start3A_36 = arith.constant 0 : i32
    %dma_start3A_37 = tpu.memref_slice %arg10[%dma_start3A_35, %dma_start3A_36] : memref<128x128xf32, #tpu.memory_space<vmem>> -> memref<64x128xf32, #tpu.memory_space<vmem>>
    %dma_start3A_38 = arith.constant 0 : i32
    %dma_start3A_39 = tpu.memref_slice %arg7[%dma_start3A_34, %dma_start3A_38] : memref<80x64xi32, #tpu.memory_space<vmem>> -> memref<1x64xi32, #tpu.memory_space<vmem>>
    %dma_start3A_40 = tpu.memref_squeeze %dma_start3A_39 : memref<1x64xi32, #tpu.memory_space<vmem>> -> memref<64xi32, #tpu.memory_space<vmem>>
    %dma_start3A_41 = arith.constant 0 : i32
    %dma_start3A_42 = arith.constant 0 : i32
    %dma_start3A_43 = tpu.memref_slice %arg2[%dma_start3A_41, %dma_start3A_42] : memref<10240x128xf32, #tpu.memory_space<hbm>> -> memref<10240x128xf32, #tpu.memory_space<hbm>>
    tpu.enqueue_indirect_dma source(%dma_start3A_43 : memref<10240x128xf32, #tpu.memory_space<hbm>>) target(%dma_start3A_37 : memref<64x128xf32, #tpu.memory_space<vmem>>) offsets(%dma_start3A_40 : memref<64xi32, #tpu.memory_space<vmem>>) semaphore(%arg13 : memref<!tpu.dma_semaphore, #tpu.memory_space<semaphore_mem>>)
    %scan3A = arith.constant 0 : i32
    %scan3A_44 = arith.constant 19 : i32
    %scan3A_45 = arith.addi %scan3A, %scan3A_44 : i32
    %scan3A_46 = arith.constant 1 : i32
    scf.for %scan3A_180 = %scan3A to %scan3A_45 step %scan3A_46  : i32 {
      %mul3A_181 = arith.constant 1 : i32
      %mul3A_182 = arith.muli %scan3A_180, %mul3A_181 : i32
      %add3A_183 = arith.constant 0 : i32
      %add3A_184 = arith.addi %add3A_183, %mul3A_182 : i32
      %mul3A_185 = arith.constant 2 : i32
      %mul3A_186 = arith.muli %mul3A_185, %add3A_184 : i32
      %mul3A_187 = arith.constant 2 : i32
      %mul3A_188 = arith.muli %mul3A_187, %mul3A_186 : i32
      %mul3A_189 = arith.constant 2 : i32
      %mul3A_190 = arith.muli %mul3A_189, %mul3A_186 : i32
      %add3A_191 = arith.constant 1 : i32
      %add3A_192 = arith.addi %mul3A_190, %add3A_191 : i32
      %dma_wait3A_193 = arith.constant 0 : i32
      %dma_wait3A_194 = arith.constant 0 : i32
      %dma_wait3A_195 = tpu.memref_slice %arg9[%dma_wait3A_193, %dma_wait3A_194] : memref<128x128xf32, #tpu.memory_space<vmem>> -> memref<64x128xf32, #tpu.memory_space<vmem>>
      %dma_wait3A_196 = arith.constant 0 : i32
      %dma_wait3A_197 = tpu.memref_slice %arg7[%mul3A_188, %dma_wait3A_196] : memref<80x64xi32, #tpu.memory_space<vmem>> -> memref<1x64xi32, #tpu.memory_space<vmem>>
      %dma_wait3A_198 = tpu.memref_squeeze %dma_wait3A_197 : memref<1x64xi32, #tpu.memory_space<vmem>> -> memref<64xi32, #tpu.memory_space<vmem>>
      %dma_wait3A_199 = arith.constant 0 : i32
      %dma_wait3A_200 = arith.constant 0 : i32
      %dma_wait3A_201 = tpu.memref_slice %arg2[%dma_wait3A_199, %dma_wait3A_200] : memref<10240x128xf32, #tpu.memory_space<hbm>> -> memref<10240x128xf32, #tpu.memory_space<hbm>>
      tpu.wait_indirect_dma semaphore(%arg12 : memref<!tpu.dma_semaphore, #tpu.memory_space<semaphore_mem>>) src(%dma_wait3A_201 : memref<10240x128xf32, #tpu.memory_space<hbm>>) dst(%dma_wait3A_195 : memref<64x128xf32, #tpu.memory_space<vmem>>)
      %dma_wait3A_202 = arith.constant 64 : i32
      %dma_wait3A_203 = arith.constant 0 : i32
      %dma_wait3A_204 = tpu.memref_slice %arg9[%dma_wait3A_202, %dma_wait3A_203] : memref<128x128xf32, #tpu.memory_space<vmem>> -> memref<64x128xf32, #tpu.memory_space<vmem>>
      %dma_wait3A_205 = arith.constant 0 : i32
      %dma_wait3A_206 = tpu.memref_slice %arg7[%add3A_192, %dma_wait3A_205] : memref<80x64xi32, #tpu.memory_space<vmem>> -> memref<1x64xi32, #tpu.memory_space<vmem>>
      %dma_wait3A_207 = tpu.memref_squeeze %dma_wait3A_206 : memref<1x64xi32, #tpu.memory_space<vmem>> -> memref<64xi32, #tpu.memory_space<vmem>>
      %dma_wait3A_208 = arith.constant 0 : i32
      %dma_wait3A_209 = arith.constant 0 : i32
      %dma_wait3A_210 = tpu.memref_slice %arg2[%dma_wait3A_208, %dma_wait3A_209] : memref<10240x128xf32, #tpu.memory_space<hbm>> -> memref<10240x128xf32, #tpu.memory_space<hbm>>
      tpu.wait_indirect_dma semaphore(%arg12 : memref<!tpu.dma_semaphore, #tpu.memory_space<semaphore_mem>>) src(%dma_wait3A_210 : memref<10240x128xf32, #tpu.memory_space<hbm>>) dst(%dma_wait3A_204 : memref<64x128xf32, #tpu.memory_space<vmem>>)
      "tpu.region"() ({
        %run_scoped3A_291 = tpu.sem_alloc : memref<!tpu.dma_semaphore, #tpu.memory_space<semaphore_mem>>
        %dma_start3A_292 = arith.constant 0 : i32
        %dma_start3A_293 = tpu.memref_slice %arg8[%mul3A_186, %dma_start3A_292] : memref<40x128xi32, #tpu.memory_space<vmem>> -> memref<1x128xi32, #tpu.memory_space<vmem>>
        %dma_start3A_294 = tpu.memref_squeeze %dma_start3A_293 : memref<1x128xi32, #tpu.memory_space<vmem>> -> memref<128xi32, #tpu.memory_space<vmem>>
        %dma_start3A_295 = arith.constant 0 : i32
        %dma_start3A_296 = arith.constant 0 : i32
        %dma_start3A_297 = tpu.memref_slice %arg11[%dma_start3A_295, %dma_start3A_296] : memref<10240x128xf32, #tpu.memory_space<vmem_shared>> -> memref<10240x128xf32, #tpu.memory_space<vmem_shared>>
        tpu.enqueue_indirect_dma source(%arg9 : memref<128x128xf32, #tpu.memory_space<vmem>>) target(%dma_start3A_297 : memref<10240x128xf32, #tpu.memory_space<vmem_shared>>) offsets(%dma_start3A_294 : memref<128xi32, #tpu.memory_space<vmem>>) semaphore(%run_scoped3A_291 : memref<!tpu.dma_semaphore, #tpu.memory_space<semaphore_mem>>) {add = true}
        %dma_wait3A_298 = arith.constant 0 : i32
        %dma_wait3A_299 = tpu.memref_slice %arg8[%mul3A_186, %dma_wait3A_298] : memref<40x128xi32, #tpu.memory_space<vmem>> -> memref<1x128xi32, #tpu.memory_space<vmem>>
        %dma_wait3A_300 = tpu.memref_squeeze %dma_wait3A_299 : memref<1x128xi32, #tpu.memory_space<vmem>> -> memref<128xi32, #tpu.memory_space<vmem>>
        %dma_wait3A_301 = arith.constant 0 : i32
        %dma_wait3A_302 = arith.constant 0 : i32
        %dma_wait3A_303 = tpu.memref_slice %arg11[%dma_wait3A_301, %dma_wait3A_302] : memref<10240x128xf32, #tpu.memory_space<vmem_shared>> -> memref<10240x128xf32, #tpu.memory_space<vmem_shared>>
        tpu.wait_indirect_dma semaphore(%run_scoped3A_291 : memref<!tpu.dma_semaphore, #tpu.memory_space<semaphore_mem>>) src(%arg9 : memref<128x128xf32, #tpu.memory_space<vmem>>) dst(%dma_wait3A_303 : memref<10240x128xf32, #tpu.memory_space<vmem_shared>>)
        tpu.yield
      }) : () -> ()
      %add3A_211 = arith.constant 2 : i32
      %add3A_212 = arith.addi %mul3A_186, %add3A_211 : i32
      %mul3A_213 = arith.constant 2 : i32
      %mul3A_214 = arith.muli %mul3A_213, %add3A_212 : i32
      %mul3A_215 = arith.constant 2 : i32
      %mul3A_216 = arith.muli %mul3A_215, %add3A_212 : i32
      %add3A_217 = arith.constant 1 : i32
      %add3A_218 = arith.addi %mul3A_216, %add3A_217 : i32
      %dma_start3A_219 = arith.constant 0 : i32
      %dma_start3A_220 = arith.constant 0 : i32
      %dma_start3A_221 = tpu.memref_slice %arg9[%dma_start3A_219, %dma_start3A_220] : memref<128x128xf32, #tpu.memory_space<vmem>> -> memref<64x128xf32, #tpu.memory_space<vmem>>
      %dma_start3A_222 = arith.constant 0 : i32
      %dma_start3A_223 = tpu.memref_slice %arg7[%mul3A_214, %dma_start3A_222] : memref<80x64xi32, #tpu.memory_space<vmem>> -> memref<1x64xi32, #tpu.memory_space<vmem>>
      %dma_start3A_224 = tpu.memref_squeeze %dma_start3A_223 : memref<1x64xi32, #tpu.memory_space<vmem>> -> memref<64xi32, #tpu.memory_space<vmem>>
      %dma_start3A_225 = arith.constant 0 : i32
      %dma_start3A_226 = arith.constant 0 : i32
      %dma_start3A_227 = tpu.memref_slice %arg2[%dma_start3A_225, %dma_start3A_226] : memref<10240x128xf32, #tpu.memory_space<hbm>> -> memref<10240x128xf32, #tpu.memory_space<hbm>>
      tpu.enqueue_indirect_dma source(%dma_start3A_227 : memref<10240x128xf32, #tpu.memory_space<hbm>>) target(%dma_start3A_221 : memref<64x128xf32, #tpu.memory_space<vmem>>) offsets(%dma_start3A_224 : memref<64xi32, #tpu.memory_space<vmem>>) semaphore(%arg12 : memref<!tpu.dma_semaphore, #tpu.memory_space<semaphore_mem>>)
      %dma_start3A_228 = arith.constant 64 : i32
      %dma_start3A_229 = arith.constant 0 : i32
      %dma_start3A_230 = tpu.memref_slice %arg9[%dma_start3A_228, %dma_start3A_229] : memref<128x128xf32, #tpu.memory_space<vmem>> -> memref<64x128xf32, #tpu.memory_space<vmem>>
      %dma_start3A_231 = arith.constant 0 : i32
      %dma_start3A_232 = tpu.memref_slice %arg7[%add3A_218, %dma_start3A_231] : memref<80x64xi32, #tpu.memory_space<vmem>> -> memref<1x64xi32, #tpu.memory_space<vmem>>
      %dma_start3A_233 = tpu.memref_squeeze %dma_start3A_232 : memref<1x64xi32, #tpu.memory_space<vmem>> -> memref<64xi32, #tpu.memory_space<vmem>>
      %dma_start3A_234 = arith.constant 0 : i32
      %dma_start3A_235 = arith.constant 0 : i32
      %dma_start3A_236 = tpu.memref_slice %arg2[%dma_start3A_234, %dma_start3A_235] : memref<10240x128xf32, #tpu.memory_space<hbm>> -> memref<10240x128xf32, #tpu.memory_space<hbm>>
      tpu.enqueue_indirect_dma source(%dma_start3A_236 : memref<10240x128xf32, #tpu.memory_space<hbm>>) target(%dma_start3A_230 : memref<64x128xf32, #tpu.memory_space<vmem>>) offsets(%dma_start3A_233 : memref<64xi32, #tpu.memory_space<vmem>>) semaphore(%arg12 : memref<!tpu.dma_semaphore, #tpu.memory_space<semaphore_mem>>)
      %add3A_237 = arith.constant 1 : i32
      %add3A_238 = arith.addi %mul3A_186, %add3A_237 : i32
      %mul3A_239 = arith.constant 2 : i32
      %mul3A_240 = arith.muli %mul3A_239, %add3A_238 : i32
      %mul3A_241 = arith.constant 2 : i32
      %mul3A_242 = arith.muli %mul3A_241, %add3A_238 : i32
      %add3A_243 = arith.constant 1 : i32
      %add3A_244 = arith.addi %mul3A_242, %add3A_243 : i32
      %dma_wait3A_245 = arith.constant 0 : i32
      %dma_wait3A_246 = arith.constant 0 : i32
      %dma_wait3A_247 = tpu.memref_slice %arg10[%dma_wait3A_245, %dma_wait3A_246] : memref<128x128xf32, #tpu.memory_space<vmem>> -> memref<64x128xf32, #tpu.memory_space<vmem>>
      %dma_wait3A_248 = arith.constant 0 : i32
      %dma_wait3A_249 = tpu.memref_slice %arg7[%mul3A_240, %dma_wait3A_248] : memref<80x64xi32, #tpu.memory_space<vmem>> -> memref<1x64xi32, #tpu.memory_space<vmem>>
      %dma_wait3A_250 = tpu.memref_squeeze %dma_wait3A_249 : memref<1x64xi32, #tpu.memory_space<vmem>> -> memref<64xi32, #tpu.memory_space<vmem>>
      %dma_wait3A_251 = arith.constant 0 : i32
      %dma_wait3A_252 = arith.constant 0 : i32
      %dma_wait3A_253 = tpu.memref_slice %arg2[%dma_wait3A_251, %dma_wait3A_252] : memref<10240x128xf32, #tpu.memory_space<hbm>> -> memref<10240x128xf32, #tpu.memory_space<hbm>>
      tpu.wait_indirect_dma semaphore(%arg13 : memref<!tpu.dma_semaphore, #tpu.memory_space<semaphore_mem>>) src(%dma_wait3A_253 : memref<10240x128xf32, #tpu.memory_space<hbm>>) dst(%dma_wait3A_247 : memref<64x128xf32, #tpu.memory_space<vmem>>)
      %dma_wait3A_254 = arith.constant 64 : i32
      %dma_wait3A_255 = arith.constant 0 : i32
      %dma_wait3A_256 = tpu.memref_slice %arg10[%dma_wait3A_254, %dma_wait3A_255] : memref<128x128xf32, #tpu.memory_space<vmem>> -> memref<64x128xf32, #tpu.memory_space<vmem>>
      %dma_wait3A_257 = arith.constant 0 : i32
      %dma_wait3A_258 = tpu.memref_slice %arg7[%add3A_244, %dma_wait3A_257] : memref<80x64xi32, #tpu.memory_space<vmem>> -> memref<1x64xi32, #tpu.memory_space<vmem>>
      %dma_wait3A_259 = tpu.memref_squeeze %dma_wait3A_258 : memref<1x64xi32, #tpu.memory_space<vmem>> -> memref<64xi32, #tpu.memory_space<vmem>>
      %dma_wait3A_260 = arith.constant 0 : i32
      %dma_wait3A_261 = arith.constant 0 : i32
      %dma_wait3A_262 = tpu.memref_slice %arg2[%dma_wait3A_260, %dma_wait3A_261] : memref<10240x128xf32, #tpu.memory_space<hbm>> -> memref<10240x128xf32, #tpu.memory_space<hbm>>
      tpu.wait_indirect_dma semaphore(%arg13 : memref<!tpu.dma_semaphore, #tpu.memory_space<semaphore_mem>>) src(%dma_wait3A_262 : memref<10240x128xf32, #tpu.memory_space<hbm>>) dst(%dma_wait3A_256 : memref<64x128xf32, #tpu.memory_space<vmem>>)
      %add3A_263 = arith.constant 1 : i32
      %add3A_264 = arith.addi %mul3A_186, %add3A_263 : i32
      "tpu.region"() ({
        %run_scoped3A_291 = tpu.sem_alloc : memref<!tpu.dma_semaphore, #tpu.memory_space<semaphore_mem>>
        %dma_start3A_292 = arith.constant 0 : i32
        %dma_start3A_293 = tpu.memref_slice %arg8[%add3A_264, %dma_start3A_292] : memref<40x128xi32, #tpu.memory_space<vmem>> -> memref<1x128xi32, #tpu.memory_space<vmem>>
        %dma_start3A_294 = tpu.memref_squeeze %dma_start3A_293 : memref<1x128xi32, #tpu.memory_space<vmem>> -> memref<128xi32, #tpu.memory_space<vmem>>
        %dma_start3A_295 = arith.constant 0 : i32
        %dma_start3A_296 = arith.constant 0 : i32
        %dma_start3A_297 = tpu.memref_slice %arg11[%dma_start3A_295, %dma_start3A_296] : memref<10240x128xf32, #tpu.memory_space<vmem_shared>> -> memref<10240x128xf32, #tpu.memory_space<vmem_shared>>
        tpu.enqueue_indirect_dma source(%arg10 : memref<128x128xf32, #tpu.memory_space<vmem>>) target(%dma_start3A_297 : memref<10240x128xf32, #tpu.memory_space<vmem_shared>>) offsets(%dma_start3A_294 : memref<128xi32, #tpu.memory_space<vmem>>) semaphore(%run_scoped3A_291 : memref<!tpu.dma_semaphore, #tpu.memory_space<semaphore_mem>>) {add = true}
        %dma_wait3A_298 = arith.constant 0 : i32
        %dma_wait3A_299 = tpu.memref_slice %arg8[%add3A_264, %dma_wait3A_298] : memref<40x128xi32, #tpu.memory_space<vmem>> -> memref<1x128xi32, #tpu.memory_space<vmem>>
        %dma_wait3A_300 = tpu.memref_squeeze %dma_wait3A_299 : memref<1x128xi32, #tpu.memory_space<vmem>> -> memref<128xi32, #tpu.memory_space<vmem>>
        %dma_wait3A_301 = arith.constant 0 : i32
        %dma_wait3A_302 = arith.constant 0 : i32
        %dma_wait3A_303 = tpu.memref_slice %arg11[%dma_wait3A_301, %dma_wait3A_302] : memref<10240x128xf32, #tpu.memory_space<vmem_shared>> -> memref<10240x128xf32, #tpu.memory_space<vmem_shared>>
        tpu.wait_indirect_dma semaphore(%run_scoped3A_291 : memref<!tpu.dma_semaphore, #tpu.memory_space<semaphore_mem>>) src(%arg10 : memref<128x128xf32, #tpu.memory_space<vmem>>) dst(%dma_wait3A_303 : memref<10240x128xf32, #tpu.memory_space<vmem_shared>>)
        tpu.yield
      }) : () -> ()
      %add3A_265 = arith.constant 3 : i32
      %add3A_266 = arith.addi %mul3A_186, %add3A_265 : i32
      %mul3A_267 = arith.constant 2 : i32
      %mul3A_268 = arith.muli %mul3A_267, %add3A_266 : i32
      %mul3A_269 = arith.constant 2 : i32
      %mul3A_270 = arith.muli %mul3A_269, %add3A_266 : i32
      %add3A_271 = arith.constant 1 : i32
      %add3A_272 = arith.addi %mul3A_270, %add3A_271 : i32
      %dma_start3A_273 = arith.constant 0 : i32
      %dma_start3A_274 = arith.constant 0 : i32
      %dma_start3A_275 = tpu.memref_slice %arg10[%dma_start3A_273, %dma_start3A_274] : memref<128x128xf32, #tpu.memory_space<vmem>> -> memref<64x128xf32, #tpu.memory_space<vmem>>
      %dma_start3A_276 = arith.constant 0 : i32
      %dma_start3A_277 = tpu.memref_slice %arg7[%mul3A_268, %dma_start3A_276] : memref<80x64xi32, #tpu.memory_space<vmem>> -> memref<1x64xi32, #tpu.memory_space<vmem>>
      %dma_start3A_278 = tpu.memref_squeeze %dma_start3A_277 : memref<1x64xi32, #tpu.memory_space<vmem>> -> memref<64xi32, #tpu.memory_space<vmem>>
      %dma_start3A_279 = arith.constant 0 : i32
      %dma_start3A_280 = arith.constant 0 : i32
      %dma_start3A_281 = tpu.memref_slice %arg2[%dma_start3A_279, %dma_start3A_280] : memref<10240x128xf32, #tpu.memory_space<hbm>> -> memref<10240x128xf32, #tpu.memory_space<hbm>>
      tpu.enqueue_indirect_dma source(%dma_start3A_281 : memref<10240x128xf32, #tpu.memory_space<hbm>>) target(%dma_start3A_275 : memref<64x128xf32, #tpu.memory_space<vmem>>) offsets(%dma_start3A_278 : memref<64xi32, #tpu.memory_space<vmem>>) semaphore(%arg13 : memref<!tpu.dma_semaphore, #tpu.memory_space<semaphore_mem>>)
      %dma_start3A_282 = arith.constant 64 : i32
      %dma_start3A_283 = arith.constant 0 : i32
      %dma_start3A_284 = tpu.memref_slice %arg10[%dma_start3A_282, %dma_start3A_283] : memref<128x128xf32, #tpu.memory_space<vmem>> -> memref<64x128xf32, #tpu.memory_space<vmem>>
      %dma_start3A_285 = arith.constant 0 : i32
      %dma_start3A_286 = tpu.memref_slice %arg7[%add3A_272, %dma_start3A_285] : memref<80x64xi32, #tpu.memory_space<vmem>> -> memref<1x64xi32, #tpu.memory_space<vmem>>
      %dma_start3A_287 = tpu.memref_squeeze %dma_start3A_286 : memref<1x64xi32, #tpu.memory_space<vmem>> -> memref<64xi32, #tpu.memory_space<vmem>>
      %dma_start3A_288 = arith.constant 0 : i32
      %dma_start3A_289 = arith.constant 0 : i32
      %dma_start3A_290 = tpu.memref_slice %arg2[%dma_start3A_288, %dma_start3A_289] : memref<10240x128xf32, #tpu.memory_space<hbm>> -> memref<10240x128xf32, #tpu.memory_space<hbm>>
      tpu.enqueue_indirect_dma source(%dma_start3A_290 : memref<10240x128xf32, #tpu.memory_space<hbm>>) target(%dma_start3A_284 : memref<64x128xf32, #tpu.memory_space<vmem>>) offsets(%dma_start3A_287 : memref<64xi32, #tpu.memory_space<vmem>>) semaphore(%arg13 : memref<!tpu.dma_semaphore, #tpu.memory_space<semaphore_mem>>)
    }
    %scan3A_47 = arith.constant 19 : i32
    %dma_wait3A = arith.constant 76 : i32
    %dma_wait3A_48 = arith.constant 0 : i32
    %dma_wait3A_49 = arith.constant 0 : i32
    %dma_wait3A_50 = tpu.memref_slice %arg9[%dma_wait3A_48, %dma_wait3A_49] : memref<128x128xf32, #tpu.memory_space<vmem>> -> memref<64x128xf32, #tpu.memory_space<vmem>>
    %dma_wait3A_51 = arith.constant 0 : i32
    %dma_wait3A_52 = tpu.memref_slice %arg7[%dma_wait3A, %dma_wait3A_51] : memref<80x64xi32, #tpu.memory_space<vmem>> -> memref<1x64xi32, #tpu.memory_space<vmem>>
    %dma_wait3A_53 = tpu.memref_squeeze %dma_wait3A_52 : memref<1x64xi32, #tpu.memory_space<vmem>> -> memref<64xi32, #tpu.memory_space<vmem>>
    %dma_wait3A_54 = arith.constant 0 : i32
    %dma_wait3A_55 = arith.constant 0 : i32
    %dma_wait3A_56 = tpu.memref_slice %arg2[%dma_wait3A_54, %dma_wait3A_55] : memref<10240x128xf32, #tpu.memory_space<hbm>> -> memref<10240x128xf32, #tpu.memory_space<hbm>>
    tpu.wait_indirect_dma semaphore(%arg12 : memref<!tpu.dma_semaphore, #tpu.memory_space<semaphore_mem>>) src(%dma_wait3A_56 : memref<10240x128xf32, #tpu.memory_space<hbm>>) dst(%dma_wait3A_50 : memref<64x128xf32, #tpu.memory_space<vmem>>)
    %dma_wait3A_57 = arith.constant 77 : i32
    %dma_wait3A_58 = arith.constant 64 : i32
    %dma_wait3A_59 = arith.constant 0 : i32
    %dma_wait3A_60 = tpu.memref_slice %arg9[%dma_wait3A_58, %dma_wait3A_59] : memref<128x128xf32, #tpu.memory_space<vmem>> -> memref<64x128xf32, #tpu.memory_space<vmem>>
    %dma_wait3A_61 = arith.constant 0 : i32
    %dma_wait3A_62 = tpu.memref_slice %arg7[%dma_wait3A_57, %dma_wait3A_61] : memref<80x64xi32, #tpu.memory_space<vmem>> -> memref<1x64xi32, #tpu.memory_space<vmem>>
    %dma_wait3A_63 = tpu.memref_squeeze %dma_wait3A_62 : memref<1x64xi32, #tpu.memory_space<vmem>> -> memref<64xi32, #tpu.memory_space<vmem>>
    %dma_wait3A_64 = arith.constant 0 : i32
    %dma_wait3A_65 = arith.constant 0 : i32
    %dma_wait3A_66 = tpu.memref_slice %arg2[%dma_wait3A_64, %dma_wait3A_65] : memref<10240x128xf32, #tpu.memory_space<hbm>> -> memref<10240x128xf32, #tpu.memory_space<hbm>>
    tpu.wait_indirect_dma semaphore(%arg12 : memref<!tpu.dma_semaphore, #tpu.memory_space<semaphore_mem>>) src(%dma_wait3A_66 : memref<10240x128xf32, #tpu.memory_space<hbm>>) dst(%dma_wait3A_60 : memref<64x128xf32, #tpu.memory_space<vmem>>)
    %run_scoped3A = arith.constant 38 : i32
    "tpu.region"() ({
      %run_scoped3A_180 = tpu.sem_alloc : memref<!tpu.dma_semaphore, #tpu.memory_space<semaphore_mem>>
      %dma_start3A_181 = arith.constant 0 : i32
      %dma_start3A_182 = tpu.memref_slice %arg8[%run_scoped3A, %dma_start3A_181] : memref<40x128xi32, #tpu.memory_space<vmem>> -> memref<1x128xi32, #tpu.memory_space<vmem>>
      %dma_start3A_183 = tpu.memref_squeeze %dma_start3A_182 : memref<1x128xi32, #tpu.memory_space<vmem>> -> memref<128xi32, #tpu.memory_space<vmem>>
      %dma_start3A_184 = arith.constant 0 : i32
      %dma_start3A_185 = arith.constant 0 : i32
      %dma_start3A_186 = tpu.memref_slice %arg11[%dma_start3A_184, %dma_start3A_185] : memref<10240x128xf32, #tpu.memory_space<vmem_shared>> -> memref<10240x128xf32, #tpu.memory_space<vmem_shared>>
      tpu.enqueue_indirect_dma source(%arg9 : memref<128x128xf32, #tpu.memory_space<vmem>>) target(%dma_start3A_186 : memref<10240x128xf32, #tpu.memory_space<vmem_shared>>) offsets(%dma_start3A_183 : memref<128xi32, #tpu.memory_space<vmem>>) semaphore(%run_scoped3A_180 : memref<!tpu.dma_semaphore, #tpu.memory_space<semaphore_mem>>) {add = true}
      %dma_wait3A_187 = arith.constant 0 : i32
      %dma_wait3A_188 = tpu.memref_slice %arg8[%run_scoped3A, %dma_wait3A_187] : memref<40x128xi32, #tpu.memory_space<vmem>> -> memref<1x128xi32, #tpu.memory_space<vmem>>
      %dma_wait3A_189 = tpu.memref_squeeze %dma_wait3A_188 : memref<1x128xi32, #tpu.memory_space<vmem>> -> memref<128xi32, #tpu.memory_space<vmem>>
      %dma_wait3A_190 = arith.constant 0 : i32
      %dma_wait3A_191 = arith.constant 0 : i32
      %dma_wait3A_192 = tpu.memref_slice %arg11[%dma_wait3A_190, %dma_wait3A_191] : memref<10240x128xf32, #tpu.memory_space<vmem_shared>> -> memref<10240x128xf32, #tpu.memory_space<vmem_shared>>
      tpu.wait_indirect_dma semaphore(%run_scoped3A_180 : memref<!tpu.dma_semaphore, #tpu.memory_space<semaphore_mem>>) src(%arg9 : memref<128x128xf32, #tpu.memory_space<vmem>>) dst(%dma_wait3A_192 : memref<10240x128xf32, #tpu.memory_space<vmem_shared>>)
      tpu.yield
    }) : () -> ()
    %dma_wait3A_67 = arith.constant 78 : i32
    %dma_wait3A_68 = arith.constant 0 : i32
    %dma_wait3A_69 = arith.constant 0 : i32
    %dma_wait3A_70 = tpu.memref_slice %arg10[%dma_wait3A_68, %dma_wait3A_69] : memref<128x128xf32, #tpu.memory_space<vmem>> -> memref<64x128xf32, #tpu.memory_space<vmem>>
    %dma_wait3A_71 = arith.constant 0 : i32
    %dma_wait3A_72 = tpu.memref_slice %arg7[%dma_wait3A_67, %dma_wait3A_71] : memref<80x64xi32, #tpu.memory_space<vmem>> -> memref<1x64xi32, #tpu.memory_space<vmem>>
    %dma_wait3A_73 = tpu.memref_squeeze %dma_wait3A_72 : memref<1x64xi32, #tpu.memory_space<vmem>> -> memref<64xi32, #tpu.memory_space<vmem>>
    %dma_wait3A_74 = arith.constant 0 : i32
    %dma_wait3A_75 = arith.constant 0 : i32
    %dma_wait3A_76 = tpu.memref_slice %arg2[%dma_wait3A_74, %dma_wait3A_75] : memref<10240x128xf32, #tpu.memory_space<hbm>> -> memref<10240x128xf32, #tpu.memory_space<hbm>>
    tpu.wait_indirect_dma semaphore(%arg13 : memref<!tpu.dma_semaphore, #tpu.memory_space<semaphore_mem>>) src(%dma_wait3A_76 : memref<10240x128xf32, #tpu.memory_space<hbm>>) dst(%dma_wait3A_70 : memref<64x128xf32, #tpu.memory_space<vmem>>)
    %dma_wait3A_77 = arith.constant 79 : i32
    %dma_wait3A_78 = arith.constant 64 : i32
    %dma_wait3A_79 = arith.constant 0 : i32
    %dma_wait3A_80 = tpu.memref_slice %arg10[%dma_wait3A_78, %dma_wait3A_79] : memref<128x128xf32, #tpu.memory_space<vmem>> -> memref<64x128xf32, #tpu.memory_space<vmem>>
    %dma_wait3A_81 = arith.constant 0 : i32
    %dma_wait3A_82 = tpu.memref_slice %arg7[%dma_wait3A_77, %dma_wait3A_81] : memref<80x64xi32, #tpu.memory_space<vmem>> -> memref<1x64xi32, #tpu.memory_space<vmem>>
    %dma_wait3A_83 = tpu.memref_squeeze %dma_wait3A_82 : memref<1x64xi32, #tpu.memory_space<vmem>> -> memref<64xi32, #tpu.memory_space<vmem>>
    %dma_wait3A_84 = arith.constant 0 : i32
    %dma_wait3A_85 = arith.constant 0 : i32
    %dma_wait3A_86 = tpu.memref_slice %arg2[%dma_wait3A_84, %dma_wait3A_85] : memref<10240x128xf32, #tpu.memory_space<hbm>> -> memref<10240x128xf32, #tpu.memory_space<hbm>>
    tpu.wait_indirect_dma semaphore(%arg13 : memref<!tpu.dma_semaphore, #tpu.memory_space<semaphore_mem>>) src(%dma_wait3A_86 : memref<10240x128xf32, #tpu.memory_space<hbm>>) dst(%dma_wait3A_80 : memref<64x128xf32, #tpu.memory_space<vmem>>)
    %run_scoped3A_87 = arith.constant 39 : i32
    "tpu.region"() ({
      %run_scoped3A_180 = tpu.sem_alloc : memref<!tpu.dma_semaphore, #tpu.memory_space<semaphore_mem>>
      %dma_start3A_181 = arith.constant 0 : i32
      %dma_start3A_182 = tpu.memref_slice %arg8[%run_scoped3A_87, %dma_start3A_181] : memref<40x128xi32, #tpu.memory_space<vmem>> -> memref<1x128xi32, #tpu.memory_space<vmem>>
      %dma_start3A_183 = tpu.memref_squeeze %dma_start3A_182 : memref<1x128xi32, #tpu.memory_space<vmem>> -> memref<128xi32, #tpu.memory_space<vmem>>
      %dma_start3A_184 = arith.constant 0 : i32
      %dma_start3A_185 = arith.constant 0 : i32
      %dma_start3A_186 = tpu.memref_slice %arg11[%dma_start3A_184, %dma_start3A_185] : memref<10240x128xf32, #tpu.memory_space<vmem_shared>> -> memref<10240x128xf32, #tpu.memory_space<vmem_shared>>
      tpu.enqueue_indirect_dma source(%arg10 : memref<128x128xf32, #tpu.memory_space<vmem>>) target(%dma_start3A_186 : memref<10240x128xf32, #tpu.memory_space<vmem_shared>>) offsets(%dma_start3A_183 : memref<128xi32, #tpu.memory_space<vmem>>) semaphore(%run_scoped3A_180 : memref<!tpu.dma_semaphore, #tpu.memory_space<semaphore_mem>>) {add = true}
      %dma_wait3A_187 = arith.constant 0 : i32
      %dma_wait3A_188 = tpu.memref_slice %arg8[%run_scoped3A_87, %dma_wait3A_187] : memref<40x128xi32, #tpu.memory_space<vmem>> -> memref<1x128xi32, #tpu.memory_space<vmem>>
      %dma_wait3A_189 = tpu.memref_squeeze %dma_wait3A_188 : memref<1x128xi32, #tpu.memory_space<vmem>> -> memref<128xi32, #tpu.memory_space<vmem>>
      %dma_wait3A_190 = arith.constant 0 : i32
      %dma_wait3A_191 = arith.constant 0 : i32
      %dma_wait3A_192 = tpu.memref_slice %arg11[%dma_wait3A_190, %dma_wait3A_191] : memref<10240x128xf32, #tpu.memory_space<vmem_shared>> -> memref<10240x128xf32, #tpu.memory_space<vmem_shared>>
      tpu.wait_indirect_dma semaphore(%run_scoped3A_180 : memref<!tpu.dma_semaphore, #tpu.memory_space<semaphore_mem>>) src(%arg10 : memref<128x128xf32, #tpu.memory_space<vmem>>) dst(%dma_wait3A_192 : memref<10240x128xf32, #tpu.memory_space<vmem_shared>>)
      tpu.yield
    }) : () -> ()
    "tpu.region"() ({
      %run_scoped3A_180 = tpu.sem_alloc : memref<!tpu.dma_semaphore, #tpu.memory_space<semaphore_mem>>
      %dma_start3A_181 = arith.constant 0 : i32
      %dma_start3A_182 = arith.constant 0 : i32
      %dma_start3A_183 = tpu.memref_slice %arg3[%add3A, %dma_start3A_181, %dma_start3A_182] : memref<32x160x64xi32, #tpu.memory_space<hbm>> -> memref<1x160x64xi32, #tpu.memory_space<hbm>>
      %dma_start3A_184 = tpu.memref_squeeze %dma_start3A_183 : memref<1x160x64xi32, #tpu.memory_space<hbm>> -> memref<160x64xi32, #tpu.memory_space<hbm>>
      %dma_start3A_185 = arith.constant 80 : i32
      %dma_start3A_186 = arith.constant 0 : i32
      %dma_start3A_187 = tpu.memref_slice %dma_start3A_184[%dma_start3A_185, %dma_start3A_186] : memref<160x64xi32, #tpu.memory_space<hbm>> -> memref<80x64xi32, #tpu.memory_space<hbm>>
      %dma_start3A_188 = arith.constant 0 : i32
      %dma_start3A_189 = arith.constant 0 : i32
      %dma_start3A_190 = tpu.memref_slice %arg3[%add3A, %dma_start3A_188, %dma_start3A_189] : memref<32x160x64xi32, #tpu.memory_space<hbm>> -> memref<1x160x64xi32, #tpu.memory_space<hbm>>
      %dma_start3A_191 = tpu.memref_squeeze %dma_start3A_190 : memref<1x160x64xi32, #tpu.memory_space<hbm>> -> memref<160x64xi32, #tpu.memory_space<hbm>>
      %dma_start3A_192 = arith.constant 80 : i32
      %dma_start3A_193 = arith.constant 0 : i32
      %dma_start3A_194 = tpu.memref_slice %dma_start3A_191[%dma_start3A_192, %dma_start3A_193] : memref<160x64xi32, #tpu.memory_space<hbm>> -> memref<80x64xi32, #tpu.memory_space<hbm>>
      tpu.enqueue_dma source(%dma_start3A_194 : memref<80x64xi32, #tpu.memory_space<hbm>>) target(%arg7 : memref<80x64xi32, #tpu.memory_space<vmem>>) target_semaphore(%run_scoped3A_180 : memref<!tpu.dma_semaphore, #tpu.memory_space<semaphore_mem>>)
      %dma_wait3A_195 = arith.constant 0 : i32
      %dma_wait3A_196 = arith.constant 0 : i32
      %dma_wait3A_197 = tpu.memref_slice %arg3[%add3A, %dma_wait3A_195, %dma_wait3A_196] : memref<32x160x64xi32, #tpu.memory_space<hbm>> -> memref<1x160x64xi32, #tpu.memory_space<hbm>>
      %dma_wait3A_198 = tpu.memref_squeeze %dma_wait3A_197 : memref<1x160x64xi32, #tpu.memory_space<hbm>> -> memref<160x64xi32, #tpu.memory_space<hbm>>
      %dma_wait3A_199 = arith.constant 80 : i32
      %dma_wait3A_200 = arith.constant 0 : i32
      %dma_wait3A_201 = tpu.memref_slice %dma_wait3A_198[%dma_wait3A_199, %dma_wait3A_200] : memref<160x64xi32, #tpu.memory_space<hbm>> -> memref<80x64xi32, #tpu.memory_space<hbm>>
      %dma_wait3A_202 = arith.constant 0 : i32
      %dma_wait3A_203 = arith.constant 0 : i32
      %dma_wait3A_204 = tpu.memref_slice %arg3[%add3A, %dma_wait3A_202, %dma_wait3A_203] : memref<32x160x64xi32, #tpu.memory_space<hbm>> -> memref<1x160x64xi32, #tpu.memory_space<hbm>>
      %dma_wait3A_205 = tpu.memref_squeeze %dma_wait3A_204 : memref<1x160x64xi32, #tpu.memory_space<hbm>> -> memref<160x64xi32, #tpu.memory_space<hbm>>
      %dma_wait3A_206 = arith.constant 80 : i32
      %dma_wait3A_207 = arith.constant 0 : i32
      %dma_wait3A_208 = tpu.memref_slice %dma_wait3A_205[%dma_wait3A_206, %dma_wait3A_207] : memref<160x64xi32, #tpu.memory_space<hbm>> -> memref<80x64xi32, #tpu.memory_space<hbm>>
      tpu.wait_dma2 semaphore(%run_scoped3A_180 : memref<!tpu.dma_semaphore, #tpu.memory_space<semaphore_mem>>) src(%dma_wait3A_208 : memref<80x64xi32, #tpu.memory_space<hbm>>) dst(%arg7 : memref<80x64xi32, #tpu.memory_space<vmem>>)
      tpu.yield
    }) : () -> ()
    "tpu.region"() ({
      %run_scoped3A_180 = tpu.sem_alloc : memref<!tpu.dma_semaphore, #tpu.memory_space<semaphore_mem>>
      %dma_start3A_181 = arith.constant 0 : i32
      %dma_start3A_182 = arith.constant 0 : i32
      %dma_start3A_183 = tpu.memref_slice %arg4[%add3A, %dma_start3A_181, %dma_start3A_182] : memref<32x80x128xi32, #tpu.memory_space<hbm>> -> memref<1x80x128xi32, #tpu.memory_space<hbm>>
      %dma_start3A_184 = tpu.memref_squeeze %dma_start3A_183 : memref<1x80x128xi32, #tpu.memory_space<hbm>> -> memref<80x128xi32, #tpu.memory_space<hbm>>
      %dma_start3A_185 = arith.constant 40 : i32
      %dma_start3A_186 = arith.constant 0 : i32
      %dma_start3A_187 = tpu.memref_slice %dma_start3A_184[%dma_start3A_185, %dma_start3A_186] : memref<80x128xi32, #tpu.memory_space<hbm>> -> memref<40x128xi32, #tpu.memory_space<hbm>>
      %dma_start3A_188 = arith.constant 0 : i32
      %dma_start3A_189 = arith.constant 0 : i32
      %dma_start3A_190 = tpu.memref_slice %arg4[%add3A, %dma_start3A_188, %dma_start3A_189] : memref<32x80x128xi32, #tpu.memory_space<hbm>> -> memref<1x80x128xi32, #tpu.memory_space<hbm>>
      %dma_start3A_191 = tpu.memref_squeeze %dma_start3A_190 : memref<1x80x128xi32, #tpu.memory_space<hbm>> -> memref<80x128xi32, #tpu.memory_space<hbm>>
      %dma_start3A_192 = arith.constant 40 : i32
      %dma_start3A_193 = arith.constant 0 : i32
      %dma_start3A_194 = tpu.memref_slice %dma_start3A_191[%dma_start3A_192, %dma_start3A_193] : memref<80x128xi32, #tpu.memory_space<hbm>> -> memref<40x128xi32, #tpu.memory_space<hbm>>
      tpu.enqueue_dma source(%dma_start3A_194 : memref<40x128xi32, #tpu.memory_space<hbm>>) target(%arg8 : memref<40x128xi32, #tpu.memory_space<vmem>>) target_semaphore(%run_scoped3A_180 : memref<!tpu.dma_semaphore, #tpu.memory_space<semaphore_mem>>)
      %dma_wait3A_195 = arith.constant 0 : i32
      %dma_wait3A_196 = arith.constant 0 : i32
      %dma_wait3A_197 = tpu.memref_slice %arg4[%add3A, %dma_wait3A_195, %dma_wait3A_196] : memref<32x80x128xi32, #tpu.memory_space<hbm>> -> memref<1x80x128xi32, #tpu.memory_space<hbm>>
      %dma_wait3A_198 = tpu.memref_squeeze %dma_wait3A_197 : memref<1x80x128xi32, #tpu.memory_space<hbm>> -> memref<80x128xi32, #tpu.memory_space<hbm>>
      %dma_wait3A_199 = arith.constant 40 : i32
      %dma_wait3A_200 = arith.constant 0 : i32
      %dma_wait3A_201 = tpu.memref_slice %dma_wait3A_198[%dma_wait3A_199, %dma_wait3A_200] : memref<80x128xi32, #tpu.memory_space<hbm>> -> memref<40x128xi32, #tpu.memory_space<hbm>>
      %dma_wait3A_202 = arith.constant 0 : i32
      %dma_wait3A_203 = arith.constant 0 : i32
      %dma_wait3A_204 = tpu.memref_slice %arg4[%add3A, %dma_wait3A_202, %dma_wait3A_203] : memref<32x80x128xi32, #tpu.memory_space<hbm>> -> memref<1x80x128xi32, #tpu.memory_space<hbm>>
      %dma_wait3A_205 = tpu.memref_squeeze %dma_wait3A_204 : memref<1x80x128xi32, #tpu.memory_space<hbm>> -> memref<80x128xi32, #tpu.memory_space<hbm>>
      %dma_wait3A_206 = arith.constant 40 : i32
      %dma_wait3A_207 = arith.constant 0 : i32
      %dma_wait3A_208 = tpu.memref_slice %dma_wait3A_205[%dma_wait3A_206, %dma_wait3A_207] : memref<80x128xi32, #tpu.memory_space<hbm>> -> memref<40x128xi32, #tpu.memory_space<hbm>>
      tpu.wait_dma2 semaphore(%run_scoped3A_180 : memref<!tpu.dma_semaphore, #tpu.memory_space<semaphore_mem>>) src(%dma_wait3A_208 : memref<40x128xi32, #tpu.memory_space<hbm>>) dst(%arg8 : memref<40x128xi32, #tpu.memory_space<vmem>>)
      tpu.yield
    }) : () -> ()
    %dma_start3A_88 = arith.constant 0 : i32
    %dma_start3A_89 = arith.constant 0 : i32
    %dma_start3A_90 = arith.constant 0 : i32
    %dma_start3A_91 = tpu.memref_slice %arg9[%dma_start3A_89, %dma_start3A_90] : memref<128x128xf32, #tpu.memory_space<vmem>> -> memref<64x128xf32, #tpu.memory_space<vmem>>
    %dma_start3A_92 = arith.constant 0 : i32
    %dma_start3A_93 = tpu.memref_slice %arg7[%dma_start3A_88, %dma_start3A_92] : memref<80x64xi32, #tpu.memory_space<vmem>> -> memref<1x64xi32, #tpu.memory_space<vmem>>
    %dma_start3A_94 = tpu.memref_squeeze %dma_start3A_93 : memref<1x64xi32, #tpu.memory_space<vmem>> -> memref<64xi32, #tpu.memory_space<vmem>>
    %dma_start3A_95 = arith.constant 0 : i32
    %dma_start3A_96 = arith.constant 0 : i32
    %dma_start3A_97 = tpu.memref_slice %arg2[%dma_start3A_95, %dma_start3A_96] : memref<10240x128xf32, #tpu.memory_space<hbm>> -> memref<10240x128xf32, #tpu.memory_space<hbm>>
    tpu.enqueue_indirect_dma source(%dma_start3A_97 : memref<10240x128xf32, #tpu.memory_space<hbm>>) target(%dma_start3A_91 : memref<64x128xf32, #tpu.memory_space<vmem>>) offsets(%dma_start3A_94 : memref<64xi32, #tpu.memory_space<vmem>>) semaphore(%arg12 : memref<!tpu.dma_semaphore, #tpu.memory_space<semaphore_mem>>)
    %dma_start3A_98 = arith.constant 1 : i32
    %dma_start3A_99 = arith.constant 64 : i32
    %dma_start3A_100 = arith.constant 0 : i32
    %dma_start3A_101 = tpu.memref_slice %arg9[%dma_start3A_99, %dma_start3A_100] : memref<128x128xf32, #tpu.memory_space<vmem>> -> memref<64x128xf32, #tpu.memory_space<vmem>>
    %dma_start3A_102 = arith.constant 0 : i32
    %dma_start3A_103 = tpu.memref_slice %arg7[%dma_start3A_98, %dma_start3A_102] : memref<80x64xi32, #tpu.memory_space<vmem>> -> memref<1x64xi32, #tpu.memory_space<vmem>>
    %dma_start3A_104 = tpu.memref_squeeze %dma_start3A_103 : memref<1x64xi32, #tpu.memory_space<vmem>> -> memref<64xi32, #tpu.memory_space<vmem>>
    %dma_start3A_105 = arith.constant 0 : i32
    %dma_start3A_106 = arith.constant 0 : i32
    %dma_start3A_107 = tpu.memref_slice %arg2[%dma_start3A_105, %dma_start3A_106] : memref<10240x128xf32, #tpu.memory_space<hbm>> -> memref<10240x128xf32, #tpu.memory_space<hbm>>
    tpu.enqueue_indirect_dma source(%dma_start3A_107 : memref<10240x128xf32, #tpu.memory_space<hbm>>) target(%dma_start3A_101 : memref<64x128xf32, #tpu.memory_space<vmem>>) offsets(%dma_start3A_104 : memref<64xi32, #tpu.memory_space<vmem>>) semaphore(%arg12 : memref<!tpu.dma_semaphore, #tpu.memory_space<semaphore_mem>>)
    %dma_start3A_108 = arith.constant 2 : i32
    %dma_start3A_109 = arith.constant 0 : i32
    %dma_start3A_110 = arith.constant 0 : i32
    %dma_start3A_111 = tpu.memref_slice %arg10[%dma_start3A_109, %dma_start3A_110] : memref<128x128xf32, #tpu.memory_space<vmem>> -> memref<64x128xf32, #tpu.memory_space<vmem>>
    %dma_start3A_112 = arith.constant 0 : i32
    %dma_start3A_113 = tpu.memref_slice %arg7[%dma_start3A_108, %dma_start3A_112] : memref<80x64xi32, #tpu.memory_space<vmem>> -> memref<1x64xi32, #tpu.memory_space<vmem>>
    %dma_start3A_114 = tpu.memref_squeeze %dma_start3A_113 : memref<1x64xi32, #tpu.memory_space<vmem>> -> memref<64xi32, #tpu.memory_space<vmem>>
    %dma_start3A_115 = arith.constant 0 : i32
    %dma_start3A_116 = arith.constant 0 : i32
    %dma_start3A_117 = tpu.memref_slice %arg2[%dma_start3A_115, %dma_start3A_116] : memref<10240x128xf32, #tpu.memory_space<hbm>> -> memref<10240x128xf32, #tpu.memory_space<hbm>>
    tpu.enqueue_indirect_dma source(%dma_start3A_117 : memref<10240x128xf32, #tpu.memory_space<hbm>>) target(%dma_start3A_111 : memref<64x128xf32, #tpu.memory_space<vmem>>) offsets(%dma_start3A_114 : memref<64xi32, #tpu.memory_space<vmem>>) semaphore(%arg13 : memref<!tpu.dma_semaphore, #tpu.memory_space<semaphore_mem>>)
    %dma_start3A_118 = arith.constant 3 : i32
    %dma_start3A_119 = arith.constant 64 : i32
    %dma_start3A_120 = arith.constant 0 : i32
    %dma_start3A_121 = tpu.memref_slice %arg10[%dma_start3A_119, %dma_start3A_120] : memref<128x128xf32, #tpu.memory_space<vmem>> -> memref<64x128xf32, #tpu.memory_space<vmem>>
    %dma_start3A_122 = arith.constant 0 : i32
    %dma_start3A_123 = tpu.memref_slice %arg7[%dma_start3A_118, %dma_start3A_122] : memref<80x64xi32, #tpu.memory_space<vmem>> -> memref<1x64xi32, #tpu.memory_space<vmem>>
    %dma_start3A_124 = tpu.memref_squeeze %dma_start3A_123 : memref<1x64xi32, #tpu.memory_space<vmem>> -> memref<64xi32, #tpu.memory_space<vmem>>
    %dma_start3A_125 = arith.constant 0 : i32
    %dma_start3A_126 = arith.constant 0 : i32
    %dma_start3A_127 = tpu.memref_slice %arg2[%dma_start3A_125, %dma_start3A_126] : memref<10240x128xf32, #tpu.memory_space<hbm>> -> memref<10240x128xf32, #tpu.memory_space<hbm>>
    tpu.enqueue_indirect_dma source(%dma_start3A_127 : memref<10240x128xf32, #tpu.memory_space<hbm>>) target(%dma_start3A_121 : memref<64x128xf32, #tpu.memory_space<vmem>>) offsets(%dma_start3A_124 : memref<64xi32, #tpu.memory_space<vmem>>) semaphore(%arg13 : memref<!tpu.dma_semaphore, #tpu.memory_space<semaphore_mem>>)
    %scan3A_128 = arith.constant 0 : i32
    %scan3A_129 = arith.constant 19 : i32
    %scan3A_130 = arith.addi %scan3A_128, %scan3A_129 : i32
    %scan3A_131 = arith.constant 1 : i32
    scf.for %scan3A_180 = %scan3A_128 to %scan3A_130 step %scan3A_131  : i32 {
      %mul3A_181 = arith.constant 1 : i32
      %mul3A_182 = arith.muli %scan3A_180, %mul3A_181 : i32
      %add3A_183 = arith.constant 0 : i32
      %add3A_184 = arith.addi %add3A_183, %mul3A_182 : i32
      %mul3A_185 = arith.constant 2 : i32
      %mul3A_186 = arith.muli %mul3A_185, %add3A_184 : i32
      %mul3A_187 = arith.constant 2 : i32
      %mul3A_188 = arith.muli %mul3A_187, %mul3A_186 : i32
      %mul3A_189 = arith.constant 2 : i32
      %mul3A_190 = arith.muli %mul3A_189, %mul3A_186 : i32
      %add3A_191 = arith.constant 1 : i32
      %add3A_192 = arith.addi %mul3A_190, %add3A_191 : i32
      %dma_wait3A_193 = arith.constant 0 : i32
      %dma_wait3A_194 = arith.constant 0 : i32
      %dma_wait3A_195 = tpu.memref_slice %arg9[%dma_wait3A_193, %dma_wait3A_194] : memref<128x128xf32, #tpu.memory_space<vmem>> -> memref<64x128xf32, #tpu.memory_space<vmem>>
      %dma_wait3A_196 = arith.constant 0 : i32
      %dma_wait3A_197 = tpu.memref_slice %arg7[%mul3A_188, %dma_wait3A_196] : memref<80x64xi32, #tpu.memory_space<vmem>> -> memref<1x64xi32, #tpu.memory_space<vmem>>
      %dma_wait3A_198 = tpu.memref_squeeze %dma_wait3A_197 : memref<1x64xi32, #tpu.memory_space<vmem>> -> memref<64xi32, #tpu.memory_space<vmem>>
      %dma_wait3A_199 = arith.constant 0 : i32
      %dma_wait3A_200 = arith.constant 0 : i32
      %dma_wait3A_201 = tpu.memref_slice %arg2[%dma_wait3A_199, %dma_wait3A_200] : memref<10240x128xf32, #tpu.memory_space<hbm>> -> memref<10240x128xf32, #tpu.memory_space<hbm>>
      tpu.wait_indirect_dma semaphore(%arg12 : memref<!tpu.dma_semaphore, #tpu.memory_space<semaphore_mem>>) src(%dma_wait3A_201 : memref<10240x128xf32, #tpu.memory_space<hbm>>) dst(%dma_wait3A_195 : memref<64x128xf32, #tpu.memory_space<vmem>>)
      %dma_wait3A_202 = arith.constant 64 : i32
      %dma_wait3A_203 = arith.constant 0 : i32
      %dma_wait3A_204 = tpu.memref_slice %arg9[%dma_wait3A_202, %dma_wait3A_203] : memref<128x128xf32, #tpu.memory_space<vmem>> -> memref<64x128xf32, #tpu.memory_space<vmem>>
      %dma_wait3A_205 = arith.constant 0 : i32
      %dma_wait3A_206 = tpu.memref_slice %arg7[%add3A_192, %dma_wait3A_205] : memref<80x64xi32, #tpu.memory_space<vmem>> -> memref<1x64xi32, #tpu.memory_space<vmem>>
      %dma_wait3A_207 = tpu.memref_squeeze %dma_wait3A_206 : memref<1x64xi32, #tpu.memory_space<vmem>> -> memref<64xi32, #tpu.memory_space<vmem>>
      %dma_wait3A_208 = arith.constant 0 : i32
      %dma_wait3A_209 = arith.constant 0 : i32
      %dma_wait3A_210 = tpu.memref_slice %arg2[%dma_wait3A_208, %dma_wait3A_209] : memref<10240x128xf32, #tpu.memory_space<hbm>> -> memref<10240x128xf32, #tpu.memory_space<hbm>>
      tpu.wait_indirect_dma semaphore(%arg12 : memref<!tpu.dma_semaphore, #tpu.memory_space<semaphore_mem>>) src(%dma_wait3A_210 : memref<10240x128xf32, #tpu.memory_space<hbm>>) dst(%dma_wait3A_204 : memref<64x128xf32, #tpu.memory_space<vmem>>)
      "tpu.region"() ({
        %run_scoped3A_291 = tpu.sem_alloc : memref<!tpu.dma_semaphore, #tpu.memory_space<semaphore_mem>>
        %dma_start3A_292 = arith.constant 0 : i32
        %dma_start3A_293 = tpu.memref_slice %arg8[%mul3A_186, %dma_start3A_292] : memref<40x128xi32, #tpu.memory_space<vmem>> -> memref<1x128xi32, #tpu.memory_space<vmem>>
        %dma_start3A_294 = tpu.memref_squeeze %dma_start3A_293 : memref<1x128xi32, #tpu.memory_space<vmem>> -> memref<128xi32, #tpu.memory_space<vmem>>
        %dma_start3A_295 = arith.constant 0 : i32
        %dma_start3A_296 = arith.constant 0 : i32
        %dma_start3A_297 = tpu.memref_slice %arg11[%dma_start3A_295, %dma_start3A_296] : memref<10240x128xf32, #tpu.memory_space<vmem_shared>> -> memref<10240x128xf32, #tpu.memory_space<vmem_shared>>
        tpu.enqueue_indirect_dma source(%arg9 : memref<128x128xf32, #tpu.memory_space<vmem>>) target(%dma_start3A_297 : memref<10240x128xf32, #tpu.memory_space<vmem_shared>>) offsets(%dma_start3A_294 : memref<128xi32, #tpu.memory_space<vmem>>) semaphore(%run_scoped3A_291 : memref<!tpu.dma_semaphore, #tpu.memory_space<semaphore_mem>>) {add = true}
        %dma_wait3A_298 = arith.constant 0 : i32
        %dma_wait3A_299 = tpu.memref_slice %arg8[%mul3A_186, %dma_wait3A_298] : memref<40x128xi32, #tpu.memory_space<vmem>> -> memref<1x128xi32, #tpu.memory_space<vmem>>
        %dma_wait3A_300 = tpu.memref_squeeze %dma_wait3A_299 : memref<1x128xi32, #tpu.memory_space<vmem>> -> memref<128xi32, #tpu.memory_space<vmem>>
        %dma_wait3A_301 = arith.constant 0 : i32
        %dma_wait3A_302 = arith.constant 0 : i32
        %dma_wait3A_303 = tpu.memref_slice %arg11[%dma_wait3A_301, %dma_wait3A_302] : memref<10240x128xf32, #tpu.memory_space<vmem_shared>> -> memref<10240x128xf32, #tpu.memory_space<vmem_shared>>
        tpu.wait_indirect_dma semaphore(%run_scoped3A_291 : memref<!tpu.dma_semaphore, #tpu.memory_space<semaphore_mem>>) src(%arg9 : memref<128x128xf32, #tpu.memory_space<vmem>>) dst(%dma_wait3A_303 : memref<10240x128xf32, #tpu.memory_space<vmem_shared>>)
        tpu.yield
      }) : () -> ()
      %add3A_211 = arith.constant 2 : i32
      %add3A_212 = arith.addi %mul3A_186, %add3A_211 : i32
      %mul3A_213 = arith.constant 2 : i32
      %mul3A_214 = arith.muli %mul3A_213, %add3A_212 : i32
      %mul3A_215 = arith.constant 2 : i32
      %mul3A_216 = arith.muli %mul3A_215, %add3A_212 : i32
      %add3A_217 = arith.constant 1 : i32
      %add3A_218 = arith.addi %mul3A_216, %add3A_217 : i32
      %dma_start3A_219 = arith.constant 0 : i32
      %dma_start3A_220 = arith.constant 0 : i32
      %dma_start3A_221 = tpu.memref_slice %arg9[%dma_start3A_219, %dma_start3A_220] : memref<128x128xf32, #tpu.memory_space<vmem>> -> memref<64x128xf32, #tpu.memory_space<vmem>>
      %dma_start3A_222 = arith.constant 0 : i32
      %dma_start3A_223 = tpu.memref_slice %arg7[%mul3A_214, %dma_start3A_222] : memref<80x64xi32, #tpu.memory_space<vmem>> -> memref<1x64xi32, #tpu.memory_space<vmem>>
      %dma_start3A_224 = tpu.memref_squeeze %dma_start3A_223 : memref<1x64xi32, #tpu.memory_space<vmem>> -> memref<64xi32, #tpu.memory_space<vmem>>
      %dma_start3A_225 = arith.constant 0 : i32
      %dma_start3A_226 = arith.constant 0 : i32
      %dma_start3A_227 = tpu.memref_slice %arg2[%dma_start3A_225, %dma_start3A_226] : memref<10240x128xf32, #tpu.memory_space<hbm>> -> memref<10240x128xf32, #tpu.memory_space<hbm>>
      tpu.enqueue_indirect_dma source(%dma_start3A_227 : memref<10240x128xf32, #tpu.memory_space<hbm>>) target(%dma_start3A_221 : memref<64x128xf32, #tpu.memory_space<vmem>>) offsets(%dma_start3A_224 : memref<64xi32, #tpu.memory_space<vmem>>) semaphore(%arg12 : memref<!tpu.dma_semaphore, #tpu.memory_space<semaphore_mem>>)
      %dma_start3A_228 = arith.constant 64 : i32
      %dma_start3A_229 = arith.constant 0 : i32
      %dma_start3A_230 = tpu.memref_slice %arg9[%dma_start3A_228, %dma_start3A_229] : memref<128x128xf32, #tpu.memory_space<vmem>> -> memref<64x128xf32, #tpu.memory_space<vmem>>
      %dma_start3A_231 = arith.constant 0 : i32
      %dma_start3A_232 = tpu.memref_slice %arg7[%add3A_218, %dma_start3A_231] : memref<80x64xi32, #tpu.memory_space<vmem>> -> memref<1x64xi32, #tpu.memory_space<vmem>>
      %dma_start3A_233 = tpu.memref_squeeze %dma_start3A_232 : memref<1x64xi32, #tpu.memory_space<vmem>> -> memref<64xi32, #tpu.memory_space<vmem>>
      %dma_start3A_234 = arith.constant 0 : i32
      %dma_start3A_235 = arith.constant 0 : i32
      %dma_start3A_236 = tpu.memref_slice %arg2[%dma_start3A_234, %dma_start3A_235] : memref<10240x128xf32, #tpu.memory_space<hbm>> -> memref<10240x128xf32, #tpu.memory_space<hbm>>
      tpu.enqueue_indirect_dma source(%dma_start3A_236 : memref<10240x128xf32, #tpu.memory_space<hbm>>) target(%dma_start3A_230 : memref<64x128xf32, #tpu.memory_space<vmem>>) offsets(%dma_start3A_233 : memref<64xi32, #tpu.memory_space<vmem>>) semaphore(%arg12 : memref<!tpu.dma_semaphore, #tpu.memory_space<semaphore_mem>>)
      %add3A_237 = arith.constant 1 : i32
      %add3A_238 = arith.addi %mul3A_186, %add3A_237 : i32
      %mul3A_239 = arith.constant 2 : i32
      %mul3A_240 = arith.muli %mul3A_239, %add3A_238 : i32
      %mul3A_241 = arith.constant 2 : i32
      %mul3A_242 = arith.muli %mul3A_241, %add3A_238 : i32
      %add3A_243 = arith.constant 1 : i32
      %add3A_244 = arith.addi %mul3A_242, %add3A_243 : i32
      %dma_wait3A_245 = arith.constant 0 : i32
      %dma_wait3A_246 = arith.constant 0 : i32
      %dma_wait3A_247 = tpu.memref_slice %arg10[%dma_wait3A_245, %dma_wait3A_246] : memref<128x128xf32, #tpu.memory_space<vmem>> -> memref<64x128xf32, #tpu.memory_space<vmem>>
      %dma_wait3A_248 = arith.constant 0 : i32
      %dma_wait3A_249 = tpu.memref_slice %arg7[%mul3A_240, %dma_wait3A_248] : memref<80x64xi32, #tpu.memory_space<vmem>> -> memref<1x64xi32, #tpu.memory_space<vmem>>
      %dma_wait3A_250 = tpu.memref_squeeze %dma_wait3A_249 : memref<1x64xi32, #tpu.memory_space<vmem>> -> memref<64xi32, #tpu.memory_space<vmem>>
      %dma_wait3A_251 = arith.constant 0 : i32
      %dma_wait3A_252 = arith.constant 0 : i32
      %dma_wait3A_253 = tpu.memref_slice %arg2[%dma_wait3A_251, %dma_wait3A_252] : memref<10240x128xf32, #tpu.memory_space<hbm>> -> memref<10240x128xf32, #tpu.memory_space<hbm>>
      tpu.wait_indirect_dma semaphore(%arg13 : memref<!tpu.dma_semaphore, #tpu.memory_space<semaphore_mem>>) src(%dma_wait3A_253 : memref<10240x128xf32, #tpu.memory_space<hbm>>) dst(%dma_wait3A_247 : memref<64x128xf32, #tpu.memory_space<vmem>>)
      %dma_wait3A_254 = arith.constant 64 : i32
      %dma_wait3A_255 = arith.constant 0 : i32
      %dma_wait3A_256 = tpu.memref_slice %arg10[%dma_wait3A_254, %dma_wait3A_255] : memref<128x128xf32, #tpu.memory_space<vmem>> -> memref<64x128xf32, #tpu.memory_space<vmem>>
      %dma_wait3A_257 = arith.constant 0 : i32
      %dma_wait3A_258 = tpu.memref_slice %arg7[%add3A_244, %dma_wait3A_257] : memref<80x64xi32, #tpu.memory_space<vmem>> -> memref<1x64xi32, #tpu.memory_space<vmem>>
      %dma_wait3A_259 = tpu.memref_squeeze %dma_wait3A_258 : memref<1x64xi32, #tpu.memory_space<vmem>> -> memref<64xi32, #tpu.memory_space<vmem>>
      %dma_wait3A_260 = arith.constant 0 : i32
      %dma_wait3A_261 = arith.constant 0 : i32
      %dma_wait3A_262 = tpu.memref_slice %arg2[%dma_wait3A_260, %dma_wait3A_261] : memref<10240x128xf32, #tpu.memory_space<hbm>> -> memref<10240x128xf32, #tpu.memory_space<hbm>>
      tpu.wait_indirect_dma semaphore(%arg13 : memref<!tpu.dma_semaphore, #tpu.memory_space<semaphore_mem>>) src(%dma_wait3A_262 : memref<10240x128xf32, #tpu.memory_space<hbm>>) dst(%dma_wait3A_256 : memref<64x128xf32, #tpu.memory_space<vmem>>)
      %add3A_263 = arith.constant 1 : i32
      %add3A_264 = arith.addi %mul3A_186, %add3A_263 : i32
      "tpu.region"() ({
        %run_scoped3A_291 = tpu.sem_alloc : memref<!tpu.dma_semaphore, #tpu.memory_space<semaphore_mem>>
        %dma_start3A_292 = arith.constant 0 : i32
        %dma_start3A_293 = tpu.memref_slice %arg8[%add3A_264, %dma_start3A_292] : memref<40x128xi32, #tpu.memory_space<vmem>> -> memref<1x128xi32, #tpu.memory_space<vmem>>
        %dma_start3A_294 = tpu.memref_squeeze %dma_start3A_293 : memref<1x128xi32, #tpu.memory_space<vmem>> -> memref<128xi32, #tpu.memory_space<vmem>>
        %dma_start3A_295 = arith.constant 0 : i32
        %dma_start3A_296 = arith.constant 0 : i32
        %dma_start3A_297 = tpu.memref_slice %arg11[%dma_start3A_295, %dma_start3A_296] : memref<10240x128xf32, #tpu.memory_space<vmem_shared>> -> memref<10240x128xf32, #tpu.memory_space<vmem_shared>>
        tpu.enqueue_indirect_dma source(%arg10 : memref<128x128xf32, #tpu.memory_space<vmem>>) target(%dma_start3A_297 : memref<10240x128xf32, #tpu.memory_space<vmem_shared>>) offsets(%dma_start3A_294 : memref<128xi32, #tpu.memory_space<vmem>>) semaphore(%run_scoped3A_291 : memref<!tpu.dma_semaphore, #tpu.memory_space<semaphore_mem>>) {add = true}
        %dma_wait3A_298 = arith.constant 0 : i32
        %dma_wait3A_299 = tpu.memref_slice %arg8[%add3A_264, %dma_wait3A_298] : memref<40x128xi32, #tpu.memory_space<vmem>> -> memref<1x128xi32, #tpu.memory_space<vmem>>
        %dma_wait3A_300 = tpu.memref_squeeze %dma_wait3A_299 : memref<1x128xi32, #tpu.memory_space<vmem>> -> memref<128xi32, #tpu.memory_space<vmem>>
        %dma_wait3A_301 = arith.constant 0 : i32
        %dma_wait3A_302 = arith.constant 0 : i32
        %dma_wait3A_303 = tpu.memref_slice %arg11[%dma_wait3A_301, %dma_wait3A_302] : memref<10240x128xf32, #tpu.memory_space<vmem_shared>> -> memref<10240x128xf32, #tpu.memory_space<vmem_shared>>
        tpu.wait_indirect_dma semaphore(%run_scoped3A_291 : memref<!tpu.dma_semaphore, #tpu.memory_space<semaphore_mem>>) src(%arg10 : memref<128x128xf32, #tpu.memory_space<vmem>>) dst(%dma_wait3A_303 : memref<10240x128xf32, #tpu.memory_space<vmem_shared>>)
        tpu.yield
      }) : () -> ()
      %add3A_265 = arith.constant 3 : i32
      %add3A_266 = arith.addi %mul3A_186, %add3A_265 : i32
      %mul3A_267 = arith.constant 2 : i32
      %mul3A_268 = arith.muli %mul3A_267, %add3A_266 : i32
      %mul3A_269 = arith.constant 2 : i32
      %mul3A_270 = arith.muli %mul3A_269, %add3A_266 : i32
      %add3A_271 = arith.constant 1 : i32
      %add3A_272 = arith.addi %mul3A_270, %add3A_271 : i32
      %dma_start3A_273 = arith.constant 0 : i32
      %dma_start3A_274 = arith.constant 0 : i32
      %dma_start3A_275 = tpu.memref_slice %arg10[%dma_start3A_273, %dma_start3A_274] : memref<128x128xf32, #tpu.memory_space<vmem>> -> memref<64x128xf32, #tpu.memory_space<vmem>>
      %dma_start3A_276 = arith.constant 0 : i32
      %dma_start3A_277 = tpu.memref_slice %arg7[%mul3A_268, %dma_start3A_276] : memref<80x64xi32, #tpu.memory_space<vmem>> -> memref<1x64xi32, #tpu.memory_space<vmem>>
      %dma_start3A_278 = tpu.memref_squeeze %dma_start3A_277 : memref<1x64xi32, #tpu.memory_space<vmem>> -> memref<64xi32, #tpu.memory_space<vmem>>
      %dma_start3A_279 = arith.constant 0 : i32
      %dma_start3A_280 = arith.constant 0 : i32
      %dma_start3A_281 = tpu.memref_slice %arg2[%dma_start3A_279, %dma_start3A_280] : memref<10240x128xf32, #tpu.memory_space<hbm>> -> memref<10240x128xf32, #tpu.memory_space<hbm>>
      tpu.enqueue_indirect_dma source(%dma_start3A_281 : memref<10240x128xf32, #tpu.memory_space<hbm>>) target(%dma_start3A_275 : memref<64x128xf32, #tpu.memory_space<vmem>>) offsets(%dma_start3A_278 : memref<64xi32, #tpu.memory_space<vmem>>) semaphore(%arg13 : memref<!tpu.dma_semaphore, #tpu.memory_space<semaphore_mem>>)
      %dma_start3A_282 = arith.constant 64 : i32
      %dma_start3A_283 = arith.constant 0 : i32
      %dma_start3A_284 = tpu.memref_slice %arg10[%dma_start3A_282, %dma_start3A_283] : memref<128x128xf32, #tpu.memory_space<vmem>> -> memref<64x128xf32, #tpu.memory_space<vmem>>
      %dma_start3A_285 = arith.constant 0 : i32
      %dma_start3A_286 = tpu.memref_slice %arg7[%add3A_272, %dma_start3A_285] : memref<80x64xi32, #tpu.memory_space<vmem>> -> memref<1x64xi32, #tpu.memory_space<vmem>>
      %dma_start3A_287 = tpu.memref_squeeze %dma_start3A_286 : memref<1x64xi32, #tpu.memory_space<vmem>> -> memref<64xi32, #tpu.memory_space<vmem>>
      %dma_start3A_288 = arith.constant 0 : i32
      %dma_start3A_289 = arith.constant 0 : i32
      %dma_start3A_290 = tpu.memref_slice %arg2[%dma_start3A_288, %dma_start3A_289] : memref<10240x128xf32, #tpu.memory_space<hbm>> -> memref<10240x128xf32, #tpu.memory_space<hbm>>
      tpu.enqueue_indirect_dma source(%dma_start3A_290 : memref<10240x128xf32, #tpu.memory_space<hbm>>) target(%dma_start3A_284 : memref<64x128xf32, #tpu.memory_space<vmem>>) offsets(%dma_start3A_287 : memref<64xi32, #tpu.memory_space<vmem>>) semaphore(%arg13 : memref<!tpu.dma_semaphore, #tpu.memory_space<semaphore_mem>>)
    }
    %scan3A_132 = arith.constant 19 : i32
    %dma_wait3A_133 = arith.constant 76 : i32
    %dma_wait3A_134 = arith.constant 0 : i32
    %dma_wait3A_135 = arith.constant 0 : i32
    %dma_wait3A_136 = tpu.memref_slice %arg9[%dma_wait3A_134, %dma_wait3A_135] : memref<128x128xf32, #tpu.memory_space<vmem>> -> memref<64x128xf32, #tpu.memory_space<vmem>>
    %dma_wait3A_137 = arith.constant 0 : i32
    %dma_wait3A_138 = tpu.memref_slice %arg7[%dma_wait3A_133, %dma_wait3A_137] : memref<80x64xi32, #tpu.memory_space<vmem>> -> memref<1x64xi32, #tpu.memory_space<vmem>>
    %dma_wait3A_139 = tpu.memref_squeeze %dma_wait3A_138 : memref<1x64xi32, #tpu.memory_space<vmem>> -> memref<64xi32, #tpu.memory_space<vmem>>
    %dma_wait3A_140 = arith.constant 0 : i32
    %dma_wait3A_141 = arith.constant 0 : i32
    %dma_wait3A_142 = tpu.memref_slice %arg2[%dma_wait3A_140, %dma_wait3A_141] : memref<10240x128xf32, #tpu.memory_space<hbm>> -> memref<10240x128xf32, #tpu.memory_space<hbm>>
    tpu.wait_indirect_dma semaphore(%arg12 : memref<!tpu.dma_semaphore, #tpu.memory_space<semaphore_mem>>) src(%dma_wait3A_142 : memref<10240x128xf32, #tpu.memory_space<hbm>>) dst(%dma_wait3A_136 : memref<64x128xf32, #tpu.memory_space<vmem>>)
    %dma_wait3A_143 = arith.constant 77 : i32
    %dma_wait3A_144 = arith.constant 64 : i32
    %dma_wait3A_145 = arith.constant 0 : i32
    %dma_wait3A_146 = tpu.memref_slice %arg9[%dma_wait3A_144, %dma_wait3A_145] : memref<128x128xf32, #tpu.memory_space<vmem>> -> memref<64x128xf32, #tpu.memory_space<vmem>>
    %dma_wait3A_147 = arith.constant 0 : i32
    %dma_wait3A_148 = tpu.memref_slice %arg7[%dma_wait3A_143, %dma_wait3A_147] : memref<80x64xi32, #tpu.memory_space<vmem>> -> memref<1x64xi32, #tpu.memory_space<vmem>>
    %dma_wait3A_149 = tpu.memref_squeeze %dma_wait3A_148 : memref<1x64xi32, #tpu.memory_space<vmem>> -> memref<64xi32, #tpu.memory_space<vmem>>
    %dma_wait3A_150 = arith.constant 0 : i32
    %dma_wait3A_151 = arith.constant 0 : i32
    %dma_wait3A_152 = tpu.memref_slice %arg2[%dma_wait3A_150, %dma_wait3A_151] : memref<10240x128xf32, #tpu.memory_space<hbm>> -> memref<10240x128xf32, #tpu.memory_space<hbm>>
    tpu.wait_indirect_dma semaphore(%arg12 : memref<!tpu.dma_semaphore, #tpu.memory_space<semaphore_mem>>) src(%dma_wait3A_152 : memref<10240x128xf32, #tpu.memory_space<hbm>>) dst(%dma_wait3A_146 : memref<64x128xf32, #tpu.memory_space<vmem>>)
    %run_scoped3A_153 = arith.constant 38 : i32
    "tpu.region"() ({
      %run_scoped3A_180 = tpu.sem_alloc : memref<!tpu.dma_semaphore, #tpu.memory_space<semaphore_mem>>
      %dma_start3A_181 = arith.constant 0 : i32
      %dma_start3A_182 = tpu.memref_slice %arg8[%run_scoped3A_153, %dma_start3A_181] : memref<40x128xi32, #tpu.memory_space<vmem>> -> memref<1x128xi32, #tpu.memory_space<vmem>>
      %dma_start3A_183 = tpu.memref_squeeze %dma_start3A_182 : memref<1x128xi32, #tpu.memory_space<vmem>> -> memref<128xi32, #tpu.memory_space<vmem>>
      %dma_start3A_184 = arith.constant 0 : i32
      %dma_start3A_185 = arith.constant 0 : i32
      %dma_start3A_186 = tpu.memref_slice %arg11[%dma_start3A_184, %dma_start3A_185] : memref<10240x128xf32, #tpu.memory_space<vmem_shared>> -> memref<10240x128xf32, #tpu.memory_space<vmem_shared>>
      tpu.enqueue_indirect_dma source(%arg9 : memref<128x128xf32, #tpu.memory_space<vmem>>) target(%dma_start3A_186 : memref<10240x128xf32, #tpu.memory_space<vmem_shared>>) offsets(%dma_start3A_183 : memref<128xi32, #tpu.memory_space<vmem>>) semaphore(%run_scoped3A_180 : memref<!tpu.dma_semaphore, #tpu.memory_space<semaphore_mem>>) {add = true}
      %dma_wait3A_187 = arith.constant 0 : i32
      %dma_wait3A_188 = tpu.memref_slice %arg8[%run_scoped3A_153, %dma_wait3A_187] : memref<40x128xi32, #tpu.memory_space<vmem>> -> memref<1x128xi32, #tpu.memory_space<vmem>>
      %dma_wait3A_189 = tpu.memref_squeeze %dma_wait3A_188 : memref<1x128xi32, #tpu.memory_space<vmem>> -> memref<128xi32, #tpu.memory_space<vmem>>
      %dma_wait3A_190 = arith.constant 0 : i32
      %dma_wait3A_191 = arith.constant 0 : i32
      %dma_wait3A_192 = tpu.memref_slice %arg11[%dma_wait3A_190, %dma_wait3A_191] : memref<10240x128xf32, #tpu.memory_space<vmem_shared>> -> memref<10240x128xf32, #tpu.memory_space<vmem_shared>>
      tpu.wait_indirect_dma semaphore(%run_scoped3A_180 : memref<!tpu.dma_semaphore, #tpu.memory_space<semaphore_mem>>) src(%arg9 : memref<128x128xf32, #tpu.memory_space<vmem>>) dst(%dma_wait3A_192 : memref<10240x128xf32, #tpu.memory_space<vmem_shared>>)
      tpu.yield
    }) : () -> ()
    %dma_wait3A_154 = arith.constant 78 : i32
    %dma_wait3A_155 = arith.constant 0 : i32
    %dma_wait3A_156 = arith.constant 0 : i32
    %dma_wait3A_157 = tpu.memref_slice %arg10[%dma_wait3A_155, %dma_wait3A_156] : memref<128x128xf32, #tpu.memory_space<vmem>> -> memref<64x128xf32, #tpu.memory_space<vmem>>
    %dma_wait3A_158 = arith.constant 0 : i32
    %dma_wait3A_159 = tpu.memref_slice %arg7[%dma_wait3A_154, %dma_wait3A_158] : memref<80x64xi32, #tpu.memory_space<vmem>> -> memref<1x64xi32, #tpu.memory_space<vmem>>
    %dma_wait3A_160 = tpu.memref_squeeze %dma_wait3A_159 : memref<1x64xi32, #tpu.memory_space<vmem>> -> memref<64xi32, #tpu.memory_space<vmem>>
    %dma_wait3A_161 = arith.constant 0 : i32
    %dma_wait3A_162 = arith.constant 0 : i32
    %dma_wait3A_163 = tpu.memref_slice %arg2[%dma_wait3A_161, %dma_wait3A_162] : memref<10240x128xf32, #tpu.memory_space<hbm>> -> memref<10240x128xf32, #tpu.memory_space<hbm>>
    tpu.wait_indirect_dma semaphore(%arg13 : memref<!tpu.dma_semaphore, #tpu.memory_space<semaphore_mem>>) src(%dma_wait3A_163 : memref<10240x128xf32, #tpu.memory_space<hbm>>) dst(%dma_wait3A_157 : memref<64x128xf32, #tpu.memory_space<vmem>>)
    %dma_wait3A_164 = arith.constant 79 : i32
    %dma_wait3A_165 = arith.constant 64 : i32
    %dma_wait3A_166 = arith.constant 0 : i32
    %dma_wait3A_167 = tpu.memref_slice %arg10[%dma_wait3A_165, %dma_wait3A_166] : memref<128x128xf32, #tpu.memory_space<vmem>> -> memref<64x128xf32, #tpu.memory_space<vmem>>
    %dma_wait3A_168 = arith.constant 0 : i32
    %dma_wait3A_169 = tpu.memref_slice %arg7[%dma_wait3A_164, %dma_wait3A_168] : memref<80x64xi32, #tpu.memory_space<vmem>> -> memref<1x64xi32, #tpu.memory_space<vmem>>
    %dma_wait3A_170 = tpu.memref_squeeze %dma_wait3A_169 : memref<1x64xi32, #tpu.memory_space<vmem>> -> memref<64xi32, #tpu.memory_space<vmem>>
    %dma_wait3A_171 = arith.constant 0 : i32
    %dma_wait3A_172 = arith.constant 0 : i32
    %dma_wait3A_173 = tpu.memref_slice %arg2[%dma_wait3A_171, %dma_wait3A_172] : memref<10240x128xf32, #tpu.memory_space<hbm>> -> memref<10240x128xf32, #tpu.memory_space<hbm>>
    tpu.wait_indirect_dma semaphore(%arg13 : memref<!tpu.dma_semaphore, #tpu.memory_space<semaphore_mem>>) src(%dma_wait3A_173 : memref<10240x128xf32, #tpu.memory_space<hbm>>) dst(%dma_wait3A_167 : memref<64x128xf32, #tpu.memory_space<vmem>>)
    %run_scoped3A_174 = arith.constant 39 : i32
    "tpu.region"() ({
      %run_scoped3A_180 = tpu.sem_alloc : memref<!tpu.dma_semaphore, #tpu.memory_space<semaphore_mem>>
      %dma_start3A_181 = arith.constant 0 : i32
      %dma_start3A_182 = tpu.memref_slice %arg8[%run_scoped3A_174, %dma_start3A_181] : memref<40x128xi32, #tpu.memory_space<vmem>> -> memref<1x128xi32, #tpu.memory_space<vmem>>
      %dma_start3A_183 = tpu.memref_squeeze %dma_start3A_182 : memref<1x128xi32, #tpu.memory_space<vmem>> -> memref<128xi32, #tpu.memory_space<vmem>>
      %dma_start3A_184 = arith.constant 0 : i32
      %dma_start3A_185 = arith.constant 0 : i32
      %dma_start3A_186 = tpu.memref_slice %arg11[%dma_start3A_184, %dma_start3A_185] : memref<10240x128xf32, #tpu.memory_space<vmem_shared>> -> memref<10240x128xf32, #tpu.memory_space<vmem_shared>>
      tpu.enqueue_indirect_dma source(%arg10 : memref<128x128xf32, #tpu.memory_space<vmem>>) target(%dma_start3A_186 : memref<10240x128xf32, #tpu.memory_space<vmem_shared>>) offsets(%dma_start3A_183 : memref<128xi32, #tpu.memory_space<vmem>>) semaphore(%run_scoped3A_180 : memref<!tpu.dma_semaphore, #tpu.memory_space<semaphore_mem>>) {add = true}
      %dma_wait3A_187 = arith.constant 0 : i32
      %dma_wait3A_188 = tpu.memref_slice %arg8[%run_scoped3A_174, %dma_wait3A_187] : memref<40x128xi32, #tpu.memory_space<vmem>> -> memref<1x128xi32, #tpu.memory_space<vmem>>
      %dma_wait3A_189 = tpu.memref_squeeze %dma_wait3A_188 : memref<1x128xi32, #tpu.memory_space<vmem>> -> memref<128xi32, #tpu.memory_space<vmem>>
      %dma_wait3A_190 = arith.constant 0 : i32
      %dma_wait3A_191 = arith.constant 0 : i32
      %dma_wait3A_192 = tpu.memref_slice %arg11[%dma_wait3A_190, %dma_wait3A_191] : memref<10240x128xf32, #tpu.memory_space<vmem_shared>> -> memref<10240x128xf32, #tpu.memory_space<vmem_shared>>
      tpu.wait_indirect_dma semaphore(%run_scoped3A_180 : memref<!tpu.dma_semaphore, #tpu.memory_space<semaphore_mem>>) src(%arg10 : memref<128x128xf32, #tpu.memory_space<vmem>>) dst(%dma_wait3A_192 : memref<10240x128xf32, #tpu.memory_space<vmem_shared>>)
      tpu.yield
    }) : () -> ()
    %barrier3A_175 = arith.constant 0 : index
    tpu.barrier barrier_id(%barrier3A_175)
    %mul3A_176 = arith.constant 640 : i32
    %mul3A_177 = arith.muli %arg1, %mul3A_176 : i32
    %mul3A_178 = arith.constant 640 : i32
    %mul3A_179 = arith.muli %arg1, %mul3A_178 : i32
    "tpu.region"() ({
      %run_scoped3A_180 = tpu.sem_alloc : memref<!tpu.dma_semaphore, #tpu.memory_space<semaphore_mem>>
      %dma_start3A_181 = arith.constant 0 : i32
      %dma_start3A_182 = arith.constant 0 : i32
      %dma_start3A_183 = tpu.memref_slice %arg6[%arg0, %dma_start3A_181, %dma_start3A_182] : memref<2x10240x128xf32, #tpu.memory_space<hbm>> -> memref<1x10240x128xf32, #tpu.memory_space<hbm>>
      %dma_start3A_184 = tpu.memref_squeeze %dma_start3A_183 : memref<1x10240x128xf32, #tpu.memory_space<hbm>> -> memref<10240x128xf32, #tpu.memory_space<hbm>>
      %dma_start3A_185 = arith.constant 0 : i32
      %dma_start3A_186 = tpu.memref_slice %dma_start3A_184[%mul3A_179, %dma_start3A_185] : memref<10240x128xf32, #tpu.memory_space<hbm>> -> memref<640x128xf32, #tpu.memory_space<hbm>>
      %dma_start3A_187 = arith.constant 0 : i32
      %dma_start3A_188 = tpu.memref_slice %arg11[%mul3A_177, %dma_start3A_187] : memref<10240x128xf32, #tpu.memory_space<vmem_shared>> -> memref<640x128xf32, #tpu.memory_space<vmem_shared>>
      tpu.enqueue_dma source(%dma_start3A_188 : memref<640x128xf32, #tpu.memory_space<vmem_shared>>) target(%dma_start3A_186 : memref<640x128xf32, #tpu.memory_space<hbm>>) target_semaphore(%run_scoped3A_180 : memref<!tpu.dma_semaphore, #tpu.memory_space<semaphore_mem>>)
      %dma_wait3A_189 = arith.constant 0 : i32
      %dma_wait3A_190 = arith.constant 0 : i32
      %dma_wait3A_191 = tpu.memref_slice %arg6[%arg0, %dma_wait3A_189, %dma_wait3A_190] : memref<2x10240x128xf32, #tpu.memory_space<hbm>> -> memref<1x10240x128xf32, #tpu.memory_space<hbm>>
      %dma_wait3A_192 = tpu.memref_squeeze %dma_wait3A_191 : memref<1x10240x128xf32, #tpu.memory_space<hbm>> -> memref<10240x128xf32, #tpu.memory_space<hbm>>
      %dma_wait3A_193 = arith.constant 0 : i32
      %dma_wait3A_194 = tpu.memref_slice %dma_wait3A_192[%mul3A_179, %dma_wait3A_193] : memref<10240x128xf32, #tpu.memory_space<hbm>> -> memref<640x128xf32, #tpu.memory_space<hbm>>
      %dma_wait3A_195 = arith.constant 0 : i32
      %dma_wait3A_196 = tpu.memref_slice %arg11[%mul3A_177, %dma_wait3A_195] : memref<10240x128xf32, #tpu.memory_space<vmem_shared>> -> memref<640x128xf32, #tpu.memory_space<vmem_shared>>
      tpu.wait_dma2 semaphore(%run_scoped3A_180 : memref<!tpu.dma_semaphore, #tpu.memory_space<semaphore_mem>>) src(%dma_wait3A_196 : memref<640x128xf32, #tpu.memory_space<vmem_shared>>) dst(%dma_wait3A_194 : memref<640x128xf32, #tpu.memory_space<hbm>>)
      tpu.yield
    }) : () -> ()
    return
  }
}

#map = affine_map<(d0, d1) -> (0, 0)>
#map1 = affine_map<(d0, d1) -> (0, 0, 0)>
module attributes {stable_mosaic.version = 14 : i64} {
  func.func @k(%arg0: i32, %arg1: i32, %arg2: memref<10240x128xf32, #tpu.memory_space<hbm>>, %arg3: memref<32x160x64xi32, #tpu.memory_space<hbm>>, %arg4: memref<32x80x128xi32, #tpu.memory_space<hbm>>, %arg5: memref<10240x128xf32, #tpu.memory_space<hbm>>, %arg6: memref<2x10240x128xf32, #tpu.memory_space<hbm>>, %arg7: memref<80x64xi32, #tpu.memory_space<vmem>>, %arg8: memref<40x128xi32, #tpu.memory_space<vmem>>, %arg9: memref<128x128xf32, #tpu.memory_space<vmem>>, %arg10: memref<128x128xf32, #tpu.memory_space<vmem>>, %arg11: memref<10240x128xf32, #tpu.memory_space<vmem_shared>>, %arg12: memref<!tpu.dma_semaphore, #tpu.memory_space<semaphore_mem>>, %arg13: memref<!tpu.dma_semaphore, #tpu.memory_space<semaphore_mem>>) attributes {dimension_semantics = [#tpu.dimension_semantics<core_parallel>, #tpu.dimension_semantics<subcore_parallel>], iteration_bounds = array<i64: 2, 16>, scalar_prefetch = 0 : i64, scratch_operands = 7 : i64, tpu.core_type = #tpu.core_type<sc_vector_subcore>, window_params = [{transform_indices = #map}, {transform_indices = #map1}, {transform_indices = #map1}, {transform_indices = #map}, {transform_indices = #map1}]} {
    %mul3A = arith.constant 2 : i32
    %mul3A_0 = arith.muli %arg1, %mul3A : i32
    %add3A = arith.addi %mul3A_0, %arg0 : i32
    %mul3A_1 = arith.constant 640 : i32
    %mul3A_2 = arith.muli %arg1, %mul3A_1 : i32
    %mul3A_3 = arith.constant 640 : i32
    %mul3A_4 = arith.muli %arg1, %mul3A_3 : i32
    "tpu.region"() ({
      %run_scoped3A_180 = tpu.sem_alloc : memref<!tpu.dma_semaphore, #tpu.memory_space<semaphore_mem>>
      %dma_start3A_181 = arith.constant 0 : i32
      %dma_start3A_182 = tpu.memref_slice %arg11[%mul3A_4, %dma_start3A_181] : memref<10240x128xf32, #tpu.memory_space<vmem_shared>> -> memref<640x128xf32, #tpu.memory_space<vmem_shared>>
      %dma_start3A_183 = arith.constant 0 : i32
      %dma_start3A_184 = tpu.memref_slice %arg5[%mul3A_2, %dma_start3A_183] : memref<10240x128xf32, #tpu.memory_space<hbm>> -> memref<640x128xf32, #tpu.memory_space<hbm>>
      tpu.enqueue_dma source(%dma_start3A_184 : memref<640x128xf32, #tpu.memory_space<hbm>>) target(%dma_start3A_182 : memref<640x128xf32, #tpu.memory_space<vmem_shared>>) target_semaphore(%run_scoped3A_180 : memref<!tpu.dma_semaphore, #tpu.memory_space<semaphore_mem>>)
      %dma_wait3A_185 = arith.constant 0 : i32
      %dma_wait3A_186 = tpu.memref_slice %arg11[%mul3A_4, %dma_wait3A_185] : memref<10240x128xf32, #tpu.memory_space<vmem_shared>> -> memref<640x128xf32, #tpu.memory_space<vmem_shared>>
      %dma_wait3A_187 = arith.constant 0 : i32
      %dma_wait3A_188 = tpu.memref_slice %arg5[%mul3A_2, %dma_wait3A_187] : memref<10240x128xf32, #tpu.memory_space<hbm>> -> memref<640x128xf32, #tpu.memory_space<hbm>>
      tpu.wait_dma2 semaphore(%run_scoped3A_180 : memref<!tpu.dma_semaphore, #tpu.memory_space<semaphore_mem>>) src(%dma_wait3A_188 : memref<640x128xf32, #tpu.memory_space<hbm>>) dst(%dma_wait3A_186 : memref<640x128xf32, #tpu.memory_space<vmem_shared>>)
      tpu.yield
    }) : () -> ()
    %barrier3A = arith.constant 0 : index
    tpu.barrier barrier_id(%barrier3A)
    "tpu.region"() ({
      %run_scoped3A_180 = tpu.sem_alloc : memref<!tpu.dma_semaphore, #tpu.memory_space<semaphore_mem>>
      %dma_start3A_181 = arith.constant 0 : i32
      %dma_start3A_182 = arith.constant 0 : i32
      %dma_start3A_183 = tpu.memref_slice %arg3[%add3A, %dma_start3A_181, %dma_start3A_182] : memref<32x160x64xi32, #tpu.memory_space<hbm>> -> memref<1x160x64xi32, #tpu.memory_space<hbm>>
      %dma_start3A_184 = tpu.memref_squeeze %dma_start3A_183 : memref<1x160x64xi32, #tpu.memory_space<hbm>> -> memref<160x64xi32, #tpu.memory_space<hbm>>
      %dma_start3A_185 = arith.constant 0 : i32
      %dma_start3A_186 = arith.constant 0 : i32
      %dma_start3A_187 = tpu.memref_slice %dma_start3A_184[%dma_start3A_185, %dma_start3A_186] : memref<160x64xi32, #tpu.memory_space<hbm>> -> memref<80x64xi32, #tpu.memory_space<hbm>>
      %dma_start3A_188 = arith.constant 0 : i32
      %dma_start3A_189 = arith.constant 0 : i32
      %dma_start3A_190 = tpu.memref_slice %arg3[%add3A, %dma_start3A_188, %dma_start3A_189] : memref<32x160x64xi32, #tpu.memory_space<hbm>> -> memref<1x160x64xi32, #tpu.memory_space<hbm>>
      %dma_start3A_191 = tpu.memref_squeeze %dma_start3A_190 : memref<1x160x64xi32, #tpu.memory_space<hbm>> -> memref<160x64xi32, #tpu.memory_space<hbm>>
      %dma_start3A_192 = arith.constant 0 : i32
      %dma_start3A_193 = arith.constant 0 : i32
      %dma_start3A_194 = tpu.memref_slice %dma_start3A_191[%dma_start3A_192, %dma_start3A_193] : memref<160x64xi32, #tpu.memory_space<hbm>> -> memref<80x64xi32, #tpu.memory_space<hbm>>
      tpu.enqueue_dma source(%dma_start3A_194 : memref<80x64xi32, #tpu.memory_space<hbm>>) target(%arg7 : memref<80x64xi32, #tpu.memory_space<vmem>>) target_semaphore(%run_scoped3A_180 : memref<!tpu.dma_semaphore, #tpu.memory_space<semaphore_mem>>)
      %dma_wait3A_195 = arith.constant 0 : i32
      %dma_wait3A_196 = arith.constant 0 : i32
      %dma_wait3A_197 = tpu.memref_slice %arg3[%add3A, %dma_wait3A_195, %dma_wait3A_196] : memref<32x160x64xi32, #tpu.memory_space<hbm>> -> memref<1x160x64xi32, #tpu.memory_space<hbm>>
      %dma_wait3A_198 = tpu.memref_squeeze %dma_wait3A_197 : memref<1x160x64xi32, #tpu.memory_space<hbm>> -> memref<160x64xi32, #tpu.memory_space<hbm>>
      %dma_wait3A_199 = arith.constant 0 : i32
      %dma_wait3A_200 = arith.constant 0 : i32
      %dma_wait3A_201 = tpu.memref_slice %dma_wait3A_198[%dma_wait3A_199, %dma_wait3A_200] : memref<160x64xi32, #tpu.memory_space<hbm>> -> memref<80x64xi32, #tpu.memory_space<hbm>>
      %dma_wait3A_202 = arith.constant 0 : i32
      %dma_wait3A_203 = arith.constant 0 : i32
      %dma_wait3A_204 = tpu.memref_slice %arg3[%add3A, %dma_wait3A_202, %dma_wait3A_203] : memref<32x160x64xi32, #tpu.memory_space<hbm>> -> memref<1x160x64xi32, #tpu.memory_space<hbm>>
      %dma_wait3A_205 = tpu.memref_squeeze %dma_wait3A_204 : memref<1x160x64xi32, #tpu.memory_space<hbm>> -> memref<160x64xi32, #tpu.memory_space<hbm>>
      %dma_wait3A_206 = arith.constant 0 : i32
      %dma_wait3A_207 = arith.constant 0 : i32
      %dma_wait3A_208 = tpu.memref_slice %dma_wait3A_205[%dma_wait3A_206, %dma_wait3A_207] : memref<160x64xi32, #tpu.memory_space<hbm>> -> memref<80x64xi32, #tpu.memory_space<hbm>>
      tpu.wait_dma2 semaphore(%run_scoped3A_180 : memref<!tpu.dma_semaphore, #tpu.memory_space<semaphore_mem>>) src(%dma_wait3A_208 : memref<80x64xi32, #tpu.memory_space<hbm>>) dst(%arg7 : memref<80x64xi32, #tpu.memory_space<vmem>>)
      tpu.yield
    }) : () -> ()
    "tpu.region"() ({
      %run_scoped3A_180 = tpu.sem_alloc : memref<!tpu.dma_semaphore, #tpu.memory_space<semaphore_mem>>
      %dma_start3A_181 = arith.constant 0 : i32
      %dma_start3A_182 = arith.constant 0 : i32
      %dma_start3A_183 = tpu.memref_slice %arg4[%add3A, %dma_start3A_181, %dma_start3A_182] : memref<32x80x128xi32, #tpu.memory_space<hbm>> -> memref<1x80x128xi32, #tpu.memory_space<hbm>>
      %dma_start3A_184 = tpu.memref_squeeze %dma_start3A_183 : memref<1x80x128xi32, #tpu.memory_space<hbm>> -> memref<80x128xi32, #tpu.memory_space<hbm>>
      %dma_start3A_185 = arith.constant 0 : i32
      %dma_start3A_186 = arith.constant 0 : i32
      %dma_start3A_187 = tpu.memref_slice %dma_start3A_184[%dma_start3A_185, %dma_start3A_186] : memref<80x128xi32, #tpu.memory_space<hbm>> -> memref<40x128xi32, #tpu.memory_space<hbm>>
      %dma_start3A_188 = arith.constant 0 : i32
      %dma_start3A_189 = arith.constant 0 : i32
      %dma_start3A_190 = tpu.memref_slice %arg4[%add3A, %dma_start3A_188, %dma_start3A_189] : memref<32x80x128xi32, #tpu.memory_space<hbm>> -> memref<1x80x128xi32, #tpu.memory_space<hbm>>
      %dma_start3A_191 = tpu.memref_squeeze %dma_start3A_190 : memref<1x80x128xi32, #tpu.memory_space<hbm>> -> memref<80x128xi32, #tpu.memory_space<hbm>>
      %dma_start3A_192 = arith.constant 0 : i32
      %dma_start3A_193 = arith.constant 0 : i32
      %dma_start3A_194 = tpu.memref_slice %dma_start3A_191[%dma_start3A_192, %dma_start3A_193] : memref<80x128xi32, #tpu.memory_space<hbm>> -> memref<40x128xi32, #tpu.memory_space<hbm>>
      tpu.enqueue_dma source(%dma_start3A_194 : memref<40x128xi32, #tpu.memory_space<hbm>>) target(%arg8 : memref<40x128xi32, #tpu.memory_space<vmem>>) target_semaphore(%run_scoped3A_180 : memref<!tpu.dma_semaphore, #tpu.memory_space<semaphore_mem>>)
      %dma_wait3A_195 = arith.constant 0 : i32
      %dma_wait3A_196 = arith.constant 0 : i32
      %dma_wait3A_197 = tpu.memref_slice %arg4[%add3A, %dma_wait3A_195, %dma_wait3A_196] : memref<32x80x128xi32, #tpu.memory_space<hbm>> -> memref<1x80x128xi32, #tpu.memory_space<hbm>>
      %dma_wait3A_198 = tpu.memref_squeeze %dma_wait3A_197 : memref<1x80x128xi32, #tpu.memory_space<hbm>> -> memref<80x128xi32, #tpu.memory_space<hbm>>
      %dma_wait3A_199 = arith.constant 0 : i32
      %dma_wait3A_200 = arith.constant 0 : i32
      %dma_wait3A_201 = tpu.memref_slice %dma_wait3A_198[%dma_wait3A_199, %dma_wait3A_200] : memref<80x128xi32, #tpu.memory_space<hbm>> -> memref<40x128xi32, #tpu.memory_space<hbm>>
      %dma_wait3A_202 = arith.constant 0 : i32
      %dma_wait3A_203 = arith.constant 0 : i32
      %dma_wait3A_204 = tpu.memref_slice %arg4[%add3A, %dma_wait3A_202, %dma_wait3A_203] : memref<32x80x128xi32, #tpu.memory_space<hbm>> -> memref<1x80x128xi32, #tpu.memory_space<hbm>>
      %dma_wait3A_205 = tpu.memref_squeeze %dma_wait3A_204 : memref<1x80x128xi32, #tpu.memory_space<hbm>> -> memref<80x128xi32, #tpu.memory_space<hbm>>
      %dma_wait3A_206 = arith.constant 0 : i32
      %dma_wait3A_207 = arith.constant 0 : i32
      %dma_wait3A_208 = tpu.memref_slice %dma_wait3A_205[%dma_wait3A_206, %dma_wait3A_207] : memref<80x128xi32, #tpu.memory_space<hbm>> -> memref<40x128xi32, #tpu.memory_space<hbm>>
      tpu.wait_dma2 semaphore(%run_scoped3A_180 : memref<!tpu.dma_semaphore, #tpu.memory_space<semaphore_mem>>) src(%dma_wait3A_208 : memref<40x128xi32, #tpu.memory_space<hbm>>) dst(%arg8 : memref<40x128xi32, #tpu.memory_space<vmem>>)
      tpu.yield
    }) : () -> ()
    %dma_start3A = arith.constant 0 : i32
    %dma_start3A_5 = arith.constant 0 : i32
    %dma_start3A_6 = arith.constant 0 : i32
    %dma_start3A_7 = tpu.memref_slice %arg9[%dma_start3A_5, %dma_start3A_6] : memref<128x128xf32, #tpu.memory_space<vmem>> -> memref<64x128xf32, #tpu.memory_space<vmem>>
    %dma_start3A_8 = arith.constant 0 : i32
    %dma_start3A_9 = tpu.memref_slice %arg7[%dma_start3A, %dma_start3A_8] : memref<80x64xi32, #tpu.memory_space<vmem>> -> memref<1x64xi32, #tpu.memory_space<vmem>>
    %dma_start3A_10 = tpu.memref_squeeze %dma_start3A_9 : memref<1x64xi32, #tpu.memory_space<vmem>> -> memref<64xi32, #tpu.memory_space<vmem>>
    %dma_start3A_11 = arith.constant 0 : i32
    %dma_start3A_12 = arith.constant 0 : i32
    %dma_start3A_13 = tpu.memref_slice %arg2[%dma_start3A_11, %dma_start3A_12] : memref<10240x128xf32, #tpu.memory_space<hbm>> -> memref<10240x128xf32, #tpu.memory_space<hbm>>
    tpu.enqueue_indirect_dma source(%dma_start3A_13 : memref<10240x128xf32, #tpu.memory_space<hbm>>) target(%dma_start3A_7 : memref<64x128xf32, #tpu.memory_space<vmem>>) offsets(%dma_start3A_10 : memref<64xi32, #tpu.memory_space<vmem>>) semaphore(%arg12 : memref<!tpu.dma_semaphore, #tpu.memory_space<semaphore_mem>>)
    %dma_start3A_14 = arith.constant 1 : i32
    %dma_start3A_15 = arith.constant 64 : i32
    %dma_start3A_16 = arith.constant 0 : i32
    %dma_start3A_17 = tpu.memref_slice %arg9[%dma_start3A_15, %dma_start3A_16] : memref<128x128xf32, #tpu.memory_space<vmem>> -> memref<64x128xf32, #tpu.memory_space<vmem>>
    %dma_start3A_18 = arith.constant 0 : i32
    %dma_start3A_19 = tpu.memref_slice %arg7[%dma_start3A_14, %dma_start3A_18] : memref<80x64xi32, #tpu.memory_space<vmem>> -> memref<1x64xi32, #tpu.memory_space<vmem>>
    %dma_start3A_20 = tpu.memref_squeeze %dma_start3A_19 : memref<1x64xi32, #tpu.memory_space<vmem>> -> memref<64xi32, #tpu.memory_space<vmem>>
    %dma_start3A_21 = arith.constant 0 : i32
    %dma_start3A_22 = arith.constant 0 : i32
    %dma_start3A_23 = tpu.memref_slice %arg2[%dma_start3A_21, %dma_start3A_22] : memref<10240x128xf32, #tpu.memory_space<hbm>> -> memref<10240x128xf32, #tpu.memory_space<hbm>>
    tpu.enqueue_indirect_dma source(%dma_start3A_23 : memref<10240x128xf32, #tpu.memory_space<hbm>>) target(%dma_start3A_17 : memref<64x128xf32, #tpu.memory_space<vmem>>) offsets(%dma_start3A_20 : memref<64xi32, #tpu.memory_space<vmem>>) semaphore(%arg12 : memref<!tpu.dma_semaphore, #tpu.memory_space<semaphore_mem>>)
    %dma_start3A_24 = arith.constant 2 : i32
    %dma_start3A_25 = arith.constant 0 : i32
    %dma_start3A_26 = arith.constant 0 : i32
    %dma_start3A_27 = tpu.memref_slice %arg10[%dma_start3A_25, %dma_start3A_26] : memref<128x128xf32, #tpu.memory_space<vmem>> -> memref<64x128xf32, #tpu.memory_space<vmem>>
    %dma_start3A_28 = arith.constant 0 : i32
    %dma_start3A_29 = tpu.memref_slice %arg7[%dma_start3A_24, %dma_start3A_28] : memref<80x64xi32, #tpu.memory_space<vmem>> -> memref<1x64xi32, #tpu.memory_space<vmem>>
    %dma_start3A_30 = tpu.memref_squeeze %dma_start3A_29 : memref<1x64xi32, #tpu.memory_space<vmem>> -> memref<64xi32, #tpu.memory_space<vmem>>
    %dma_start3A_31 = arith.constant 0 : i32
    %dma_start3A_32 = arith.constant 0 : i32
    %dma_start3A_33 = tpu.memref_slice %arg2[%dma_start3A_31, %dma_start3A_32] : memref<10240x128xf32, #tpu.memory_space<hbm>> -> memref<10240x128xf32, #tpu.memory_space<hbm>>
    tpu.enqueue_indirect_dma source(%dma_start3A_33 : memref<10240x128xf32, #tpu.memory_space<hbm>>) target(%dma_start3A_27 : memref<64x128xf32, #tpu.memory_space<vmem>>) offsets(%dma_start3A_30 : memref<64xi32, #tpu.memory_space<vmem>>) semaphore(%arg13 : memref<!tpu.dma_semaphore, #tpu.memory_space<semaphore_mem>>)
    %dma_start3A_34 = arith.constant 3 : i32
    %dma_start3A_35 = arith.constant 64 : i32
    %dma_start3A_36 = arith.constant 0 : i32
    %dma_start3A_37 = tpu.memref_slice %arg10[%dma_start3A_35, %dma_start3A_36] : memref<128x128xf32, #tpu.memory_space<vmem>> -> memref<64x128xf32, #tpu.memory_space<vmem>>
    %dma_start3A_38 = arith.constant 0 : i32
    %dma_start3A_39 = tpu.memref_slice %arg7[%dma_start3A_34, %dma_start3A_38] : memref<80x64xi32, #tpu.memory_space<vmem>> -> memref<1x64xi32, #tpu.memory_space<vmem>>
    %dma_start3A_40 = tpu.memref_squeeze %dma_start3A_39 : memref<1x64xi32, #tpu.memory_space<vmem>> -> memref<64xi32, #tpu.memory_space<vmem>>
    %dma_start3A_41 = arith.constant 0 : i32
    %dma_start3A_42 = arith.constant 0 : i32
    %dma_start3A_43 = tpu.memref_slice %arg2[%dma_start3A_41, %dma_start3A_42] : memref<10240x128xf32, #tpu.memory_space<hbm>> -> memref<10240x128xf32, #tpu.memory_space<hbm>>
    tpu.enqueue_indirect_dma source(%dma_start3A_43 : memref<10240x128xf32, #tpu.memory_space<hbm>>) target(%dma_start3A_37 : memref<64x128xf32, #tpu.memory_space<vmem>>) offsets(%dma_start3A_40 : memref<64xi32, #tpu.memory_space<vmem>>) semaphore(%arg13 : memref<!tpu.dma_semaphore, #tpu.memory_space<semaphore_mem>>)
    %scan3A = arith.constant 0 : i32
    %scan3A_44 = arith.constant 19 : i32
    %scan3A_45 = arith.addi %scan3A, %scan3A_44 : i32
    %scan3A_46 = arith.constant 1 : i32
    scf.for %scan3A_180 = %scan3A to %scan3A_45 step %scan3A_46  : i32 {
      %mul3A_181 = arith.constant 1 : i32
      %mul3A_182 = arith.muli %scan3A_180, %mul3A_181 : i32
      %add3A_183 = arith.constant 0 : i32
      %add3A_184 = arith.addi %add3A_183, %mul3A_182 : i32
      %mul3A_185 = arith.constant 2 : i32
      %mul3A_186 = arith.muli %mul3A_185, %add3A_184 : i32
      %mul3A_187 = arith.constant 2 : i32
      %mul3A_188 = arith.muli %mul3A_187, %mul3A_186 : i32
      %mul3A_189 = arith.constant 2 : i32
      %mul3A_190 = arith.muli %mul3A_189, %mul3A_186 : i32
      %add3A_191 = arith.constant 1 : i32
      %add3A_192 = arith.addi %mul3A_190, %add3A_191 : i32
      %dma_wait3A_193 = arith.constant 0 : i32
      %dma_wait3A_194 = arith.constant 0 : i32
      %dma_wait3A_195 = tpu.memref_slice %arg9[%dma_wait3A_193, %dma_wait3A_194] : memref<128x128xf32, #tpu.memory_space<vmem>> -> memref<64x128xf32, #tpu.memory_space<vmem>>
      %dma_wait3A_196 = arith.constant 0 : i32
      %dma_wait3A_197 = tpu.memref_slice %arg7[%mul3A_188, %dma_wait3A_196] : memref<80x64xi32, #tpu.memory_space<vmem>> -> memref<1x64xi32, #tpu.memory_space<vmem>>
      %dma_wait3A_198 = tpu.memref_squeeze %dma_wait3A_197 : memref<1x64xi32, #tpu.memory_space<vmem>> -> memref<64xi32, #tpu.memory_space<vmem>>
      %dma_wait3A_199 = arith.constant 0 : i32
      %dma_wait3A_200 = arith.constant 0 : i32
      %dma_wait3A_201 = tpu.memref_slice %arg2[%dma_wait3A_199, %dma_wait3A_200] : memref<10240x128xf32, #tpu.memory_space<hbm>> -> memref<10240x128xf32, #tpu.memory_space<hbm>>
      tpu.wait_indirect_dma semaphore(%arg12 : memref<!tpu.dma_semaphore, #tpu.memory_space<semaphore_mem>>) src(%dma_wait3A_201 : memref<10240x128xf32, #tpu.memory_space<hbm>>) dst(%dma_wait3A_195 : memref<64x128xf32, #tpu.memory_space<vmem>>)
      %dma_wait3A_202 = arith.constant 64 : i32
      %dma_wait3A_203 = arith.constant 0 : i32
      %dma_wait3A_204 = tpu.memref_slice %arg9[%dma_wait3A_202, %dma_wait3A_203] : memref<128x128xf32, #tpu.memory_space<vmem>> -> memref<64x128xf32, #tpu.memory_space<vmem>>
      %dma_wait3A_205 = arith.constant 0 : i32
      %dma_wait3A_206 = tpu.memref_slice %arg7[%add3A_192, %dma_wait3A_205] : memref<80x64xi32, #tpu.memory_space<vmem>> -> memref<1x64xi32, #tpu.memory_space<vmem>>
      %dma_wait3A_207 = tpu.memref_squeeze %dma_wait3A_206 : memref<1x64xi32, #tpu.memory_space<vmem>> -> memref<64xi32, #tpu.memory_space<vmem>>
      %dma_wait3A_208 = arith.constant 0 : i32
      %dma_wait3A_209 = arith.constant 0 : i32
      %dma_wait3A_210 = tpu.memref_slice %arg2[%dma_wait3A_208, %dma_wait3A_209] : memref<10240x128xf32, #tpu.memory_space<hbm>> -> memref<10240x128xf32, #tpu.memory_space<hbm>>
      tpu.wait_indirect_dma semaphore(%arg12 : memref<!tpu.dma_semaphore, #tpu.memory_space<semaphore_mem>>) src(%dma_wait3A_210 : memref<10240x128xf32, #tpu.memory_space<hbm>>) dst(%dma_wait3A_204 : memref<64x128xf32, #tpu.memory_space<vmem>>)
      "tpu.region"() ({
        %run_scoped3A_291 = tpu.sem_alloc : memref<!tpu.dma_semaphore, #tpu.memory_space<semaphore_mem>>
        %dma_start3A_292 = arith.constant 0 : i32
        %dma_start3A_293 = tpu.memref_slice %arg8[%mul3A_186, %dma_start3A_292] : memref<40x128xi32, #tpu.memory_space<vmem>> -> memref<1x128xi32, #tpu.memory_space<vmem>>
        %dma_start3A_294 = tpu.memref_squeeze %dma_start3A_293 : memref<1x128xi32, #tpu.memory_space<vmem>> -> memref<128xi32, #tpu.memory_space<vmem>>
        %dma_start3A_295 = arith.constant 0 : i32
        %dma_start3A_296 = arith.constant 0 : i32
        %dma_start3A_297 = tpu.memref_slice %arg11[%dma_start3A_295, %dma_start3A_296] : memref<10240x128xf32, #tpu.memory_space<vmem_shared>> -> memref<10240x128xf32, #tpu.memory_space<vmem_shared>>
        tpu.enqueue_indirect_dma source(%arg9 : memref<128x128xf32, #tpu.memory_space<vmem>>) target(%dma_start3A_297 : memref<10240x128xf32, #tpu.memory_space<vmem_shared>>) offsets(%dma_start3A_294 : memref<128xi32, #tpu.memory_space<vmem>>) semaphore(%run_scoped3A_291 : memref<!tpu.dma_semaphore, #tpu.memory_space<semaphore_mem>>) {add = true}
        %dma_wait3A_298 = arith.constant 0 : i32
        %dma_wait3A_299 = tpu.memref_slice %arg8[%mul3A_186, %dma_wait3A_298] : memref<40x128xi32, #tpu.memory_space<vmem>> -> memref<1x128xi32, #tpu.memory_space<vmem>>
        %dma_wait3A_300 = tpu.memref_squeeze %dma_wait3A_299 : memref<1x128xi32, #tpu.memory_space<vmem>> -> memref<128xi32, #tpu.memory_space<vmem>>
        %dma_wait3A_301 = arith.constant 0 : i32
        %dma_wait3A_302 = arith.constant 0 : i32
        %dma_wait3A_303 = tpu.memref_slice %arg11[%dma_wait3A_301, %dma_wait3A_302] : memref<10240x128xf32, #tpu.memory_space<vmem_shared>> -> memref<10240x128xf32, #tpu.memory_space<vmem_shared>>
        tpu.wait_indirect_dma semaphore(%run_scoped3A_291 : memref<!tpu.dma_semaphore, #tpu.memory_space<semaphore_mem>>) src(%arg9 : memref<128x128xf32, #tpu.memory_space<vmem>>) dst(%dma_wait3A_303 : memref<10240x128xf32, #tpu.memory_space<vmem_shared>>)
        tpu.yield
      }) : () -> ()
      %add3A_211 = arith.constant 2 : i32
      %add3A_212 = arith.addi %mul3A_186, %add3A_211 : i32
      %mul3A_213 = arith.constant 2 : i32
      %mul3A_214 = arith.muli %mul3A_213, %add3A_212 : i32
      %mul3A_215 = arith.constant 2 : i32
      %mul3A_216 = arith.muli %mul3A_215, %add3A_212 : i32
      %add3A_217 = arith.constant 1 : i32
      %add3A_218 = arith.addi %mul3A_216, %add3A_217 : i32
      %dma_start3A_219 = arith.constant 0 : i32
      %dma_start3A_220 = arith.constant 0 : i32
      %dma_start3A_221 = tpu.memref_slice %arg9[%dma_start3A_219, %dma_start3A_220] : memref<128x128xf32, #tpu.memory_space<vmem>> -> memref<64x128xf32, #tpu.memory_space<vmem>>
      %dma_start3A_222 = arith.constant 0 : i32
      %dma_start3A_223 = tpu.memref_slice %arg7[%mul3A_214, %dma_start3A_222] : memref<80x64xi32, #tpu.memory_space<vmem>> -> memref<1x64xi32, #tpu.memory_space<vmem>>
      %dma_start3A_224 = tpu.memref_squeeze %dma_start3A_223 : memref<1x64xi32, #tpu.memory_space<vmem>> -> memref<64xi32, #tpu.memory_space<vmem>>
      %dma_start3A_225 = arith.constant 0 : i32
      %dma_start3A_226 = arith.constant 0 : i32
      %dma_start3A_227 = tpu.memref_slice %arg2[%dma_start3A_225, %dma_start3A_226] : memref<10240x128xf32, #tpu.memory_space<hbm>> -> memref<10240x128xf32, #tpu.memory_space<hbm>>
      tpu.enqueue_indirect_dma source(%dma_start3A_227 : memref<10240x128xf32, #tpu.memory_space<hbm>>) target(%dma_start3A_221 : memref<64x128xf32, #tpu.memory_space<vmem>>) offsets(%dma_start3A_224 : memref<64xi32, #tpu.memory_space<vmem>>) semaphore(%arg12 : memref<!tpu.dma_semaphore, #tpu.memory_space<semaphore_mem>>)
      %dma_start3A_228 = arith.constant 64 : i32
      %dma_start3A_229 = arith.constant 0 : i32
      %dma_start3A_230 = tpu.memref_slice %arg9[%dma_start3A_228, %dma_start3A_229] : memref<128x128xf32, #tpu.memory_space<vmem>> -> memref<64x128xf32, #tpu.memory_space<vmem>>
      %dma_start3A_231 = arith.constant 0 : i32
      %dma_start3A_232 = tpu.memref_slice %arg7[%add3A_218, %dma_start3A_231] : memref<80x64xi32, #tpu.memory_space<vmem>> -> memref<1x64xi32, #tpu.memory_space<vmem>>
      %dma_start3A_233 = tpu.memref_squeeze %dma_start3A_232 : memref<1x64xi32, #tpu.memory_space<vmem>> -> memref<64xi32, #tpu.memory_space<vmem>>
      %dma_start3A_234 = arith.constant 0 : i32
      %dma_start3A_235 = arith.constant 0 : i32
      %dma_start3A_236 = tpu.memref_slice %arg2[%dma_start3A_234, %dma_start3A_235] : memref<10240x128xf32, #tpu.memory_space<hbm>> -> memref<10240x128xf32, #tpu.memory_space<hbm>>
      tpu.enqueue_indirect_dma source(%dma_start3A_236 : memref<10240x128xf32, #tpu.memory_space<hbm>>) target(%dma_start3A_230 : memref<64x128xf32, #tpu.memory_space<vmem>>) offsets(%dma_start3A_233 : memref<64xi32, #tpu.memory_space<vmem>>) semaphore(%arg12 : memref<!tpu.dma_semaphore, #tpu.memory_space<semaphore_mem>>)
      %add3A_237 = arith.constant 1 : i32
      %add3A_238 = arith.addi %mul3A_186, %add3A_237 : i32
      %mul3A_239 = arith.constant 2 : i32
      %mul3A_240 = arith.muli %mul3A_239, %add3A_238 : i32
      %mul3A_241 = arith.constant 2 : i32
      %mul3A_242 = arith.muli %mul3A_241, %add3A_238 : i32
      %add3A_243 = arith.constant 1 : i32
      %add3A_244 = arith.addi %mul3A_242, %add3A_243 : i32
      %dma_wait3A_245 = arith.constant 0 : i32
      %dma_wait3A_246 = arith.constant 0 : i32
      %dma_wait3A_247 = tpu.memref_slice %arg10[%dma_wait3A_245, %dma_wait3A_246] : memref<128x128xf32, #tpu.memory_space<vmem>> -> memref<64x128xf32, #tpu.memory_space<vmem>>
      %dma_wait3A_248 = arith.constant 0 : i32
      %dma_wait3A_249 = tpu.memref_slice %arg7[%mul3A_240, %dma_wait3A_248] : memref<80x64xi32, #tpu.memory_space<vmem>> -> memref<1x64xi32, #tpu.memory_space<vmem>>
      %dma_wait3A_250 = tpu.memref_squeeze %dma_wait3A_249 : memref<1x64xi32, #tpu.memory_space<vmem>> -> memref<64xi32, #tpu.memory_space<vmem>>
      %dma_wait3A_251 = arith.constant 0 : i32
      %dma_wait3A_252 = arith.constant 0 : i32
      %dma_wait3A_253 = tpu.memref_slice %arg2[%dma_wait3A_251, %dma_wait3A_252] : memref<10240x128xf32, #tpu.memory_space<hbm>> -> memref<10240x128xf32, #tpu.memory_space<hbm>>
      tpu.wait_indirect_dma semaphore(%arg13 : memref<!tpu.dma_semaphore, #tpu.memory_space<semaphore_mem>>) src(%dma_wait3A_253 : memref<10240x128xf32, #tpu.memory_space<hbm>>) dst(%dma_wait3A_247 : memref<64x128xf32, #tpu.memory_space<vmem>>)
      %dma_wait3A_254 = arith.constant 64 : i32
      %dma_wait3A_255 = arith.constant 0 : i32
      %dma_wait3A_256 = tpu.memref_slice %arg10[%dma_wait3A_254, %dma_wait3A_255] : memref<128x128xf32, #tpu.memory_space<vmem>> -> memref<64x128xf32, #tpu.memory_space<vmem>>
      %dma_wait3A_257 = arith.constant 0 : i32
      %dma_wait3A_258 = tpu.memref_slice %arg7[%add3A_244, %dma_wait3A_257] : memref<80x64xi32, #tpu.memory_space<vmem>> -> memref<1x64xi32, #tpu.memory_space<vmem>>
      %dma_wait3A_259 = tpu.memref_squeeze %dma_wait3A_258 : memref<1x64xi32, #tpu.memory_space<vmem>> -> memref<64xi32, #tpu.memory_space<vmem>>
      %dma_wait3A_260 = arith.constant 0 : i32
      %dma_wait3A_261 = arith.constant 0 : i32
      %dma_wait3A_262 = tpu.memref_slice %arg2[%dma_wait3A_260, %dma_wait3A_261] : memref<10240x128xf32, #tpu.memory_space<hbm>> -> memref<10240x128xf32, #tpu.memory_space<hbm>>
      tpu.wait_indirect_dma semaphore(%arg13 : memref<!tpu.dma_semaphore, #tpu.memory_space<semaphore_mem>>) src(%dma_wait3A_262 : memref<10240x128xf32, #tpu.memory_space<hbm>>) dst(%dma_wait3A_256 : memref<64x128xf32, #tpu.memory_space<vmem>>)
      %add3A_263 = arith.constant 1 : i32
      %add3A_264 = arith.addi %mul3A_186, %add3A_263 : i32
      "tpu.region"() ({
        %run_scoped3A_291 = tpu.sem_alloc : memref<!tpu.dma_semaphore, #tpu.memory_space<semaphore_mem>>
        %dma_start3A_292 = arith.constant 0 : i32
        %dma_start3A_293 = tpu.memref_slice %arg8[%add3A_264, %dma_start3A_292] : memref<40x128xi32, #tpu.memory_space<vmem>> -> memref<1x128xi32, #tpu.memory_space<vmem>>
        %dma_start3A_294 = tpu.memref_squeeze %dma_start3A_293 : memref<1x128xi32, #tpu.memory_space<vmem>> -> memref<128xi32, #tpu.memory_space<vmem>>
        %dma_start3A_295 = arith.constant 0 : i32
        %dma_start3A_296 = arith.constant 0 : i32
        %dma_start3A_297 = tpu.memref_slice %arg11[%dma_start3A_295, %dma_start3A_296] : memref<10240x128xf32, #tpu.memory_space<vmem_shared>> -> memref<10240x128xf32, #tpu.memory_space<vmem_shared>>
        tpu.enqueue_indirect_dma source(%arg10 : memref<128x128xf32, #tpu.memory_space<vmem>>) target(%dma_start3A_297 : memref<10240x128xf32, #tpu.memory_space<vmem_shared>>) offsets(%dma_start3A_294 : memref<128xi32, #tpu.memory_space<vmem>>) semaphore(%run_scoped3A_291 : memref<!tpu.dma_semaphore, #tpu.memory_space<semaphore_mem>>) {add = true}
        %dma_wait3A_298 = arith.constant 0 : i32
        %dma_wait3A_299 = tpu.memref_slice %arg8[%add3A_264, %dma_wait3A_298] : memref<40x128xi32, #tpu.memory_space<vmem>> -> memref<1x128xi32, #tpu.memory_space<vmem>>
        %dma_wait3A_300 = tpu.memref_squeeze %dma_wait3A_299 : memref<1x128xi32, #tpu.memory_space<vmem>> -> memref<128xi32, #tpu.memory_space<vmem>>
        %dma_wait3A_301 = arith.constant 0 : i32
        %dma_wait3A_302 = arith.constant 0 : i32
        %dma_wait3A_303 = tpu.memref_slice %arg11[%dma_wait3A_301, %dma_wait3A_302] : memref<10240x128xf32, #tpu.memory_space<vmem_shared>> -> memref<10240x128xf32, #tpu.memory_space<vmem_shared>>
        tpu.wait_indirect_dma semaphore(%run_scoped3A_291 : memref<!tpu.dma_semaphore, #tpu.memory_space<semaphore_mem>>) src(%arg10 : memref<128x128xf32, #tpu.memory_space<vmem>>) dst(%dma_wait3A_303 : memref<10240x128xf32, #tpu.memory_space<vmem_shared>>)
        tpu.yield
      }) : () -> ()
      %add3A_265 = arith.constant 3 : i32
      %add3A_266 = arith.addi %mul3A_186, %add3A_265 : i32
      %mul3A_267 = arith.constant 2 : i32
      %mul3A_268 = arith.muli %mul3A_267, %add3A_266 : i32
      %mul3A_269 = arith.constant 2 : i32
      %mul3A_270 = arith.muli %mul3A_269, %add3A_266 : i32
      %add3A_271 = arith.constant 1 : i32
      %add3A_272 = arith.addi %mul3A_270, %add3A_271 : i32
      %dma_start3A_273 = arith.constant 0 : i32
      %dma_start3A_274 = arith.constant 0 : i32
      %dma_start3A_275 = tpu.memref_slice %arg10[%dma_start3A_273, %dma_start3A_274] : memref<128x128xf32, #tpu.memory_space<vmem>> -> memref<64x128xf32, #tpu.memory_space<vmem>>
      %dma_start3A_276 = arith.constant 0 : i32
      %dma_start3A_277 = tpu.memref_slice %arg7[%mul3A_268, %dma_start3A_276] : memref<80x64xi32, #tpu.memory_space<vmem>> -> memref<1x64xi32, #tpu.memory_space<vmem>>
      %dma_start3A_278 = tpu.memref_squeeze %dma_start3A_277 : memref<1x64xi32, #tpu.memory_space<vmem>> -> memref<64xi32, #tpu.memory_space<vmem>>
      %dma_start3A_279 = arith.constant 0 : i32
      %dma_start3A_280 = arith.constant 0 : i32
      %dma_start3A_281 = tpu.memref_slice %arg2[%dma_start3A_279, %dma_start3A_280] : memref<10240x128xf32, #tpu.memory_space<hbm>> -> memref<10240x128xf32, #tpu.memory_space<hbm>>
      tpu.enqueue_indirect_dma source(%dma_start3A_281 : memref<10240x128xf32, #tpu.memory_space<hbm>>) target(%dma_start3A_275 : memref<64x128xf32, #tpu.memory_space<vmem>>) offsets(%dma_start3A_278 : memref<64xi32, #tpu.memory_space<vmem>>) semaphore(%arg13 : memref<!tpu.dma_semaphore, #tpu.memory_space<semaphore_mem>>)
      %dma_start3A_282 = arith.constant 64 : i32
      %dma_start3A_283 = arith.constant 0 : i32
      %dma_start3A_284 = tpu.memref_slice %arg10[%dma_start3A_282, %dma_start3A_283] : memref<128x128xf32, #tpu.memory_space<vmem>> -> memref<64x128xf32, #tpu.memory_space<vmem>>
      %dma_start3A_285 = arith.constant 0 : i32
      %dma_start3A_286 = tpu.memref_slice %arg7[%add3A_272, %dma_start3A_285] : memref<80x64xi32, #tpu.memory_space<vmem>> -> memref<1x64xi32, #tpu.memory_space<vmem>>
      %dma_start3A_287 = tpu.memref_squeeze %dma_start3A_286 : memref<1x64xi32, #tpu.memory_space<vmem>> -> memref<64xi32, #tpu.memory_space<vmem>>
      %dma_start3A_288 = arith.constant 0 : i32
      %dma_start3A_289 = arith.constant 0 : i32
      %dma_start3A_290 = tpu.memref_slice %arg2[%dma_start3A_288, %dma_start3A_289] : memref<10240x128xf32, #tpu.memory_space<hbm>> -> memref<10240x128xf32, #tpu.memory_space<hbm>>
      tpu.enqueue_indirect_dma source(%dma_start3A_290 : memref<10240x128xf32, #tpu.memory_space<hbm>>) target(%dma_start3A_284 : memref<64x128xf32, #tpu.memory_space<vmem>>) offsets(%dma_start3A_287 : memref<64xi32, #tpu.memory_space<vmem>>) semaphore(%arg13 : memref<!tpu.dma_semaphore, #tpu.memory_space<semaphore_mem>>)
    }
    %scan3A_47 = arith.constant 19 : i32
    %dma_wait3A = arith.constant 76 : i32
    %dma_wait3A_48 = arith.constant 0 : i32
    %dma_wait3A_49 = arith.constant 0 : i32
    %dma_wait3A_50 = tpu.memref_slice %arg9[%dma_wait3A_48, %dma_wait3A_49] : memref<128x128xf32, #tpu.memory_space<vmem>> -> memref<64x128xf32, #tpu.memory_space<vmem>>
    %dma_wait3A_51 = arith.constant 0 : i32
    %dma_wait3A_52 = tpu.memref_slice %arg7[%dma_wait3A, %dma_wait3A_51] : memref<80x64xi32, #tpu.memory_space<vmem>> -> memref<1x64xi32, #tpu.memory_space<vmem>>
    %dma_wait3A_53 = tpu.memref_squeeze %dma_wait3A_52 : memref<1x64xi32, #tpu.memory_space<vmem>> -> memref<64xi32, #tpu.memory_space<vmem>>
    %dma_wait3A_54 = arith.constant 0 : i32
    %dma_wait3A_55 = arith.constant 0 : i32
    %dma_wait3A_56 = tpu.memref_slice %arg2[%dma_wait3A_54, %dma_wait3A_55] : memref<10240x128xf32, #tpu.memory_space<hbm>> -> memref<10240x128xf32, #tpu.memory_space<hbm>>
    tpu.wait_indirect_dma semaphore(%arg12 : memref<!tpu.dma_semaphore, #tpu.memory_space<semaphore_mem>>) src(%dma_wait3A_56 : memref<10240x128xf32, #tpu.memory_space<hbm>>) dst(%dma_wait3A_50 : memref<64x128xf32, #tpu.memory_space<vmem>>)
    %dma_wait3A_57 = arith.constant 77 : i32
    %dma_wait3A_58 = arith.constant 64 : i32
    %dma_wait3A_59 = arith.constant 0 : i32
    %dma_wait3A_60 = tpu.memref_slice %arg9[%dma_wait3A_58, %dma_wait3A_59] : memref<128x128xf32, #tpu.memory_space<vmem>> -> memref<64x128xf32, #tpu.memory_space<vmem>>
    %dma_wait3A_61 = arith.constant 0 : i32
    %dma_wait3A_62 = tpu.memref_slice %arg7[%dma_wait3A_57, %dma_wait3A_61] : memref<80x64xi32, #tpu.memory_space<vmem>> -> memref<1x64xi32, #tpu.memory_space<vmem>>
    %dma_wait3A_63 = tpu.memref_squeeze %dma_wait3A_62 : memref<1x64xi32, #tpu.memory_space<vmem>> -> memref<64xi32, #tpu.memory_space<vmem>>
    %dma_wait3A_64 = arith.constant 0 : i32
    %dma_wait3A_65 = arith.constant 0 : i32
    %dma_wait3A_66 = tpu.memref_slice %arg2[%dma_wait3A_64, %dma_wait3A_65] : memref<10240x128xf32, #tpu.memory_space<hbm>> -> memref<10240x128xf32, #tpu.memory_space<hbm>>
    tpu.wait_indirect_dma semaphore(%arg12 : memref<!tpu.dma_semaphore, #tpu.memory_space<semaphore_mem>>) src(%dma_wait3A_66 : memref<10240x128xf32, #tpu.memory_space<hbm>>) dst(%dma_wait3A_60 : memref<64x128xf32, #tpu.memory_space<vmem>>)
    %run_scoped3A = arith.constant 38 : i32
    "tpu.region"() ({
      %run_scoped3A_180 = tpu.sem_alloc : memref<!tpu.dma_semaphore, #tpu.memory_space<semaphore_mem>>
      %dma_start3A_181 = arith.constant 0 : i32
      %dma_start3A_182 = tpu.memref_slice %arg8[%run_scoped3A, %dma_start3A_181] : memref<40x128xi32, #tpu.memory_space<vmem>> -> memref<1x128xi32, #tpu.memory_space<vmem>>
      %dma_start3A_183 = tpu.memref_squeeze %dma_start3A_182 : memref<1x128xi32, #tpu.memory_space<vmem>> -> memref<128xi32, #tpu.memory_space<vmem>>
      %dma_start3A_184 = arith.constant 0 : i32
      %dma_start3A_185 = arith.constant 0 : i32
      %dma_start3A_186 = tpu.memref_slice %arg11[%dma_start3A_184, %dma_start3A_185] : memref<10240x128xf32, #tpu.memory_space<vmem_shared>> -> memref<10240x128xf32, #tpu.memory_space<vmem_shared>>
      tpu.enqueue_indirect_dma source(%arg9 : memref<128x128xf32, #tpu.memory_space<vmem>>) target(%dma_start3A_186 : memref<10240x128xf32, #tpu.memory_space<vmem_shared>>) offsets(%dma_start3A_183 : memref<128xi32, #tpu.memory_space<vmem>>) semaphore(%run_scoped3A_180 : memref<!tpu.dma_semaphore, #tpu.memory_space<semaphore_mem>>) {add = true}
      %dma_wait3A_187 = arith.constant 0 : i32
      %dma_wait3A_188 = tpu.memref_slice %arg8[%run_scoped3A, %dma_wait3A_187] : memref<40x128xi32, #tpu.memory_space<vmem>> -> memref<1x128xi32, #tpu.memory_space<vmem>>
      %dma_wait3A_189 = tpu.memref_squeeze %dma_wait3A_188 : memref<1x128xi32, #tpu.memory_space<vmem>> -> memref<128xi32, #tpu.memory_space<vmem>>
      %dma_wait3A_190 = arith.constant 0 : i32
      %dma_wait3A_191 = arith.constant 0 : i32
      %dma_wait3A_192 = tpu.memref_slice %arg11[%dma_wait3A_190, %dma_wait3A_191] : memref<10240x128xf32, #tpu.memory_space<vmem_shared>> -> memref<10240x128xf32, #tpu.memory_space<vmem_shared>>
      tpu.wait_indirect_dma semaphore(%run_scoped3A_180 : memref<!tpu.dma_semaphore, #tpu.memory_space<semaphore_mem>>) src(%arg9 : memref<128x128xf32, #tpu.memory_space<vmem>>) dst(%dma_wait3A_192 : memref<10240x128xf32, #tpu.memory_space<vmem_shared>>)
      tpu.yield
    }) : () -> ()
    %dma_wait3A_67 = arith.constant 78 : i32
    %dma_wait3A_68 = arith.constant 0 : i32
    %dma_wait3A_69 = arith.constant 0 : i32
    %dma_wait3A_70 = tpu.memref_slice %arg10[%dma_wait3A_68, %dma_wait3A_69] : memref<128x128xf32, #tpu.memory_space<vmem>> -> memref<64x128xf32, #tpu.memory_space<vmem>>
    %dma_wait3A_71 = arith.constant 0 : i32
    %dma_wait3A_72 = tpu.memref_slice %arg7[%dma_wait3A_67, %dma_wait3A_71] : memref<80x64xi32, #tpu.memory_space<vmem>> -> memref<1x64xi32, #tpu.memory_space<vmem>>
    %dma_wait3A_73 = tpu.memref_squeeze %dma_wait3A_72 : memref<1x64xi32, #tpu.memory_space<vmem>> -> memref<64xi32, #tpu.memory_space<vmem>>
    %dma_wait3A_74 = arith.constant 0 : i32
    %dma_wait3A_75 = arith.constant 0 : i32
    %dma_wait3A_76 = tpu.memref_slice %arg2[%dma_wait3A_74, %dma_wait3A_75] : memref<10240x128xf32, #tpu.memory_space<hbm>> -> memref<10240x128xf32, #tpu.memory_space<hbm>>
    tpu.wait_indirect_dma semaphore(%arg13 : memref<!tpu.dma_semaphore, #tpu.memory_space<semaphore_mem>>) src(%dma_wait3A_76 : memref<10240x128xf32, #tpu.memory_space<hbm>>) dst(%dma_wait3A_70 : memref<64x128xf32, #tpu.memory_space<vmem>>)
    %dma_wait3A_77 = arith.constant 79 : i32
    %dma_wait3A_78 = arith.constant 64 : i32
    %dma_wait3A_79 = arith.constant 0 : i32
    %dma_wait3A_80 = tpu.memref_slice %arg10[%dma_wait3A_78, %dma_wait3A_79] : memref<128x128xf32, #tpu.memory_space<vmem>> -> memref<64x128xf32, #tpu.memory_space<vmem>>
    %dma_wait3A_81 = arith.constant 0 : i32
    %dma_wait3A_82 = tpu.memref_slice %arg7[%dma_wait3A_77, %dma_wait3A_81] : memref<80x64xi32, #tpu.memory_space<vmem>> -> memref<1x64xi32, #tpu.memory_space<vmem>>
    %dma_wait3A_83 = tpu.memref_squeeze %dma_wait3A_82 : memref<1x64xi32, #tpu.memory_space<vmem>> -> memref<64xi32, #tpu.memory_space<vmem>>
    %dma_wait3A_84 = arith.constant 0 : i32
    %dma_wait3A_85 = arith.constant 0 : i32
    %dma_wait3A_86 = tpu.memref_slice %arg2[%dma_wait3A_84, %dma_wait3A_85] : memref<10240x128xf32, #tpu.memory_space<hbm>> -> memref<10240x128xf32, #tpu.memory_space<hbm>>
    tpu.wait_indirect_dma semaphore(%arg13 : memref<!tpu.dma_semaphore, #tpu.memory_space<semaphore_mem>>) src(%dma_wait3A_86 : memref<10240x128xf32, #tpu.memory_space<hbm>>) dst(%dma_wait3A_80 : memref<64x128xf32, #tpu.memory_space<vmem>>)
    %run_scoped3A_87 = arith.constant 39 : i32
    "tpu.region"() ({
      %run_scoped3A_180 = tpu.sem_alloc : memref<!tpu.dma_semaphore, #tpu.memory_space<semaphore_mem>>
      %dma_start3A_181 = arith.constant 0 : i32
      %dma_start3A_182 = tpu.memref_slice %arg8[%run_scoped3A_87, %dma_start3A_181] : memref<40x128xi32, #tpu.memory_space<vmem>> -> memref<1x128xi32, #tpu.memory_space<vmem>>
      %dma_start3A_183 = tpu.memref_squeeze %dma_start3A_182 : memref<1x128xi32, #tpu.memory_space<vmem>> -> memref<128xi32, #tpu.memory_space<vmem>>
      %dma_start3A_184 = arith.constant 0 : i32
      %dma_start3A_185 = arith.constant 0 : i32
      %dma_start3A_186 = tpu.memref_slice %arg11[%dma_start3A_184, %dma_start3A_185] : memref<10240x128xf32, #tpu.memory_space<vmem_shared>> -> memref<10240x128xf32, #tpu.memory_space<vmem_shared>>
      tpu.enqueue_indirect_dma source(%arg10 : memref<128x128xf32, #tpu.memory_space<vmem>>) target(%dma_start3A_186 : memref<10240x128xf32, #tpu.memory_space<vmem_shared>>) offsets(%dma_start3A_183 : memref<128xi32, #tpu.memory_space<vmem>>) semaphore(%run_scoped3A_180 : memref<!tpu.dma_semaphore, #tpu.memory_space<semaphore_mem>>) {add = true}
      %dma_wait3A_187 = arith.constant 0 : i32
      %dma_wait3A_188 = tpu.memref_slice %arg8[%run_scoped3A_87, %dma_wait3A_187] : memref<40x128xi32, #tpu.memory_space<vmem>> -> memref<1x128xi32, #tpu.memory_space<vmem>>
      %dma_wait3A_189 = tpu.memref_squeeze %dma_wait3A_188 : memref<1x128xi32, #tpu.memory_space<vmem>> -> memref<128xi32, #tpu.memory_space<vmem>>
      %dma_wait3A_190 = arith.constant 0 : i32
      %dma_wait3A_191 = arith.constant 0 : i32
      %dma_wait3A_192 = tpu.memref_slice %arg11[%dma_wait3A_190, %dma_wait3A_191] : memref<10240x128xf32, #tpu.memory_space<vmem_shared>> -> memref<10240x128xf32, #tpu.memory_space<vmem_shared>>
      tpu.wait_indirect_dma semaphore(%run_scoped3A_180 : memref<!tpu.dma_semaphore, #tpu.memory_space<semaphore_mem>>) src(%arg10 : memref<128x128xf32, #tpu.memory_space<vmem>>) dst(%dma_wait3A_192 : memref<10240x128xf32, #tpu.memory_space<vmem_shared>>)
      tpu.yield
    }) : () -> ()
    "tpu.region"() ({
      %run_scoped3A_180 = tpu.sem_alloc : memref<!tpu.dma_semaphore, #tpu.memory_space<semaphore_mem>>
      %dma_start3A_181 = arith.constant 0 : i32
      %dma_start3A_182 = arith.constant 0 : i32
      %dma_start3A_183 = tpu.memref_slice %arg3[%add3A, %dma_start3A_181, %dma_start3A_182] : memref<32x160x64xi32, #tpu.memory_space<hbm>> -> memref<1x160x64xi32, #tpu.memory_space<hbm>>
      %dma_start3A_184 = tpu.memref_squeeze %dma_start3A_183 : memref<1x160x64xi32, #tpu.memory_space<hbm>> -> memref<160x64xi32, #tpu.memory_space<hbm>>
      %dma_start3A_185 = arith.constant 80 : i32
      %dma_start3A_186 = arith.constant 0 : i32
      %dma_start3A_187 = tpu.memref_slice %dma_start3A_184[%dma_start3A_185, %dma_start3A_186] : memref<160x64xi32, #tpu.memory_space<hbm>> -> memref<80x64xi32, #tpu.memory_space<hbm>>
      %dma_start3A_188 = arith.constant 0 : i32
      %dma_start3A_189 = arith.constant 0 : i32
      %dma_start3A_190 = tpu.memref_slice %arg3[%add3A, %dma_start3A_188, %dma_start3A_189] : memref<32x160x64xi32, #tpu.memory_space<hbm>> -> memref<1x160x64xi32, #tpu.memory_space<hbm>>
      %dma_start3A_191 = tpu.memref_squeeze %dma_start3A_190 : memref<1x160x64xi32, #tpu.memory_space<hbm>> -> memref<160x64xi32, #tpu.memory_space<hbm>>
      %dma_start3A_192 = arith.constant 80 : i32
      %dma_start3A_193 = arith.constant 0 : i32
      %dma_start3A_194 = tpu.memref_slice %dma_start3A_191[%dma_start3A_192, %dma_start3A_193] : memref<160x64xi32, #tpu.memory_space<hbm>> -> memref<80x64xi32, #tpu.memory_space<hbm>>
      tpu.enqueue_dma source(%dma_start3A_194 : memref<80x64xi32, #tpu.memory_space<hbm>>) target(%arg7 : memref<80x64xi32, #tpu.memory_space<vmem>>) target_semaphore(%run_scoped3A_180 : memref<!tpu.dma_semaphore, #tpu.memory_space<semaphore_mem>>)
      %dma_wait3A_195 = arith.constant 0 : i32
      %dma_wait3A_196 = arith.constant 0 : i32
      %dma_wait3A_197 = tpu.memref_slice %arg3[%add3A, %dma_wait3A_195, %dma_wait3A_196] : memref<32x160x64xi32, #tpu.memory_space<hbm>> -> memref<1x160x64xi32, #tpu.memory_space<hbm>>
      %dma_wait3A_198 = tpu.memref_squeeze %dma_wait3A_197 : memref<1x160x64xi32, #tpu.memory_space<hbm>> -> memref<160x64xi32, #tpu.memory_space<hbm>>
      %dma_wait3A_199 = arith.constant 80 : i32
      %dma_wait3A_200 = arith.constant 0 : i32
      %dma_wait3A_201 = tpu.memref_slice %dma_wait3A_198[%dma_wait3A_199, %dma_wait3A_200] : memref<160x64xi32, #tpu.memory_space<hbm>> -> memref<80x64xi32, #tpu.memory_space<hbm>>
      %dma_wait3A_202 = arith.constant 0 : i32
      %dma_wait3A_203 = arith.constant 0 : i32
      %dma_wait3A_204 = tpu.memref_slice %arg3[%add3A, %dma_wait3A_202, %dma_wait3A_203] : memref<32x160x64xi32, #tpu.memory_space<hbm>> -> memref<1x160x64xi32, #tpu.memory_space<hbm>>
      %dma_wait3A_205 = tpu.memref_squeeze %dma_wait3A_204 : memref<1x160x64xi32, #tpu.memory_space<hbm>> -> memref<160x64xi32, #tpu.memory_space<hbm>>
      %dma_wait3A_206 = arith.constant 80 : i32
      %dma_wait3A_207 = arith.constant 0 : i32
      %dma_wait3A_208 = tpu.memref_slice %dma_wait3A_205[%dma_wait3A_206, %dma_wait3A_207] : memref<160x64xi32, #tpu.memory_space<hbm>> -> memref<80x64xi32, #tpu.memory_space<hbm>>
      tpu.wait_dma2 semaphore(%run_scoped3A_180 : memref<!tpu.dma_semaphore, #tpu.memory_space<semaphore_mem>>) src(%dma_wait3A_208 : memref<80x64xi32, #tpu.memory_space<hbm>>) dst(%arg7 : memref<80x64xi32, #tpu.memory_space<vmem>>)
      tpu.yield
    }) : () -> ()
    "tpu.region"() ({
      %run_scoped3A_180 = tpu.sem_alloc : memref<!tpu.dma_semaphore, #tpu.memory_space<semaphore_mem>>
      %dma_start3A_181 = arith.constant 0 : i32
      %dma_start3A_182 = arith.constant 0 : i32
      %dma_start3A_183 = tpu.memref_slice %arg4[%add3A, %dma_start3A_181, %dma_start3A_182] : memref<32x80x128xi32, #tpu.memory_space<hbm>> -> memref<1x80x128xi32, #tpu.memory_space<hbm>>
      %dma_start3A_184 = tpu.memref_squeeze %dma_start3A_183 : memref<1x80x128xi32, #tpu.memory_space<hbm>> -> memref<80x128xi32, #tpu.memory_space<hbm>>
      %dma_start3A_185 = arith.constant 40 : i32
      %dma_start3A_186 = arith.constant 0 : i32
      %dma_start3A_187 = tpu.memref_slice %dma_start3A_184[%dma_start3A_185, %dma_start3A_186] : memref<80x128xi32, #tpu.memory_space<hbm>> -> memref<40x128xi32, #tpu.memory_space<hbm>>
      %dma_start3A_188 = arith.constant 0 : i32
      %dma_start3A_189 = arith.constant 0 : i32
      %dma_start3A_190 = tpu.memref_slice %arg4[%add3A, %dma_start3A_188, %dma_start3A_189] : memref<32x80x128xi32, #tpu.memory_space<hbm>> -> memref<1x80x128xi32, #tpu.memory_space<hbm>>
      %dma_start3A_191 = tpu.memref_squeeze %dma_start3A_190 : memref<1x80x128xi32, #tpu.memory_space<hbm>> -> memref<80x128xi32, #tpu.memory_space<hbm>>
      %dma_start3A_192 = arith.constant 40 : i32
      %dma_start3A_193 = arith.constant 0 : i32
      %dma_start3A_194 = tpu.memref_slice %dma_start3A_191[%dma_start3A_192, %dma_start3A_193] : memref<80x128xi32, #tpu.memory_space<hbm>> -> memref<40x128xi32, #tpu.memory_space<hbm>>
      tpu.enqueue_dma source(%dma_start3A_194 : memref<40x128xi32, #tpu.memory_space<hbm>>) target(%arg8 : memref<40x128xi32, #tpu.memory_space<vmem>>) target_semaphore(%run_scoped3A_180 : memref<!tpu.dma_semaphore, #tpu.memory_space<semaphore_mem>>)
      %dma_wait3A_195 = arith.constant 0 : i32
      %dma_wait3A_196 = arith.constant 0 : i32
      %dma_wait3A_197 = tpu.memref_slice %arg4[%add3A, %dma_wait3A_195, %dma_wait3A_196] : memref<32x80x128xi32, #tpu.memory_space<hbm>> -> memref<1x80x128xi32, #tpu.memory_space<hbm>>
      %dma_wait3A_198 = tpu.memref_squeeze %dma_wait3A_197 : memref<1x80x128xi32, #tpu.memory_space<hbm>> -> memref<80x128xi32, #tpu.memory_space<hbm>>
      %dma_wait3A_199 = arith.constant 40 : i32
      %dma_wait3A_200 = arith.constant 0 : i32
      %dma_wait3A_201 = tpu.memref_slice %dma_wait3A_198[%dma_wait3A_199, %dma_wait3A_200] : memref<80x128xi32, #tpu.memory_space<hbm>> -> memref<40x128xi32, #tpu.memory_space<hbm>>
      %dma_wait3A_202 = arith.constant 0 : i32
      %dma_wait3A_203 = arith.constant 0 : i32
      %dma_wait3A_204 = tpu.memref_slice %arg4[%add3A, %dma_wait3A_202, %dma_wait3A_203] : memref<32x80x128xi32, #tpu.memory_space<hbm>> -> memref<1x80x128xi32, #tpu.memory_space<hbm>>
      %dma_wait3A_205 = tpu.memref_squeeze %dma_wait3A_204 : memref<1x80x128xi32, #tpu.memory_space<hbm>> -> memref<80x128xi32, #tpu.memory_space<hbm>>
      %dma_wait3A_206 = arith.constant 40 : i32
      %dma_wait3A_207 = arith.constant 0 : i32
      %dma_wait3A_208 = tpu.memref_slice %dma_wait3A_205[%dma_wait3A_206, %dma_wait3A_207] : memref<80x128xi32, #tpu.memory_space<hbm>> -> memref<40x128xi32, #tpu.memory_space<hbm>>
      tpu.wait_dma2 semaphore(%run_scoped3A_180 : memref<!tpu.dma_semaphore, #tpu.memory_space<semaphore_mem>>) src(%dma_wait3A_208 : memref<40x128xi32, #tpu.memory_space<hbm>>) dst(%arg8 : memref<40x128xi32, #tpu.memory_space<vmem>>)
      tpu.yield
    }) : () -> ()
    %dma_start3A_88 = arith.constant 0 : i32
    %dma_start3A_89 = arith.constant 0 : i32
    %dma_start3A_90 = arith.constant 0 : i32
    %dma_start3A_91 = tpu.memref_slice %arg9[%dma_start3A_89, %dma_start3A_90] : memref<128x128xf32, #tpu.memory_space<vmem>> -> memref<64x128xf32, #tpu.memory_space<vmem>>
    %dma_start3A_92 = arith.constant 0 : i32
    %dma_start3A_93 = tpu.memref_slice %arg7[%dma_start3A_88, %dma_start3A_92] : memref<80x64xi32, #tpu.memory_space<vmem>> -> memref<1x64xi32, #tpu.memory_space<vmem>>
    %dma_start3A_94 = tpu.memref_squeeze %dma_start3A_93 : memref<1x64xi32, #tpu.memory_space<vmem>> -> memref<64xi32, #tpu.memory_space<vmem>>
    %dma_start3A_95 = arith.constant 0 : i32
    %dma_start3A_96 = arith.constant 0 : i32
    %dma_start3A_97 = tpu.memref_slice %arg2[%dma_start3A_95, %dma_start3A_96] : memref<10240x128xf32, #tpu.memory_space<hbm>> -> memref<10240x128xf32, #tpu.memory_space<hbm>>
    tpu.enqueue_indirect_dma source(%dma_start3A_97 : memref<10240x128xf32, #tpu.memory_space<hbm>>) target(%dma_start3A_91 : memref<64x128xf32, #tpu.memory_space<vmem>>) offsets(%dma_start3A_94 : memref<64xi32, #tpu.memory_space<vmem>>) semaphore(%arg12 : memref<!tpu.dma_semaphore, #tpu.memory_space<semaphore_mem>>)
    %dma_start3A_98 = arith.constant 1 : i32
    %dma_start3A_99 = arith.constant 64 : i32
    %dma_start3A_100 = arith.constant 0 : i32
    %dma_start3A_101 = tpu.memref_slice %arg9[%dma_start3A_99, %dma_start3A_100] : memref<128x128xf32, #tpu.memory_space<vmem>> -> memref<64x128xf32, #tpu.memory_space<vmem>>
    %dma_start3A_102 = arith.constant 0 : i32
    %dma_start3A_103 = tpu.memref_slice %arg7[%dma_start3A_98, %dma_start3A_102] : memref<80x64xi32, #tpu.memory_space<vmem>> -> memref<1x64xi32, #tpu.memory_space<vmem>>
    %dma_start3A_104 = tpu.memref_squeeze %dma_start3A_103 : memref<1x64xi32, #tpu.memory_space<vmem>> -> memref<64xi32, #tpu.memory_space<vmem>>
    %dma_start3A_105 = arith.constant 0 : i32
    %dma_start3A_106 = arith.constant 0 : i32
    %dma_start3A_107 = tpu.memref_slice %arg2[%dma_start3A_105, %dma_start3A_106] : memref<10240x128xf32, #tpu.memory_space<hbm>> -> memref<10240x128xf32, #tpu.memory_space<hbm>>
    tpu.enqueue_indirect_dma source(%dma_start3A_107 : memref<10240x128xf32, #tpu.memory_space<hbm>>) target(%dma_start3A_101 : memref<64x128xf32, #tpu.memory_space<vmem>>) offsets(%dma_start3A_104 : memref<64xi32, #tpu.memory_space<vmem>>) semaphore(%arg12 : memref<!tpu.dma_semaphore, #tpu.memory_space<semaphore_mem>>)
    %dma_start3A_108 = arith.constant 2 : i32
    %dma_start3A_109 = arith.constant 0 : i32
    %dma_start3A_110 = arith.constant 0 : i32
    %dma_start3A_111 = tpu.memref_slice %arg10[%dma_start3A_109, %dma_start3A_110] : memref<128x128xf32, #tpu.memory_space<vmem>> -> memref<64x128xf32, #tpu.memory_space<vmem>>
    %dma_start3A_112 = arith.constant 0 : i32
    %dma_start3A_113 = tpu.memref_slice %arg7[%dma_start3A_108, %dma_start3A_112] : memref<80x64xi32, #tpu.memory_space<vmem>> -> memref<1x64xi32, #tpu.memory_space<vmem>>
    %dma_start3A_114 = tpu.memref_squeeze %dma_start3A_113 : memref<1x64xi32, #tpu.memory_space<vmem>> -> memref<64xi32, #tpu.memory_space<vmem>>
    %dma_start3A_115 = arith.constant 0 : i32
    %dma_start3A_116 = arith.constant 0 : i32
    %dma_start3A_117 = tpu.memref_slice %arg2[%dma_start3A_115, %dma_start3A_116] : memref<10240x128xf32, #tpu.memory_space<hbm>> -> memref<10240x128xf32, #tpu.memory_space<hbm>>
    tpu.enqueue_indirect_dma source(%dma_start3A_117 : memref<10240x128xf32, #tpu.memory_space<hbm>>) target(%dma_start3A_111 : memref<64x128xf32, #tpu.memory_space<vmem>>) offsets(%dma_start3A_114 : memref<64xi32, #tpu.memory_space<vmem>>) semaphore(%arg13 : memref<!tpu.dma_semaphore, #tpu.memory_space<semaphore_mem>>)
    %dma_start3A_118 = arith.constant 3 : i32
    %dma_start3A_119 = arith.constant 64 : i32
    %dma_start3A_120 = arith.constant 0 : i32
    %dma_start3A_121 = tpu.memref_slice %arg10[%dma_start3A_119, %dma_start3A_120] : memref<128x128xf32, #tpu.memory_space<vmem>> -> memref<64x128xf32, #tpu.memory_space<vmem>>
    %dma_start3A_122 = arith.constant 0 : i32
    %dma_start3A_123 = tpu.memref_slice %arg7[%dma_start3A_118, %dma_start3A_122] : memref<80x64xi32, #tpu.memory_space<vmem>> -> memref<1x64xi32, #tpu.memory_space<vmem>>
    %dma_start3A_124 = tpu.memref_squeeze %dma_start3A_123 : memref<1x64xi32, #tpu.memory_space<vmem>> -> memref<64xi32, #tpu.memory_space<vmem>>
    %dma_start3A_125 = arith.constant 0 : i32
    %dma_start3A_126 = arith.constant 0 : i32
    %dma_start3A_127 = tpu.memref_slice %arg2[%dma_start3A_125, %dma_start3A_126] : memref<10240x128xf32, #tpu.memory_space<hbm>> -> memref<10240x128xf32, #tpu.memory_space<hbm>>
    tpu.enqueue_indirect_dma source(%dma_start3A_127 : memref<10240x128xf32, #tpu.memory_space<hbm>>) target(%dma_start3A_121 : memref<64x128xf32, #tpu.memory_space<vmem>>) offsets(%dma_start3A_124 : memref<64xi32, #tpu.memory_space<vmem>>) semaphore(%arg13 : memref<!tpu.dma_semaphore, #tpu.memory_space<semaphore_mem>>)
    %scan3A_128 = arith.constant 0 : i32
    %scan3A_129 = arith.constant 19 : i32
    %scan3A_130 = arith.addi %scan3A_128, %scan3A_129 : i32
    %scan3A_131 = arith.constant 1 : i32
    scf.for %scan3A_180 = %scan3A_128 to %scan3A_130 step %scan3A_131  : i32 {
      %mul3A_181 = arith.constant 1 : i32
      %mul3A_182 = arith.muli %scan3A_180, %mul3A_181 : i32
      %add3A_183 = arith.constant 0 : i32
      %add3A_184 = arith.addi %add3A_183, %mul3A_182 : i32
      %mul3A_185 = arith.constant 2 : i32
      %mul3A_186 = arith.muli %mul3A_185, %add3A_184 : i32
      %mul3A_187 = arith.constant 2 : i32
      %mul3A_188 = arith.muli %mul3A_187, %mul3A_186 : i32
      %mul3A_189 = arith.constant 2 : i32
      %mul3A_190 = arith.muli %mul3A_189, %mul3A_186 : i32
      %add3A_191 = arith.constant 1 : i32
      %add3A_192 = arith.addi %mul3A_190, %add3A_191 : i32
      %dma_wait3A_193 = arith.constant 0 : i32
      %dma_wait3A_194 = arith.constant 0 : i32
      %dma_wait3A_195 = tpu.memref_slice %arg9[%dma_wait3A_193, %dma_wait3A_194] : memref<128x128xf32, #tpu.memory_space<vmem>> -> memref<64x128xf32, #tpu.memory_space<vmem>>
      %dma_wait3A_196 = arith.constant 0 : i32
      %dma_wait3A_197 = tpu.memref_slice %arg7[%mul3A_188, %dma_wait3A_196] : memref<80x64xi32, #tpu.memory_space<vmem>> -> memref<1x64xi32, #tpu.memory_space<vmem>>
      %dma_wait3A_198 = tpu.memref_squeeze %dma_wait3A_197 : memref<1x64xi32, #tpu.memory_space<vmem>> -> memref<64xi32, #tpu.memory_space<vmem>>
      %dma_wait3A_199 = arith.constant 0 : i32
      %dma_wait3A_200 = arith.constant 0 : i32
      %dma_wait3A_201 = tpu.memref_slice %arg2[%dma_wait3A_199, %dma_wait3A_200] : memref<10240x128xf32, #tpu.memory_space<hbm>> -> memref<10240x128xf32, #tpu.memory_space<hbm>>
      tpu.wait_indirect_dma semaphore(%arg12 : memref<!tpu.dma_semaphore, #tpu.memory_space<semaphore_mem>>) src(%dma_wait3A_201 : memref<10240x128xf32, #tpu.memory_space<hbm>>) dst(%dma_wait3A_195 : memref<64x128xf32, #tpu.memory_space<vmem>>)
      %dma_wait3A_202 = arith.constant 64 : i32
      %dma_wait3A_203 = arith.constant 0 : i32
      %dma_wait3A_204 = tpu.memref_slice %arg9[%dma_wait3A_202, %dma_wait3A_203] : memref<128x128xf32, #tpu.memory_space<vmem>> -> memref<64x128xf32, #tpu.memory_space<vmem>>
      %dma_wait3A_205 = arith.constant 0 : i32
      %dma_wait3A_206 = tpu.memref_slice %arg7[%add3A_192, %dma_wait3A_205] : memref<80x64xi32, #tpu.memory_space<vmem>> -> memref<1x64xi32, #tpu.memory_space<vmem>>
      %dma_wait3A_207 = tpu.memref_squeeze %dma_wait3A_206 : memref<1x64xi32, #tpu.memory_space<vmem>> -> memref<64xi32, #tpu.memory_space<vmem>>
      %dma_wait3A_208 = arith.constant 0 : i32
      %dma_wait3A_209 = arith.constant 0 : i32
      %dma_wait3A_210 = tpu.memref_slice %arg2[%dma_wait3A_208, %dma_wait3A_209] : memref<10240x128xf32, #tpu.memory_space<hbm>> -> memref<10240x128xf32, #tpu.memory_space<hbm>>
      tpu.wait_indirect_dma semaphore(%arg12 : memref<!tpu.dma_semaphore, #tpu.memory_space<semaphore_mem>>) src(%dma_wait3A_210 : memref<10240x128xf32, #tpu.memory_space<hbm>>) dst(%dma_wait3A_204 : memref<64x128xf32, #tpu.memory_space<vmem>>)
      "tpu.region"() ({
        %run_scoped3A_291 = tpu.sem_alloc : memref<!tpu.dma_semaphore, #tpu.memory_space<semaphore_mem>>
        %dma_start3A_292 = arith.constant 0 : i32
        %dma_start3A_293 = tpu.memref_slice %arg8[%mul3A_186, %dma_start3A_292] : memref<40x128xi32, #tpu.memory_space<vmem>> -> memref<1x128xi32, #tpu.memory_space<vmem>>
        %dma_start3A_294 = tpu.memref_squeeze %dma_start3A_293 : memref<1x128xi32, #tpu.memory_space<vmem>> -> memref<128xi32, #tpu.memory_space<vmem>>
        %dma_start3A_295 = arith.constant 0 : i32
        %dma_start3A_296 = arith.constant 0 : i32
        %dma_start3A_297 = tpu.memref_slice %arg11[%dma_start3A_295, %dma_start3A_296] : memref<10240x128xf32, #tpu.memory_space<vmem_shared>> -> memref<10240x128xf32, #tpu.memory_space<vmem_shared>>
        tpu.enqueue_indirect_dma source(%arg9 : memref<128x128xf32, #tpu.memory_space<vmem>>) target(%dma_start3A_297 : memref<10240x128xf32, #tpu.memory_space<vmem_shared>>) offsets(%dma_start3A_294 : memref<128xi32, #tpu.memory_space<vmem>>) semaphore(%run_scoped3A_291 : memref<!tpu.dma_semaphore, #tpu.memory_space<semaphore_mem>>) {add = true}
        %dma_wait3A_298 = arith.constant 0 : i32
        %dma_wait3A_299 = tpu.memref_slice %arg8[%mul3A_186, %dma_wait3A_298] : memref<40x128xi32, #tpu.memory_space<vmem>> -> memref<1x128xi32, #tpu.memory_space<vmem>>
        %dma_wait3A_300 = tpu.memref_squeeze %dma_wait3A_299 : memref<1x128xi32, #tpu.memory_space<vmem>> -> memref<128xi32, #tpu.memory_space<vmem>>
        %dma_wait3A_301 = arith.constant 0 : i32
        %dma_wait3A_302 = arith.constant 0 : i32
        %dma_wait3A_303 = tpu.memref_slice %arg11[%dma_wait3A_301, %dma_wait3A_302] : memref<10240x128xf32, #tpu.memory_space<vmem_shared>> -> memref<10240x128xf32, #tpu.memory_space<vmem_shared>>
        tpu.wait_indirect_dma semaphore(%run_scoped3A_291 : memref<!tpu.dma_semaphore, #tpu.memory_space<semaphore_mem>>) src(%arg9 : memref<128x128xf32, #tpu.memory_space<vmem>>) dst(%dma_wait3A_303 : memref<10240x128xf32, #tpu.memory_space<vmem_shared>>)
        tpu.yield
      }) : () -> ()
      %add3A_211 = arith.constant 2 : i32
      %add3A_212 = arith.addi %mul3A_186, %add3A_211 : i32
      %mul3A_213 = arith.constant 2 : i32
      %mul3A_214 = arith.muli %mul3A_213, %add3A_212 : i32
      %mul3A_215 = arith.constant 2 : i32
      %mul3A_216 = arith.muli %mul3A_215, %add3A_212 : i32
      %add3A_217 = arith.constant 1 : i32
      %add3A_218 = arith.addi %mul3A_216, %add3A_217 : i32
      %dma_start3A_219 = arith.constant 0 : i32
      %dma_start3A_220 = arith.constant 0 : i32
      %dma_start3A_221 = tpu.memref_slice %arg9[%dma_start3A_219, %dma_start3A_220] : memref<128x128xf32, #tpu.memory_space<vmem>> -> memref<64x128xf32, #tpu.memory_space<vmem>>
      %dma_start3A_222 = arith.constant 0 : i32
      %dma_start3A_223 = tpu.memref_slice %arg7[%mul3A_214, %dma_start3A_222] : memref<80x64xi32, #tpu.memory_space<vmem>> -> memref<1x64xi32, #tpu.memory_space<vmem>>
      %dma_start3A_224 = tpu.memref_squeeze %dma_start3A_223 : memref<1x64xi32, #tpu.memory_space<vmem>> -> memref<64xi32, #tpu.memory_space<vmem>>
      %dma_start3A_225 = arith.constant 0 : i32
      %dma_start3A_226 = arith.constant 0 : i32
      %dma_start3A_227 = tpu.memref_slice %arg2[%dma_start3A_225, %dma_start3A_226] : memref<10240x128xf32, #tpu.memory_space<hbm>> -> memref<10240x128xf32, #tpu.memory_space<hbm>>
      tpu.enqueue_indirect_dma source(%dma_start3A_227 : memref<10240x128xf32, #tpu.memory_space<hbm>>) target(%dma_start3A_221 : memref<64x128xf32, #tpu.memory_space<vmem>>) offsets(%dma_start3A_224 : memref<64xi32, #tpu.memory_space<vmem>>) semaphore(%arg12 : memref<!tpu.dma_semaphore, #tpu.memory_space<semaphore_mem>>)
      %dma_start3A_228 = arith.constant 64 : i32
      %dma_start3A_229 = arith.constant 0 : i32
      %dma_start3A_230 = tpu.memref_slice %arg9[%dma_start3A_228, %dma_start3A_229] : memref<128x128xf32, #tpu.memory_space<vmem>> -> memref<64x128xf32, #tpu.memory_space<vmem>>
      %dma_start3A_231 = arith.constant 0 : i32
      %dma_start3A_232 = tpu.memref_slice %arg7[%add3A_218, %dma_start3A_231] : memref<80x64xi32, #tpu.memory_space<vmem>> -> memref<1x64xi32, #tpu.memory_space<vmem>>
      %dma_start3A_233 = tpu.memref_squeeze %dma_start3A_232 : memref<1x64xi32, #tpu.memory_space<vmem>> -> memref<64xi32, #tpu.memory_space<vmem>>
      %dma_start3A_234 = arith.constant 0 : i32
      %dma_start3A_235 = arith.constant 0 : i32
      %dma_start3A_236 = tpu.memref_slice %arg2[%dma_start3A_234, %dma_start3A_235] : memref<10240x128xf32, #tpu.memory_space<hbm>> -> memref<10240x128xf32, #tpu.memory_space<hbm>>
      tpu.enqueue_indirect_dma source(%dma_start3A_236 : memref<10240x128xf32, #tpu.memory_space<hbm>>) target(%dma_start3A_230 : memref<64x128xf32, #tpu.memory_space<vmem>>) offsets(%dma_start3A_233 : memref<64xi32, #tpu.memory_space<vmem>>) semaphore(%arg12 : memref<!tpu.dma_semaphore, #tpu.memory_space<semaphore_mem>>)
      %add3A_237 = arith.constant 1 : i32
      %add3A_238 = arith.addi %mul3A_186, %add3A_237 : i32
      %mul3A_239 = arith.constant 2 : i32
      %mul3A_240 = arith.muli %mul3A_239, %add3A_238 : i32
      %mul3A_241 = arith.constant 2 : i32
      %mul3A_242 = arith.muli %mul3A_241, %add3A_238 : i32
      %add3A_243 = arith.constant 1 : i32
      %add3A_244 = arith.addi %mul3A_242, %add3A_243 : i32
      %dma_wait3A_245 = arith.constant 0 : i32
      %dma_wait3A_246 = arith.constant 0 : i32
      %dma_wait3A_247 = tpu.memref_slice %arg10[%dma_wait3A_245, %dma_wait3A_246] : memref<128x128xf32, #tpu.memory_space<vmem>> -> memref<64x128xf32, #tpu.memory_space<vmem>>
      %dma_wait3A_248 = arith.constant 0 : i32
      %dma_wait3A_249 = tpu.memref_slice %arg7[%mul3A_240, %dma_wait3A_248] : memref<80x64xi32, #tpu.memory_space<vmem>> -> memref<1x64xi32, #tpu.memory_space<vmem>>
      %dma_wait3A_250 = tpu.memref_squeeze %dma_wait3A_249 : memref<1x64xi32, #tpu.memory_space<vmem>> -> memref<64xi32, #tpu.memory_space<vmem>>
      %dma_wait3A_251 = arith.constant 0 : i32
      %dma_wait3A_252 = arith.constant 0 : i32
      %dma_wait3A_253 = tpu.memref_slice %arg2[%dma_wait3A_251, %dma_wait3A_252] : memref<10240x128xf32, #tpu.memory_space<hbm>> -> memref<10240x128xf32, #tpu.memory_space<hbm>>
      tpu.wait_indirect_dma semaphore(%arg13 : memref<!tpu.dma_semaphore, #tpu.memory_space<semaphore_mem>>) src(%dma_wait3A_253 : memref<10240x128xf32, #tpu.memory_space<hbm>>) dst(%dma_wait3A_247 : memref<64x128xf32, #tpu.memory_space<vmem>>)
      %dma_wait3A_254 = arith.constant 64 : i32
      %dma_wait3A_255 = arith.constant 0 : i32
      %dma_wait3A_256 = tpu.memref_slice %arg10[%dma_wait3A_254, %dma_wait3A_255] : memref<128x128xf32, #tpu.memory_space<vmem>> -> memref<64x128xf32, #tpu.memory_space<vmem>>
      %dma_wait3A_257 = arith.constant 0 : i32
      %dma_wait3A_258 = tpu.memref_slice %arg7[%add3A_244, %dma_wait3A_257] : memref<80x64xi32, #tpu.memory_space<vmem>> -> memref<1x64xi32, #tpu.memory_space<vmem>>
      %dma_wait3A_259 = tpu.memref_squeeze %dma_wait3A_258 : memref<1x64xi32, #tpu.memory_space<vmem>> -> memref<64xi32, #tpu.memory_space<vmem>>
      %dma_wait3A_260 = arith.constant 0 : i32
      %dma_wait3A_261 = arith.constant 0 : i32
      %dma_wait3A_262 = tpu.memref_slice %arg2[%dma_wait3A_260, %dma_wait3A_261] : memref<10240x128xf32, #tpu.memory_space<hbm>> -> memref<10240x128xf32, #tpu.memory_space<hbm>>
      tpu.wait_indirect_dma semaphore(%arg13 : memref<!tpu.dma_semaphore, #tpu.memory_space<semaphore_mem>>) src(%dma_wait3A_262 : memref<10240x128xf32, #tpu.memory_space<hbm>>) dst(%dma_wait3A_256 : memref<64x128xf32, #tpu.memory_space<vmem>>)
      %add3A_263 = arith.constant 1 : i32
      %add3A_264 = arith.addi %mul3A_186, %add3A_263 : i32
      "tpu.region"() ({
        %run_scoped3A_291 = tpu.sem_alloc : memref<!tpu.dma_semaphore, #tpu.memory_space<semaphore_mem>>
        %dma_start3A_292 = arith.constant 0 : i32
        %dma_start3A_293 = tpu.memref_slice %arg8[%add3A_264, %dma_start3A_292] : memref<40x128xi32, #tpu.memory_space<vmem>> -> memref<1x128xi32, #tpu.memory_space<vmem>>
        %dma_start3A_294 = tpu.memref_squeeze %dma_start3A_293 : memref<1x128xi32, #tpu.memory_space<vmem>> -> memref<128xi32, #tpu.memory_space<vmem>>
        %dma_start3A_295 = arith.constant 0 : i32
        %dma_start3A_296 = arith.constant 0 : i32
        %dma_start3A_297 = tpu.memref_slice %arg11[%dma_start3A_295, %dma_start3A_296] : memref<10240x128xf32, #tpu.memory_space<vmem_shared>> -> memref<10240x128xf32, #tpu.memory_space<vmem_shared>>
        tpu.enqueue_indirect_dma source(%arg10 : memref<128x128xf32, #tpu.memory_space<vmem>>) target(%dma_start3A_297 : memref<10240x128xf32, #tpu.memory_space<vmem_shared>>) offsets(%dma_start3A_294 : memref<128xi32, #tpu.memory_space<vmem>>) semaphore(%run_scoped3A_291 : memref<!tpu.dma_semaphore, #tpu.memory_space<semaphore_mem>>) {add = true}
        %dma_wait3A_298 = arith.constant 0 : i32
        %dma_wait3A_299 = tpu.memref_slice %arg8[%add3A_264, %dma_wait3A_298] : memref<40x128xi32, #tpu.memory_space<vmem>> -> memref<1x128xi32, #tpu.memory_space<vmem>>
        %dma_wait3A_300 = tpu.memref_squeeze %dma_wait3A_299 : memref<1x128xi32, #tpu.memory_space<vmem>> -> memref<128xi32, #tpu.memory_space<vmem>>
        %dma_wait3A_301 = arith.constant 0 : i32
        %dma_wait3A_302 = arith.constant 0 : i32
        %dma_wait3A_303 = tpu.memref_slice %arg11[%dma_wait3A_301, %dma_wait3A_302] : memref<10240x128xf32, #tpu.memory_space<vmem_shared>> -> memref<10240x128xf32, #tpu.memory_space<vmem_shared>>
        tpu.wait_indirect_dma semaphore(%run_scoped3A_291 : memref<!tpu.dma_semaphore, #tpu.memory_space<semaphore_mem>>) src(%arg10 : memref<128x128xf32, #tpu.memory_space<vmem>>) dst(%dma_wait3A_303 : memref<10240x128xf32, #tpu.memory_space<vmem_shared>>)
        tpu.yield
      }) : () -> ()
      %add3A_265 = arith.constant 3 : i32
      %add3A_266 = arith.addi %mul3A_186, %add3A_265 : i32
      %mul3A_267 = arith.constant 2 : i32
      %mul3A_268 = arith.muli %mul3A_267, %add3A_266 : i32
      %mul3A_269 = arith.constant 2 : i32
      %mul3A_270 = arith.muli %mul3A_269, %add3A_266 : i32
      %add3A_271 = arith.constant 1 : i32
      %add3A_272 = arith.addi %mul3A_270, %add3A_271 : i32
      %dma_start3A_273 = arith.constant 0 : i32
      %dma_start3A_274 = arith.constant 0 : i32
      %dma_start3A_275 = tpu.memref_slice %arg10[%dma_start3A_273, %dma_start3A_274] : memref<128x128xf32, #tpu.memory_space<vmem>> -> memref<64x128xf32, #tpu.memory_space<vmem>>
      %dma_start3A_276 = arith.constant 0 : i32
      %dma_start3A_277 = tpu.memref_slice %arg7[%mul3A_268, %dma_start3A_276] : memref<80x64xi32, #tpu.memory_space<vmem>> -> memref<1x64xi32, #tpu.memory_space<vmem>>
      %dma_start3A_278 = tpu.memref_squeeze %dma_start3A_277 : memref<1x64xi32, #tpu.memory_space<vmem>> -> memref<64xi32, #tpu.memory_space<vmem>>
      %dma_start3A_279 = arith.constant 0 : i32
      %dma_start3A_280 = arith.constant 0 : i32
      %dma_start3A_281 = tpu.memref_slice %arg2[%dma_start3A_279, %dma_start3A_280] : memref<10240x128xf32, #tpu.memory_space<hbm>> -> memref<10240x128xf32, #tpu.memory_space<hbm>>
      tpu.enqueue_indirect_dma source(%dma_start3A_281 : memref<10240x128xf32, #tpu.memory_space<hbm>>) target(%dma_start3A_275 : memref<64x128xf32, #tpu.memory_space<vmem>>) offsets(%dma_start3A_278 : memref<64xi32, #tpu.memory_space<vmem>>) semaphore(%arg13 : memref<!tpu.dma_semaphore, #tpu.memory_space<semaphore_mem>>)
      %dma_start3A_282 = arith.constant 64 : i32
      %dma_start3A_283 = arith.constant 0 : i32
      %dma_start3A_284 = tpu.memref_slice %arg10[%dma_start3A_282, %dma_start3A_283] : memref<128x128xf32, #tpu.memory_space<vmem>> -> memref<64x128xf32, #tpu.memory_space<vmem>>
      %dma_start3A_285 = arith.constant 0 : i32
      %dma_start3A_286 = tpu.memref_slice %arg7[%add3A_272, %dma_start3A_285] : memref<80x64xi32, #tpu.memory_space<vmem>> -> memref<1x64xi32, #tpu.memory_space<vmem>>
      %dma_start3A_287 = tpu.memref_squeeze %dma_start3A_286 : memref<1x64xi32, #tpu.memory_space<vmem>> -> memref<64xi32, #tpu.memory_space<vmem>>
      %dma_start3A_288 = arith.constant 0 : i32
      %dma_start3A_289 = arith.constant 0 : i32
      %dma_start3A_290 = tpu.memref_slice %arg2[%dma_start3A_288, %dma_start3A_289] : memref<10240x128xf32, #tpu.memory_space<hbm>> -> memref<10240x128xf32, #tpu.memory_space<hbm>>
      tpu.enqueue_indirect_dma source(%dma_start3A_290 : memref<10240x128xf32, #tpu.memory_space<hbm>>) target(%dma_start3A_284 : memref<64x128xf32, #tpu.memory_space<vmem>>) offsets(%dma_start3A_287 : memref<64xi32, #tpu.memory_space<vmem>>) semaphore(%arg13 : memref<!tpu.dma_semaphore, #tpu.memory_space<semaphore_mem>>)
    }
    %scan3A_132 = arith.constant 19 : i32
    %dma_wait3A_133 = arith.constant 76 : i32
    %dma_wait3A_134 = arith.constant 0 : i32
    %dma_wait3A_135 = arith.constant 0 : i32
    %dma_wait3A_136 = tpu.memref_slice %arg9[%dma_wait3A_134, %dma_wait3A_135] : memref<128x128xf32, #tpu.memory_space<vmem>> -> memref<64x128xf32, #tpu.memory_space<vmem>>
    %dma_wait3A_137 = arith.constant 0 : i32
    %dma_wait3A_138 = tpu.memref_slice %arg7[%dma_wait3A_133, %dma_wait3A_137] : memref<80x64xi32, #tpu.memory_space<vmem>> -> memref<1x64xi32, #tpu.memory_space<vmem>>
    %dma_wait3A_139 = tpu.memref_squeeze %dma_wait3A_138 : memref<1x64xi32, #tpu.memory_space<vmem>> -> memref<64xi32, #tpu.memory_space<vmem>>
    %dma_wait3A_140 = arith.constant 0 : i32
    %dma_wait3A_141 = arith.constant 0 : i32
    %dma_wait3A_142 = tpu.memref_slice %arg2[%dma_wait3A_140, %dma_wait3A_141] : memref<10240x128xf32, #tpu.memory_space<hbm>> -> memref<10240x128xf32, #tpu.memory_space<hbm>>
    tpu.wait_indirect_dma semaphore(%arg12 : memref<!tpu.dma_semaphore, #tpu.memory_space<semaphore_mem>>) src(%dma_wait3A_142 : memref<10240x128xf32, #tpu.memory_space<hbm>>) dst(%dma_wait3A_136 : memref<64x128xf32, #tpu.memory_space<vmem>>)
    %dma_wait3A_143 = arith.constant 77 : i32
    %dma_wait3A_144 = arith.constant 64 : i32
    %dma_wait3A_145 = arith.constant 0 : i32
    %dma_wait3A_146 = tpu.memref_slice %arg9[%dma_wait3A_144, %dma_wait3A_145] : memref<128x128xf32, #tpu.memory_space<vmem>> -> memref<64x128xf32, #tpu.memory_space<vmem>>
    %dma_wait3A_147 = arith.constant 0 : i32
    %dma_wait3A_148 = tpu.memref_slice %arg7[%dma_wait3A_143, %dma_wait3A_147] : memref<80x64xi32, #tpu.memory_space<vmem>> -> memref<1x64xi32, #tpu.memory_space<vmem>>
    %dma_wait3A_149 = tpu.memref_squeeze %dma_wait3A_148 : memref<1x64xi32, #tpu.memory_space<vmem>> -> memref<64xi32, #tpu.memory_space<vmem>>
    %dma_wait3A_150 = arith.constant 0 : i32
    %dma_wait3A_151 = arith.constant 0 : i32
    %dma_wait3A_152 = tpu.memref_slice %arg2[%dma_wait3A_150, %dma_wait3A_151] : memref<10240x128xf32, #tpu.memory_space<hbm>> -> memref<10240x128xf32, #tpu.memory_space<hbm>>
    tpu.wait_indirect_dma semaphore(%arg12 : memref<!tpu.dma_semaphore, #tpu.memory_space<semaphore_mem>>) src(%dma_wait3A_152 : memref<10240x128xf32, #tpu.memory_space<hbm>>) dst(%dma_wait3A_146 : memref<64x128xf32, #tpu.memory_space<vmem>>)
    %run_scoped3A_153 = arith.constant 38 : i32
    "tpu.region"() ({
      %run_scoped3A_180 = tpu.sem_alloc : memref<!tpu.dma_semaphore, #tpu.memory_space<semaphore_mem>>
      %dma_start3A_181 = arith.constant 0 : i32
      %dma_start3A_182 = tpu.memref_slice %arg8[%run_scoped3A_153, %dma_start3A_181] : memref<40x128xi32, #tpu.memory_space<vmem>> -> memref<1x128xi32, #tpu.memory_space<vmem>>
      %dma_start3A_183 = tpu.memref_squeeze %dma_start3A_182 : memref<1x128xi32, #tpu.memory_space<vmem>> -> memref<128xi32, #tpu.memory_space<vmem>>
      %dma_start3A_184 = arith.constant 0 : i32
      %dma_start3A_185 = arith.constant 0 : i32
      %dma_start3A_186 = tpu.memref_slice %arg11[%dma_start3A_184, %dma_start3A_185] : memref<10240x128xf32, #tpu.memory_space<vmem_shared>> -> memref<10240x128xf32, #tpu.memory_space<vmem_shared>>
      tpu.enqueue_indirect_dma source(%arg9 : memref<128x128xf32, #tpu.memory_space<vmem>>) target(%dma_start3A_186 : memref<10240x128xf32, #tpu.memory_space<vmem_shared>>) offsets(%dma_start3A_183 : memref<128xi32, #tpu.memory_space<vmem>>) semaphore(%run_scoped3A_180 : memref<!tpu.dma_semaphore, #tpu.memory_space<semaphore_mem>>) {add = true}
      %dma_wait3A_187 = arith.constant 0 : i32
      %dma_wait3A_188 = tpu.memref_slice %arg8[%run_scoped3A_153, %dma_wait3A_187] : memref<40x128xi32, #tpu.memory_space<vmem>> -> memref<1x128xi32, #tpu.memory_space<vmem>>
      %dma_wait3A_189 = tpu.memref_squeeze %dma_wait3A_188 : memref<1x128xi32, #tpu.memory_space<vmem>> -> memref<128xi32, #tpu.memory_space<vmem>>
      %dma_wait3A_190 = arith.constant 0 : i32
      %dma_wait3A_191 = arith.constant 0 : i32
      %dma_wait3A_192 = tpu.memref_slice %arg11[%dma_wait3A_190, %dma_wait3A_191] : memref<10240x128xf32, #tpu.memory_space<vmem_shared>> -> memref<10240x128xf32, #tpu.memory_space<vmem_shared>>
      tpu.wait_indirect_dma semaphore(%run_scoped3A_180 : memref<!tpu.dma_semaphore, #tpu.memory_space<semaphore_mem>>) src(%arg9 : memref<128x128xf32, #tpu.memory_space<vmem>>) dst(%dma_wait3A_192 : memref<10240x128xf32, #tpu.memory_space<vmem_shared>>)
      tpu.yield
    }) : () -> ()
    %dma_wait3A_154 = arith.constant 78 : i32
    %dma_wait3A_155 = arith.constant 0 : i32
    %dma_wait3A_156 = arith.constant 0 : i32
    %dma_wait3A_157 = tpu.memref_slice %arg10[%dma_wait3A_155, %dma_wait3A_156] : memref<128x128xf32, #tpu.memory_space<vmem>> -> memref<64x128xf32, #tpu.memory_space<vmem>>
    %dma_wait3A_158 = arith.constant 0 : i32
    %dma_wait3A_159 = tpu.memref_slice %arg7[%dma_wait3A_154, %dma_wait3A_158] : memref<80x64xi32, #tpu.memory_space<vmem>> -> memref<1x64xi32, #tpu.memory_space<vmem>>
    %dma_wait3A_160 = tpu.memref_squeeze %dma_wait3A_159 : memref<1x64xi32, #tpu.memory_space<vmem>> -> memref<64xi32, #tpu.memory_space<vmem>>
    %dma_wait3A_161 = arith.constant 0 : i32
    %dma_wait3A_162 = arith.constant 0 : i32
    %dma_wait3A_163 = tpu.memref_slice %arg2[%dma_wait3A_161, %dma_wait3A_162] : memref<10240x128xf32, #tpu.memory_space<hbm>> -> memref<10240x128xf32, #tpu.memory_space<hbm>>
    tpu.wait_indirect_dma semaphore(%arg13 : memref<!tpu.dma_semaphore, #tpu.memory_space<semaphore_mem>>) src(%dma_wait3A_163 : memref<10240x128xf32, #tpu.memory_space<hbm>>) dst(%dma_wait3A_157 : memref<64x128xf32, #tpu.memory_space<vmem>>)
    %dma_wait3A_164 = arith.constant 79 : i32
    %dma_wait3A_165 = arith.constant 64 : i32
    %dma_wait3A_166 = arith.constant 0 : i32
    %dma_wait3A_167 = tpu.memref_slice %arg10[%dma_wait3A_165, %dma_wait3A_166] : memref<128x128xf32, #tpu.memory_space<vmem>> -> memref<64x128xf32, #tpu.memory_space<vmem>>
    %dma_wait3A_168 = arith.constant 0 : i32
    %dma_wait3A_169 = tpu.memref_slice %arg7[%dma_wait3A_164, %dma_wait3A_168] : memref<80x64xi32, #tpu.memory_space<vmem>> -> memref<1x64xi32, #tpu.memory_space<vmem>>
    %dma_wait3A_170 = tpu.memref_squeeze %dma_wait3A_169 : memref<1x64xi32, #tpu.memory_space<vmem>> -> memref<64xi32, #tpu.memory_space<vmem>>
    %dma_wait3A_171 = arith.constant 0 : i32
    %dma_wait3A_172 = arith.constant 0 : i32
    %dma_wait3A_173 = tpu.memref_slice %arg2[%dma_wait3A_171, %dma_wait3A_172] : memref<10240x128xf32, #tpu.memory_space<hbm>> -> memref<10240x128xf32, #tpu.memory_space<hbm>>
    tpu.wait_indirect_dma semaphore(%arg13 : memref<!tpu.dma_semaphore, #tpu.memory_space<semaphore_mem>>) src(%dma_wait3A_173 : memref<10240x128xf32, #tpu.memory_space<hbm>>) dst(%dma_wait3A_167 : memref<64x128xf32, #tpu.memory_space<vmem>>)
    %run_scoped3A_174 = arith.constant 39 : i32
    "tpu.region"() ({
      %run_scoped3A_180 = tpu.sem_alloc : memref<!tpu.dma_semaphore, #tpu.memory_space<semaphore_mem>>
      %dma_start3A_181 = arith.constant 0 : i32
      %dma_start3A_182 = tpu.memref_slice %arg8[%run_scoped3A_174, %dma_start3A_181] : memref<40x128xi32, #tpu.memory_space<vmem>> -> memref<1x128xi32, #tpu.memory_space<vmem>>
      %dma_start3A_183 = tpu.memref_squeeze %dma_start3A_182 : memref<1x128xi32, #tpu.memory_space<vmem>> -> memref<128xi32, #tpu.memory_space<vmem>>
      %dma_start3A_184 = arith.constant 0 : i32
      %dma_start3A_185 = arith.constant 0 : i32
      %dma_start3A_186 = tpu.memref_slice %arg11[%dma_start3A_184, %dma_start3A_185] : memref<10240x128xf32, #tpu.memory_space<vmem_shared>> -> memref<10240x128xf32, #tpu.memory_space<vmem_shared>>
      tpu.enqueue_indirect_dma source(%arg10 : memref<128x128xf32, #tpu.memory_space<vmem>>) target(%dma_start3A_186 : memref<10240x128xf32, #tpu.memory_space<vmem_shared>>) offsets(%dma_start3A_183 : memref<128xi32, #tpu.memory_space<vmem>>) semaphore(%run_scoped3A_180 : memref<!tpu.dma_semaphore, #tpu.memory_space<semaphore_mem>>) {add = true}
      %dma_wait3A_187 = arith.constant 0 : i32
      %dma_wait3A_188 = tpu.memref_slice %arg8[%run_scoped3A_174, %dma_wait3A_187] : memref<40x128xi32, #tpu.memory_space<vmem>> -> memref<1x128xi32, #tpu.memory_space<vmem>>
      %dma_wait3A_189 = tpu.memref_squeeze %dma_wait3A_188 : memref<1x128xi32, #tpu.memory_space<vmem>> -> memref<128xi32, #tpu.memory_space<vmem>>
      %dma_wait3A_190 = arith.constant 0 : i32
      %dma_wait3A_191 = arith.constant 0 : i32
      %dma_wait3A_192 = tpu.memref_slice %arg11[%dma_wait3A_190, %dma_wait3A_191] : memref<10240x128xf32, #tpu.memory_space<vmem_shared>> -> memref<10240x128xf32, #tpu.memory_space<vmem_shared>>
      tpu.wait_indirect_dma semaphore(%run_scoped3A_180 : memref<!tpu.dma_semaphore, #tpu.memory_space<semaphore_mem>>) src(%arg10 : memref<128x128xf32, #tpu.memory_space<vmem>>) dst(%dma_wait3A_192 : memref<10240x128xf32, #tpu.memory_space<vmem_shared>>)
      tpu.yield
    }) : () -> ()
    %barrier3A_175 = arith.constant 0 : index
    tpu.barrier barrier_id(%barrier3A_175)
    %mul3A_176 = arith.constant 640 : i32
    %mul3A_177 = arith.muli %arg1, %mul3A_176 : i32
    %mul3A_178 = arith.constant 640 : i32
    %mul3A_179 = arith.muli %arg1, %mul3A_178 : i32
    "tpu.region"() ({
      %run_scoped3A_180 = tpu.sem_alloc : memref<!tpu.dma_semaphore, #tpu.memory_space<semaphore_mem>>
      %dma_start3A_181 = arith.constant 0 : i32
      %dma_start3A_182 = arith.constant 0 : i32
      %dma_start3A_183 = tpu.memref_slice %arg6[%arg0, %dma_start3A_181, %dma_start3A_182] : memref<2x10240x128xf32, #tpu.memory_space<hbm>> -> memref<1x10240x128xf32, #tpu.memory_space<hbm>>
      %dma_start3A_184 = tpu.memref_squeeze %dma_start3A_183 : memref<1x10240x128xf32, #tpu.memory_space<hbm>> -> memref<10240x128xf32, #tpu.memory_space<hbm>>
      %dma_start3A_185 = arith.constant 0 : i32
      %dma_start3A_186 = tpu.memref_slice %dma_start3A_184[%mul3A_179, %dma_start3A_185] : memref<10240x128xf32, #tpu.memory_space<hbm>> -> memref<640x128xf32, #tpu.memory_space<hbm>>
      %dma_start3A_187 = arith.constant 0 : i32
      %dma_start3A_188 = tpu.memref_slice %arg11[%mul3A_177, %dma_start3A_187] : memref<10240x128xf32, #tpu.memory_space<vmem_shared>> -> memref<640x128xf32, #tpu.memory_space<vmem_shared>>
      tpu.enqueue_dma source(%dma_start3A_188 : memref<640x128xf32, #tpu.memory_space<vmem_shared>>) target(%dma_start3A_186 : memref<640x128xf32, #tpu.memory_space<hbm>>) target_semaphore(%run_scoped3A_180 : memref<!tpu.dma_semaphore, #tpu.memory_space<semaphore_mem>>)
      %dma_wait3A_189 = arith.constant 0 : i32
      %dma_wait3A_190 = arith.constant 0 : i32
      %dma_wait3A_191 = tpu.memref_slice %arg6[%arg0, %dma_wait3A_189, %dma_wait3A_190] : memref<2x10240x128xf32, #tpu.memory_space<hbm>> -> memref<1x10240x128xf32, #tpu.memory_space<hbm>>
      %dma_wait3A_192 = tpu.memref_squeeze %dma_wait3A_191 : memref<1x10240x128xf32, #tpu.memory_space<hbm>> -> memref<10240x128xf32, #tpu.memory_space<hbm>>
      %dma_wait3A_193 = arith.constant 0 : i32
      %dma_wait3A_194 = tpu.memref_slice %dma_wait3A_192[%mul3A_179, %dma_wait3A_193] : memref<10240x128xf32, #tpu.memory_space<hbm>> -> memref<640x128xf32, #tpu.memory_space<hbm>>
      %dma_wait3A_195 = arith.constant 0 : i32
      %dma_wait3A_196 = tpu.memref_slice %arg11[%mul3A_177, %dma_wait3A_195] : memref<10240x128xf32, #tpu.memory_space<vmem_shared>> -> memref<640x128xf32, #tpu.memory_space<vmem_shared>>
      tpu.wait_dma2 semaphore(%run_scoped3A_180 : memref<!tpu.dma_semaphore, #tpu.memory_space<semaphore_mem>>) src(%dma_wait3A_196 : memref<640x128xf32, #tpu.memory_space<vmem_shared>>) dst(%dma_wait3A_194 : memref<640x128xf32, #tpu.memory_space<hbm>>)
      tpu.yield
    }) : () -> ()
    return
  }
}

module attributes {stable_mosaic.version = 14 : i64} {
  func.func @body(%arg0: memref<32x10240xf32, #tpu.memory_space<vmem>>, %arg1: memref<10000x128xf32, #tpu.memory_space<vmem>>, %arg2: memref<10240x128xf32, #tpu.memory_space<vmem>>, %arg3: memref<10240x1xf32, #tpu.memory_space<vmem>>, %arg4: memref<10240x1xf32, #tpu.memory_space<vmem>>) attributes {dimension_semantics = [], scalar_prefetch = 0 : i64, scratch_operands = 0 : i64, tpu.core_type = #tpu.core_type<tc>} {
    %get3A = arith.constant 0 : index
    %get3A_0 = arith.constant 0 : index
    %get3A_1 = vector.load %arg0[%get3A, %get3A_0] : memref<32x10240xf32, #tpu.memory_space<vmem>>, vector<32x10240xf32>
    %reduce_sum3A = arith.constant dense<0.000000e+00> : vector<10240xf32>
    %reduce_sum3A_2 = vector.multi_reduction <add>, %get3A_1, %reduce_sum3A [0] : vector<32x10240xf32> to vector<10240xf32>
    %broadcast_in_dim3A = vector.shape_cast %reduce_sum3A_2 : vector<10240xf32> to vector<10240x1xf32>
    %add3A = arith.constant 1.000000e+00 : f32
    %add3A_3 = vector.broadcast %add3A : f32 to vector<10240x1xf32>
    %add3A_4 = arith.addf %broadcast_in_dim3A, %add3A_3 : vector<10240x1xf32>
    %rsqrt3A = math.rsqrt %add3A_4 : vector<10240x1xf32>
    %max3A = arith.constant 1.000000e+00 : f32
    %max3A_5 = vector.broadcast %max3A : f32 to vector<10240x1xf32>
    %max3A_6 = arith.maximumf %broadcast_in_dim3A, %max3A_5 : vector<10240x1xf32>
    %div3A = arith.constant 1.000000e+00 : f32
    %div3A_7 = vector.broadcast %div3A : f32 to vector<10240x1xf32>
    %div3A_8 = arith.divf %div3A_7, %max3A_6 : vector<10240x1xf32>
    %swap3A = arith.constant 0 : index
    %swap3A_9 = arith.constant 0 : index
    %swap3A_10 = vector.load %arg3[%swap3A, %swap3A_9] : memref<10240x1xf32, #tpu.memory_space<vmem>>, vector<10240x1xf32>
    tpu.vector_store %arg3[%swap3A, %swap3A_9], %rsqrt3A {strides = array<i32>} : memref<10240x1xf32, #tpu.memory_space<vmem>>, vector<10240x1xf32>,
    %swap3A_11 = arith.constant 0 : index
    %swap3A_12 = arith.constant 0 : index
    %swap3A_13 = vector.load %arg4[%swap3A_11, %swap3A_12] : memref<10240x1xf32, #tpu.memory_space<vmem>>, vector<10240x1xf32>
    tpu.vector_store %arg4[%swap3A_11, %swap3A_12], %div3A_8 {strides = array<i32>} : memref<10240x1xf32, #tpu.memory_space<vmem>>, vector<10240x1xf32>,
    %slice3A = vector.extract_strided_slice %rsqrt3A {offsets = [0, 0], sizes = [10000, 1], strides = [1, 1]} : vector<10240x1xf32> to vector<10000x1xf32>
    %get3A_14 = arith.constant 0 : index
    %get3A_15 = arith.constant 0 : index
    %get3A_16 = vector.load %arg1[%get3A_14, %get3A_15] : memref<10000x128xf32, #tpu.memory_space<vmem>>, vector<10000x128xf32>
    %mul3A = vector.broadcast %slice3A : vector<10000x1xf32> to vector<10000x128xf32>
    %mul3A_17 = arith.mulf %mul3A, %get3A_16 : vector<10000x128xf32>
    %swap3A_18 = arith.constant 0 : index
    %swap3A_19 = arith.constant 0 : index
    %swap3A_20 = vector.load %arg2[%swap3A_18, %swap3A_19] : memref<10240x128xf32, #tpu.memory_space<vmem>>, vector<10000x128xf32>
    tpu.vector_store %arg2[%swap3A_18, %swap3A_19], %mul3A_17 {strides = array<i32>} : memref<10240x128xf32, #tpu.memory_space<vmem>>, vector<10000x128xf32>,
    %broadcast_in_dim3A_21 = arith.constant 0.000000e+00 : f32
    %broadcast_in_dim3A_22 = vector.broadcast %broadcast_in_dim3A_21 : f32 to vector<240x128xf32>
    %swap3A_23 = arith.constant 10000 : index
    %swap3A_24 = arith.constant 0 : index
    %swap3A_25 = vector.load %arg2[%swap3A_23, %swap3A_24] : memref<10240x128xf32, #tpu.memory_space<vmem>>, vector<240x128xf32>
    tpu.vector_store %arg2[%swap3A_23, %swap3A_24], %broadcast_in_dim3A_22 {strides = array<i32>} : memref<10240x128xf32, #tpu.memory_space<vmem>>, vector<240x128xf32>,
    return
  }
}

module attributes {stable_mosaic.version = 14 : i64} {
  func.func @body(%arg0: memref<2x10240x128xf32, #tpu.memory_space<vmem>>, %arg1: memref<10240x128xf32, #tpu.memory_space<vmem>>, %arg2: memref<10240x1xf32, #tpu.memory_space<vmem>>, %arg3: memref<256x128xf32, #tpu.memory_space<vmem>>, %arg4: memref<256xf32, #tpu.memory_space<vmem>>, %arg5: memref<256xf32, #tpu.memory_space<vmem>>, %arg6: memref<256xf32, #tpu.memory_space<vmem>>, %arg7: memref<128x256xf32, #tpu.memory_space<vmem>>, %arg8: memref<10000x256xf32, #tpu.memory_space<vmem>>, %arg9: memref<10240x128xf32, #tpu.memory_space<vmem>>) attributes {dimension_semantics = [], scalar_prefetch = 0 : i64, scratch_operands = 0 : i64, tpu.core_type = #tpu.core_type<tc>} {
    %get3A = arith.constant 0 : index
    %get3A_0 = arith.constant 0 : index
    %get3A_1 = arith.constant 0 : index
    %get3A_2 = vector.load %arg0[%get3A, %get3A_0, %get3A_1] : memref<2x10240x128xf32, #tpu.memory_space<vmem>>, vector<2x10240x128xf32>
    %slice3A = vector.extract_strided_slice %get3A_2 {offsets = [0, 0, 0], sizes = [1, 10000, 128], strides = [1, 1, 1]} : vector<2x10240x128xf32> to vector<1x10000x128xf32>
    %squeeze3A = vector.shape_cast %slice3A : vector<1x10000x128xf32> to vector<10000x128xf32>
    %slice3A_3 = vector.extract_strided_slice %get3A_2 {offsets = [1, 0, 0], sizes = [1, 10000, 128], strides = [1, 1, 1]} : vector<2x10240x128xf32> to vector<1x10000x128xf32>
    %squeeze3A_4 = vector.shape_cast %slice3A_3 : vector<1x10000x128xf32> to vector<10000x128xf32>
    %add3A = arith.addf %squeeze3A, %squeeze3A_4 : vector<10000x128xf32>
    %get3A_5 = arith.constant 0 : index
    %get3A_6 = arith.constant 0 : index
    %get3A_7 = vector.load %arg2[%get3A_5, %get3A_6] : memref<10240x1xf32, #tpu.memory_space<vmem>>, vector<10000x1xf32>
    %get3A_8 = arith.constant 0 : index
    %get3A_9 = arith.constant 0 : index
    %get3A_10 = vector.load %arg1[%get3A_8, %get3A_9] : memref<10240x128xf32, #tpu.memory_space<vmem>>, vector<10000x128xf32>
    %add3A_11 = arith.addf %add3A, %get3A_10 : vector<10000x128xf32>
    %mul3A = vector.broadcast %get3A_7 : vector<10000x1xf32> to vector<10000x128xf32>
    %mul3A_12 = arith.mulf %mul3A, %add3A_11 : vector<10000x128xf32>
    %get3A_13 = arith.constant 0 : index
    %get3A_14 = arith.constant 0 : index
    %get3A_15 = vector.load %arg3[%get3A_13, %get3A_14] : memref<256x128xf32, #tpu.memory_space<vmem>>, vector<256x128xf32>
    %dot_general3A = arith.constant dense<0.000000e+00> : vector<10000x256xf32>
    %dot_general3A_16 = tpu.matmul %mul3A_12, %get3A_15, %dot_general3A {dimension_numbers = #tpu.dot_dimension_numbers<[1], [1], [0], [0], [0, 0, 1, 0], [], []>, transpose_lhs_hint = false} : vector<10000x128xf32>, vector<256x128xf32>, vector<10000x256xf32> -> vector<10000x256xf32>
    %get3A_17 = arith.constant 0 : index
    %get3A_18 = vector.load %arg4[%get3A_17] : memref<256xf32, #tpu.memory_space<vmem>>, vector<256xf32>
    %broadcast_in_dim3A = vector.shape_cast %get3A_18 : vector<256xf32> to vector<1x256xf32>
    %add3A_19 = vector.broadcast %broadcast_in_dim3A : vector<1x256xf32> to vector<10000x256xf32>
    %add3A_20 = arith.addf %dot_general3A_16, %add3A_19 : vector<10000x256xf32>
    %reduce_sum3A = arith.constant dense<0.000000e+00> : vector<256xf32>
    %reduce_sum3A_21 = vector.multi_reduction <add>, %add3A_20, %reduce_sum3A [0] : vector<10000x256xf32> to vector<256xf32>
    %broadcast_in_dim3A_22 = vector.shape_cast %reduce_sum3A_21 : vector<256xf32> to vector<1x256xf32>
    %div3A = arith.constant 1.000000e+04 : f32
    %div3A_23 = vector.broadcast %div3A : f32 to vector<1x256xf32>
    %div3A_24 = arith.divf %broadcast_in_dim3A_22, %div3A_23 : vector<1x256xf32>
    %mul3A_25 = arith.mulf %add3A_20, %add3A_20 : vector<10000x256xf32>
    %reduce_sum3A_26 = arith.constant dense<0.000000e+00> : vector<256xf32>
    %reduce_sum3A_27 = vector.multi_reduction <add>, %mul3A_25, %reduce_sum3A_26 [0] : vector<10000x256xf32> to vector<256xf32>
    %broadcast_in_dim3A_28 = vector.shape_cast %reduce_sum3A_27 : vector<256xf32> to vector<1x256xf32>
    %div3A_29 = arith.constant 1.000000e+04 : f32
    %div3A_30 = vector.broadcast %div3A_29 : f32 to vector<1x256xf32>
    %div3A_31 = arith.divf %broadcast_in_dim3A_28, %div3A_30 : vector<1x256xf32>
    %mul3A_32 = arith.mulf %div3A_24, %div3A_24 : vector<1x256xf32>
    %sub3A = arith.subf %div3A_31, %mul3A_32 : vector<1x256xf32>
    %sub3A_33 = vector.broadcast %div3A_24 : vector<1x256xf32> to vector<10000x256xf32>
    %sub3A_34 = arith.subf %add3A_20, %sub3A_33 : vector<10000x256xf32>
    %add3A_35 = arith.constant 9.99999974E-6 : f32
    %add3A_36 = vector.broadcast %add3A_35 : f32 to vector<1x256xf32>
    %add3A_37 = arith.addf %sub3A, %add3A_36 : vector<1x256xf32>
    %rsqrt3A = math.rsqrt %add3A_37 : vector<1x256xf32>
    %mul3A_38 = vector.broadcast %rsqrt3A : vector<1x256xf32> to vector<10000x256xf32>
    %mul3A_39 = arith.mulf %sub3A_34, %mul3A_38 : vector<10000x256xf32>
    %get3A_40 = arith.constant 0 : index
    %get3A_41 = vector.load %arg5[%get3A_40] : memref<256xf32, #tpu.memory_space<vmem>>, vector<256xf32>
    %broadcast_in_dim3A_42 = vector.shape_cast %get3A_41 : vector<256xf32> to vector<1x256xf32>
    %mul3A_43 = vector.broadcast %broadcast_in_dim3A_42 : vector<1x256xf32> to vector<10000x256xf32>
    %mul3A_44 = arith.mulf %mul3A_39, %mul3A_43 : vector<10000x256xf32>
    %get3A_45 = arith.constant 0 : index
    %get3A_46 = vector.load %arg6[%get3A_45] : memref<256xf32, #tpu.memory_space<vmem>>, vector<256xf32>
    %broadcast_in_dim3A_47 = vector.shape_cast %get3A_46 : vector<256xf32> to vector<1x256xf32>
    %add3A_48 = vector.broadcast %broadcast_in_dim3A_47 : vector<1x256xf32> to vector<10000x256xf32>
    %add3A_49 = arith.addf %mul3A_44, %add3A_48 : vector<10000x256xf32>
    %max3A = arith.constant 0.000000e+00 : f32
    %max3A_50 = vector.broadcast %max3A : f32 to vector<10000x256xf32>
    %max3A_51 = arith.maximumf %add3A_49, %max3A_50 : vector<10000x256xf32>
    %swap3A = arith.constant 0 : index
    %swap3A_52 = arith.constant 0 : index
    %swap3A_53 = vector.load %arg8[%swap3A, %swap3A_52] : memref<10000x256xf32, #tpu.memory_space<vmem>>, vector<10000x256xf32>
    tpu.vector_store %arg8[%swap3A, %swap3A_52], %max3A_51 {strides = array<i32>} : memref<10000x256xf32, #tpu.memory_space<vmem>>, vector<10000x256xf32>,
    %get3A_54 = arith.constant 0 : index
    %get3A_55 = arith.constant 0 : index
    %get3A_56 = vector.load %arg7[%get3A_54, %get3A_55] : memref<128x256xf32, #tpu.memory_space<vmem>>, vector<128x256xf32>
    %dot_general3A_57 = arith.constant dense<0.000000e+00> : vector<10000x128xf32>
    %dot_general3A_58 = tpu.matmul %max3A_51, %get3A_56, %dot_general3A_57 {dimension_numbers = #tpu.dot_dimension_numbers<[1], [1], [0], [0], [0, 0, 1, 0], [], []>, transpose_lhs_hint = false} : vector<10000x256xf32>, vector<128x256xf32>, vector<10000x128xf32> -> vector<10000x128xf32>
    %swap3A_59 = arith.constant 0 : index
    %swap3A_60 = arith.constant 0 : index
    %swap3A_61 = vector.load %arg9[%swap3A_59, %swap3A_60] : memref<10240x128xf32, #tpu.memory_space<vmem>>, vector<10000x128xf32>
    tpu.vector_store %arg9[%swap3A_59, %swap3A_60], %dot_general3A_58 {strides = array<i32>} : memref<10240x128xf32, #tpu.memory_space<vmem>>, vector<10000x128xf32>,
    %broadcast_in_dim3A_62 = arith.constant 0.000000e+00 : f32
    %broadcast_in_dim3A_63 = vector.broadcast %broadcast_in_dim3A_62 : f32 to vector<240x128xf32>
    %swap3A_64 = arith.constant 10000 : index
    %swap3A_65 = arith.constant 0 : index
    %swap3A_66 = vector.load %arg9[%swap3A_64, %swap3A_65] : memref<10240x128xf32, #tpu.memory_space<vmem>>, vector<240x128xf32>
    tpu.vector_store %arg9[%swap3A_64, %swap3A_65], %broadcast_in_dim3A_63 {strides = array<i32>} : memref<10240x128xf32, #tpu.memory_space<vmem>>, vector<240x128xf32>,
    return
  }
}

module attributes {stable_mosaic.version = 14 : i64} {
  func.func @body(%arg0: memref<10000x256xf32, #tpu.memory_space<vmem>>, %arg1: memref<128x256xf32, #tpu.memory_space<vmem>>, %arg2: memref<10000x128xf32, #tpu.memory_space<vmem>>) attributes {dimension_semantics = [], scalar_prefetch = 0 : i64, scratch_operands = 0 : i64, tpu.core_type = #tpu.core_type<tc>} {
    %get3A = arith.constant 0 : index
    %get3A_0 = arith.constant 0 : index
    %get3A_1 = vector.load %arg0[%get3A, %get3A_0] : memref<10000x256xf32, #tpu.memory_space<vmem>>, vector<10000x256xf32>
    %get3A_2 = arith.constant 0 : index
    %get3A_3 = arith.constant 0 : index
    %get3A_4 = vector.load %arg1[%get3A_2, %get3A_3] : memref<128x256xf32, #tpu.memory_space<vmem>>, vector<128x256xf32>
    %dot_general3A = arith.constant dense<0.000000e+00> : vector<10000x128xf32>
    %dot_general3A_5 = tpu.matmul %get3A_1, %get3A_4, %dot_general3A {dimension_numbers = #tpu.dot_dimension_numbers<[1], [1], [0], [0], [0, 0, 1, 0], [], []>, transpose_lhs_hint = false} : vector<10000x256xf32>, vector<128x256xf32>, vector<10000x128xf32> -> vector<10000x128xf32>
    %swap3A = arith.constant 0 : index
    %swap3A_6 = arith.constant 0 : index
    %swap3A_7 = vector.load %arg2[%swap3A, %swap3A_6] : memref<10000x128xf32, #tpu.memory_space<vmem>>, vector<10000x128xf32>
    tpu.vector_store %arg2[%swap3A, %swap3A_6], %dot_general3A_5 {strides = array<i32>} : memref<10000x128xf32, #tpu.memory_space<vmem>>, vector<10000x128xf32>,
    return
  }
}

module attributes {stable_mosaic.version = 14 : i64} {
  func.func @body(%arg0: memref<2x10240x128xf32, #tpu.memory_space<vmem>>, %arg1: memref<10240x1xf32, #tpu.memory_space<vmem>>, %arg2: memref<10000x128xf32, #tpu.memory_space<vmem>>, %arg3: memref<128xf32, #tpu.memory_space<vmem>>, %arg4: memref<128xf32, #tpu.memory_space<vmem>>, %arg5: memref<128xf32, #tpu.memory_space<vmem>>, %arg6: memref<10000x128xf32, #tpu.memory_space<vmem>>) attributes {dimension_semantics = [], scalar_prefetch = 0 : i64, scratch_operands = 0 : i64, tpu.core_type = #tpu.core_type<tc>} {
    %get3A = arith.constant 0 : index
    %get3A_0 = arith.constant 0 : index
    %get3A_1 = arith.constant 0 : index
    %get3A_2 = vector.load %arg0[%get3A, %get3A_0, %get3A_1] : memref<2x10240x128xf32, #tpu.memory_space<vmem>>, vector<2x10240x128xf32>
    %slice3A = vector.extract_strided_slice %get3A_2 {offsets = [0, 0, 0], sizes = [1, 10000, 128], strides = [1, 1, 1]} : vector<2x10240x128xf32> to vector<1x10000x128xf32>
    %squeeze3A = vector.shape_cast %slice3A : vector<1x10000x128xf32> to vector<10000x128xf32>
    %slice3A_3 = vector.extract_strided_slice %get3A_2 {offsets = [1, 0, 0], sizes = [1, 10000, 128], strides = [1, 1, 1]} : vector<2x10240x128xf32> to vector<1x10000x128xf32>
    %squeeze3A_4 = vector.shape_cast %slice3A_3 : vector<1x10000x128xf32> to vector<10000x128xf32>
    %add3A = arith.addf %squeeze3A, %squeeze3A_4 : vector<10000x128xf32>
    %get3A_5 = arith.constant 0 : index
    %get3A_6 = arith.constant 0 : index
    %get3A_7 = vector.load %arg1[%get3A_5, %get3A_6] : memref<10240x1xf32, #tpu.memory_space<vmem>>, vector<10000x1xf32>
    %mul3A = vector.broadcast %get3A_7 : vector<10000x1xf32> to vector<10000x128xf32>
    %mul3A_8 = arith.mulf %add3A, %mul3A : vector<10000x128xf32>
    %get3A_9 = arith.constant 0 : index
    %get3A_10 = vector.load %arg3[%get3A_9] : memref<128xf32, #tpu.memory_space<vmem>>, vector<128xf32>
    %broadcast_in_dim3A = vector.shape_cast %get3A_10 : vector<128xf32> to vector<1x128xf32>
    %add3A_11 = vector.broadcast %broadcast_in_dim3A : vector<1x128xf32> to vector<10000x128xf32>
    %add3A_12 = arith.addf %mul3A_8, %add3A_11 : vector<10000x128xf32>
    %get3A_13 = arith.constant 0 : index
    %get3A_14 = arith.constant 0 : index
    %get3A_15 = vector.load %arg2[%get3A_13, %get3A_14] : memref<10000x128xf32, #tpu.memory_space<vmem>>, vector<10000x128xf32>
    %add3A_16 = arith.addf %add3A_12, %get3A_15 : vector<10000x128xf32>
    %reduce_sum3A = arith.constant dense<0.000000e+00> : vector<128xf32>
    %reduce_sum3A_17 = vector.multi_reduction <add>, %add3A_16, %reduce_sum3A [0] : vector<10000x128xf32> to vector<128xf32>
    %broadcast_in_dim3A_18 = vector.shape_cast %reduce_sum3A_17 : vector<128xf32> to vector<1x128xf32>
    %div3A = arith.constant 1.000000e+04 : f32
    %div3A_19 = vector.broadcast %div3A : f32 to vector<1x128xf32>
    %div3A_20 = arith.divf %broadcast_in_dim3A_18, %div3A_19 : vector<1x128xf32>
    %mul3A_21 = arith.mulf %add3A_16, %add3A_16 : vector<10000x128xf32>
    %reduce_sum3A_22 = arith.constant dense<0.000000e+00> : vector<128xf32>
    %reduce_sum3A_23 = vector.multi_reduction <add>, %mul3A_21, %reduce_sum3A_22 [0] : vector<10000x128xf32> to vector<128xf32>
    %broadcast_in_dim3A_24 = vector.shape_cast %reduce_sum3A_23 : vector<128xf32> to vector<1x128xf32>
    %div3A_25 = arith.constant 1.000000e+04 : f32
    %div3A_26 = vector.broadcast %div3A_25 : f32 to vector<1x128xf32>
    %div3A_27 = arith.divf %broadcast_in_dim3A_24, %div3A_26 : vector<1x128xf32>
    %mul3A_28 = arith.mulf %div3A_20, %div3A_20 : vector<1x128xf32>
    %sub3A = arith.subf %div3A_27, %mul3A_28 : vector<1x128xf32>
    %sub3A_29 = vector.broadcast %div3A_20 : vector<1x128xf32> to vector<10000x128xf32>
    %sub3A_30 = arith.subf %add3A_16, %sub3A_29 : vector<10000x128xf32>
    %add3A_31 = arith.constant 9.99999974E-6 : f32
    %add3A_32 = vector.broadcast %add3A_31 : f32 to vector<1x128xf32>
    %add3A_33 = arith.addf %sub3A, %add3A_32 : vector<1x128xf32>
    %rsqrt3A = math.rsqrt %add3A_33 : vector<1x128xf32>
    %mul3A_34 = vector.broadcast %rsqrt3A : vector<1x128xf32> to vector<10000x128xf32>
    %mul3A_35 = arith.mulf %sub3A_30, %mul3A_34 : vector<10000x128xf32>
    %get3A_36 = arith.constant 0 : index
    %get3A_37 = vector.load %arg4[%get3A_36] : memref<128xf32, #tpu.memory_space<vmem>>, vector<128xf32>
    %broadcast_in_dim3A_38 = vector.shape_cast %get3A_37 : vector<128xf32> to vector<1x128xf32>
    %mul3A_39 = vector.broadcast %broadcast_in_dim3A_38 : vector<1x128xf32> to vector<10000x128xf32>
    %mul3A_40 = arith.mulf %mul3A_35, %mul3A_39 : vector<10000x128xf32>
    %get3A_41 = arith.constant 0 : index
    %get3A_42 = vector.load %arg5[%get3A_41] : memref<128xf32, #tpu.memory_space<vmem>>, vector<128xf32>
    %broadcast_in_dim3A_43 = vector.shape_cast %get3A_42 : vector<128xf32> to vector<1x128xf32>
    %add3A_44 = vector.broadcast %broadcast_in_dim3A_43 : vector<1x128xf32> to vector<10000x128xf32>
    %add3A_45 = arith.addf %mul3A_40, %add3A_44 : vector<10000x128xf32>
    %max3A = arith.constant 0.000000e+00 : f32
    %max3A_46 = vector.broadcast %max3A : f32 to vector<10000x128xf32>
    %max3A_47 = arith.maximumf %add3A_45, %max3A_46 : vector<10000x128xf32>
    %swap3A = arith.constant 0 : index
    %swap3A_48 = arith.constant 0 : index
    %swap3A_49 = vector.load %arg6[%swap3A, %swap3A_48] : memref<10000x128xf32, #tpu.memory_space<vmem>>, vector<10000x128xf32>
    tpu.vector_store %arg6[%swap3A, %swap3A_48], %max3A_47 {strides = array<i32>} : memref<10000x128xf32, #tpu.memory_space<vmem>>, vector<10000x128xf32>,
    return
  }
}

</mosaic_0001>

<sc_bundles>
// kernel: kernel.12.cloned.1.call-start
scs
__scs_entry_jumppad:
0x0: {  	(pc) =	sbr.rel $0x88, $3  }
0x1: {  	(tag) =	ssettag $0x0;
	lr =	simm.s32 $0x1  }
0x2: {  	[smem:$0x3F96] =	sst lr;
	_ =	strace $0xD0000000  }
0x3: {  	_ = 	snop  }
0x4: {  	_ = 	snop  }
0x5: {  	_ = 	snop  }
0x6: {  	_ = 	snop  }
0x7: {  	_ = 	snop  }
__scs_overlays_trampoline_lowered:
0x8: {  	[smem:$0x3FA5] =	sst s0  }
0x9: {  	[smem:$0x3FA6] =	sst s1  }
0xa: {  	[smem:$0x3FA7] =	sst s2  }
0xb: {  	[smem:$0x3FA8] =	sst s3  }
0xc: {  	[smem:$0x3FA9] =	sst s4  }
0xd: {  	[smem:$0x3FAA] =	sst s5  }
0xe: {  	[smem:$0x3FAB] =	sst s6  }
0xf: {  	[smem:$0x3FAC] =	sst s7  }
0x10: {  	[smem:$0x3FAD] =	sst s8  }
0x11: {  	[smem:$0x3FAE] =	sst s9;
	s0 =	simm.s32 @!p0 $0x0  }
0x12: {  	s1 =	sld [smem:$0x3F94];
	s0 =	simm.s32 @p0 $0x1  }
0x13: {  	[smem:$0x3FAF] =	sst s0;
	s0 =	simm.s32 @!p1 $0x0  }
0x14: {  	s2 =	sld [smem:$0x3F93];
	s0 =	simm.s32 @p1 $0x1  }
0x15: {  	[smem:$0x3FB0] =	sst s0;
	s0 =	simm.s32 @!p2 $0x0  }
0x16: {  	s3 =	sld [smem:$0x3FDB];
	s0 =	simm.s32 @p2 $0x1  }
0x17: {  	s4 =	simm.s32 $0x1BF5;
	[smem:$0x3FB2] =	sst s0  }
0x18: {  	s0 =	sld [smem:$0x3F95];
	_ =	swait.ge [sflag:s4], $0x0  }
0x19: {  	s7 =	sld [smem:$0x3F96]  }
0x1a: {  	s8 =	sadd.s32 $0xFFFFE003, lr  }
0x1b: {  	s9 =	sadd.s32 $0xFFFFFEF7, lr;
	s5 =	simm.s32 $0xFFFFFFFF;
	p2 =	slt.u32 s8, $0xFFFFF086  }
0x1c: {  	p1 =	slt.u32 s9, $0xF7A;
	s5 =	simm.s32 @!p2 $0x0  }
0x1d: {  	s5 =	simm.s32 @p1 $0x1;
	p0 =	seq.s32 s7, s2  }
0x1e: {  	s7 =	smul.u32 @!p0 $0xF7A, s2;
	p2 =	seq.s32 @!p0 s5, $0x0  }
0x1f: {  	s9 =	smul.u32 $0xF7A, s1;
	s8 =	simm.s32 @!p0 $0x1BF5;
	p2 =	por !p2, p0  }
0x20: {  	[sflag:s8] =	ssyncset.s32 @!p0 $0xFFFFF086;
	s6 =	sadd.s32 @!p0 s3, s7;
	s7 =	simm.s32 @!p0 $0x108  }
0x21: {  	s3 =	sadd.s32 s3, s9;
	s6 =	sadd.s32 @!p0 $0x88, s6;
	s7 =	simm.s32 @p2 $0x1082  }
0x22: {  	[simem:s7], [sflag:s8] =	dma.local @!p0 [hbm:s6], $0xF7A  }
0x23: {  	s9 =	sor.u32 $0xD0000000, s2;
	s6 =	simm.s32 $0x108;
	_ =	swait.ge @!p0 [sflag:s8], $0x0  }
0x24: {  	s3 =	sadd.s32 $0x88, s3;
	s6 =	simm.s32 @!p1 $0x1082;
	[sflag:s4] =	ssyncset.s32 $0xFFFFF086  }
0x25: {  	[simem:s6], [sflag:s4] =	dma.local [hbm:s3], $0xF7A  }
0x26: {  	[smem:$0x3F96] =	sst s1;
	(tag) =	ssettag s2;
	_ =	strace s9  }
0x27: {  	s1 =	sld [smem:$0x3FA6]  }
0x28: {  	s2 =	sld [smem:$0x3FA7]  }
0x29: {  	s4 =	sld [smem:$0x3FA9]  }
0x2a: {  	p0 =	seq.s32 s5, $0x0;
	s5 =	sld [smem:$0x3FAA]  }
0x2b: {  	s6 =	sld [smem:$0x3FAB]  }
0x2c: {  	s7 =	sld [smem:$0x3FAC]  }
0x2d: {  	s3 =	simm.s32 $0x108;
	s8 =	sld [smem:$0x3FAD]  }
0x2e: {  	s3 =	simm.s32 @!p0 $0x1082;
	s9 =	sld [smem:$0x3FAE]  }
0x2f: {  	lr =	sadd.s32 s0, s3;
	s0 =	sld [smem:$0x3FA5]  }
0x30: {  	s3 =	sld [smem:$0x3FA8]  }
0x31: {  	[smem:$0x3FB1] =	sst s10  }
0x32: {  	s10 =	sld [smem:$0x3FAF];
	_ =	sdelay $0x3  }
0x33: {  	p0 =	seq.s32 s10, $0x1;
	s10 =	sld [smem:$0x3FB1];
	_ =	sdelay $0x3  }
0x34: {  	[smem:$0x3FB1] =	sst s10  }
0x35: {  	s10 =	sld [smem:$0x3FB0];
	_ =	sdelay $0x3  }
0x36: {  	p1 =	seq.s32 s10, $0x1;
	s10 =	sld [smem:$0x3FB1];
	_ =	sdelay $0x3  }
0x37: {  	[smem:$0x3FB1] =	sst s10  }
0x38: {  	s10 =	sld [smem:$0x3FB2]  }
0x39: {  	_ = 	snop;
	(pc) =	sbr.ind lr, $3  }
0x3a: {  	_ = 	snop  }
0x3b: {  	_ = 	snop  }
0x3c: {  	p2 =	seq.s32 s10, $0x1;
	s10 =	sld [smem:$0x3FB1]  }
0x3d: {  	_ =	shalt  }
0x3e: {  	_ =	shalt  }
0x3f: {  	_ =	shalt  }
0x40: {  	_ =	shalt  }
0x41: {  	_ =	shalt  }
0x42: {  	_ =	shalt  }
0x43: {  	_ =	shalt  }
0x44: {  	_ =	shalt  }
0x45: {  	_ =	shalt  }
0x46: {  	_ =	shalt  }
0x47: {  	_ =	shalt  }
0x48: {  	_ =	shalt  }
0x49: {  	_ =	shalt  }
0x4a: {  	_ =	shalt  }
0x4b: {  	_ =	shalt  }
0x4c: {  	_ =	shalt  }
0x4d: {  	_ =	shalt  }
0x4e: {  	_ =	shalt  }
0x4f: {  	_ =	shalt  }
0x50: {  	_ =	shalt  }
0x51: {  	_ =	shalt  }
0x52: {  	_ =	shalt  }
0x53: {  	_ =	shalt  }
0x54: {  	_ =	shalt  }
0x55: {  	_ =	shalt  }
0x56: {  	_ =	shalt  }
0x57: {  	_ =	shalt  }
0x58: {  	_ =	shalt  }
0x59: {  	_ =	shalt  }
0x5a: {  	_ =	shalt  }
0x5b: {  	_ =	shalt  }
0x5c: {  	_ =	shalt  }
0x5d: {  	_ =	shalt  }
0x5e: {  	_ =	shalt  }
0x5f: {  	_ =	shalt  }
0x60: {  	_ =	shalt  }
0x61: {  	_ =	shalt  }
0x62: {  	_ =	shalt  }
0x63: {  	_ =	shalt  }
0x64: {  	_ =	shalt  }
0x65: {  	_ =	shalt  }
0x66: {  	_ =	shalt  }
0x67: {  	_ =	shalt  }
0x68: {  	_ =	shalt  }
0x69: {  	_ =	shalt  }
0x6a: {  	_ =	shalt  }
0x6b: {  	_ =	shalt  }
0x6c: {  	_ =	shalt  }
0x6d: {  	_ =	shalt  }
0x6e: {  	_ =	shalt  }
0x6f: {  	_ =	shalt  }
0x70: {  	_ =	shalt  }
0x71: {  	_ =	shalt  }
0x72: {  	_ =	shalt  }
0x73: {  	_ =	shalt  }
0x74: {  	_ =	shalt  }
0x75: {  	_ =	shalt  }
0x76: {  	_ =	shalt  }
0x77: {  	_ =	shalt  }
0x78: {  	_ =	shalt  }
0x79: {  	_ =	shalt  }
0x7a: {  	_ =	shalt  }
0x7b: {  	_ =	shalt  }
0x7c: {  	_ =	shalt  }
0x7d: {  	_ =	shalt  }
0x7e: {  	_ =	shalt  }
0x7f: {  	_ =	shalt  }
0x80: {  	_ =	shalt  }
0x81: {  	_ =	shalt  }
0x82: {  	_ =	shalt  }
0x83: {  	_ =	shalt  }
0x84: {  	_ =	shalt  }
0x85: {  	_ =	shalt  }
0x86: {  	_ =	shalt  }
0x87: {  	_ =	shalt  }
.Lfunc_end0:
.L_simem_size_0:
called_computation.1_lowered:
.L_overlay_start_0:
0x88: {  	s2 =	sld [smem:$0x3FD9]  }
0x89: {  	s3 =	sld [smem:$0x3FFE];
	_ =	sdelay $0x1  }
0x8a: {  	s1 =	srdreg.scid  }
0x8b: {  	s0 =	sand.u32 $0x1, s1  }
0x8c: {  	s17 =	sshll.u32 s0, $0xA;
	s2 =	sadd.s32 s3, s2  }
0x8d: {  	s2 =	sadd.s32 s2, s17  }
0x8e: {  	[smem:$0x3FBD] =	sst s2  }
0x8f: {  	_ = 	snop  }
0x90: {  	s2 =	sld [smem:$0x3FD0];
	(tm) =	ssettm $0x1  }
0x91: {  	s18 =	sld [smem:$0x3FFB];
	_ =	sdelay $0x3  }
0x92: {  	_ =	strace s18  }
0x93: {  	s3 =	sld [smem:$0x3FFC];
	_ =	sdelay $0x3  }
0x94: {  	_ =	strace s3  }
0x95: {  	s3 =	sld [smem:$0x3FFD];
	_ =	sdelay $0x3  }
0x96: {  	_ =	strace s3  }
0x97: {  	_ =	strace $0x8FFFFFFF  }
0x98: {  	s19 =	sld [smem:$0x3FDB];
	_ =	sdelay $0x1  }
0x99: {  	s4 =	simm.s32 $_scs_section_size  }
0x9a: {  	s5 =	simm.s32 $_size__tile_overlayer_lowered;
	s6 =	simm.s32 $_tile_overlayer_lowered  }
0x9b: {  	s22 =	simm.s32 $0x1BFF;
	s21 =	sshll.u32 s6, $0x1;
	s3 =	sadd.s32 s4, s19  }
0x9c: {  	s7 =	simm.s32 $0x0;
	s20 =	sshll.u32 s5, $0x1;
	s5 =	sadd.s32 s21, s3  }
0x9d: {  	[timem:s7], [sflag:s22] =	dma.local [hbm:s5], s20  }
0x9e: {  	_ =	swait.ge [sflag:s22], s20  }
0x9f: {  	s4 =	ssub.s32 $0x0, s20;
	[sflag:s22] =	ssyncset.done $0x0  }
0xa0: {  	[sflag:s22] =	ssyncadd.s32 s4;
	_ =	sdelay $0x1  }
0xa1: {  	s23 =	simm.s32 $0x1B8B  }
0xa2: {  	_ =	swait.ge [sflag:s23], $0x1  }
0xa3: {  	[sflag:s23] =	ssyncset.done $0x0  }
0xa4: {  	s25 =	simm.s32 $0x1B8E;
	s24 =	sld [smem:$0x3FFE];
	[sflag:s23] =	ssyncadd.s32 $0xFFFFFFFF  }
0xa5: {  	s26 =	simm.s32 $execute0_lowered;
	[smem:$0x3FD2] =	sst s25  }
0xa6: {  	s5 =	sshll.u32 s26, $0x1;
	_ =	strace $0x80000049;
	[dreg:$0x1] =	wrdreg $0xFFFFFFFF  }
0xa7: {  	s28 =	simm.s32 $_size_execute0_lowered;
	s3 =	sadd.s32 s3, s5;
	[dreg:$0x0] =	wrdreg $0x0  }
0xa8: {  	s5 =	sshll.u32 s28, $0x1;
	[dreg:$0x2] =	wrdreg s3  }
0xa9: {  	[dreg:$0x3] =	wrdreg s5  }
0xaa: {  	[dreg:$0x4] =	wrdreg $0xC0  }
0xab: {  	_ =	task [dreg:s7], $0x5FFFF  }
0xac: {  	[dreg:$0x1] =	wrdreg $0xFFFFFFFF  }
0xad: {  	[dreg:$0x0] =	wrdreg $0x60  }
0xae: {  	[dreg:$0x2] =	wrdreg s24  }
0xaf: {  	[dreg:$0x3] =	wrdreg s2  }
0xb0: {  	[dreg:$0x4] =	wrdreg $0xBC000  }
0xb1: {  	[dreg:$0x5] =	wrdreg $0x9  }
0xb2: {  	_ =	task.clear_ibuf [dreg:s7], $0x6FFFF;
	_ =	strace $0x90000049  }
0xb3: {  	s29 =	simm.s32 $0x9;
	_ =	strace $0x8000004B  }
0xb4: {  	_ =	swait.ge [sflag:s29], $0x1  }
0xb5: {  	[sflag:s29] =	ssyncadd.s32 $0xFFFFFFFF  }
0xb6: {  	_ =	strace $0x9000004B  }
0xb7: {  	_ =	sfence  }
0xb8: {  	s30 =	sld [smem:$0x0];
	_ =	sdelay $0x2  }
0xb9: {  	s31 =	sshll.u32 s1, $0xD;
	s1 =	sshrl.u32 s1, $0x2  }
0xba: {  	s3 =	sand.u32 $0x4000, s31;
	s1 =	sadd.s32 s1, s30  }
0xbb: {  	s0 =	sor.u32 s3, s0;
	s1 =	sshll.u32 s1, $0x11  }
0xbc: {  	s0 =	sor.u32 s1, s0  }
0xbd: {  	s0 =	sadd.s32 $0x8F2B, s0  }
0xbe: {  	[sflag:s0] =	ssyncadd.remote.s32 $0x1  }
0xbf: {  	_ =	sfence.sel $0xFFFF  }
0xc0: {  	[dreg:$0x0] =	wrdreg $0xFFFFFFFF;
	(pc) =	sbr.abs _section_cstart, $3  }
0xc1: {  	[dreg:$0x1] =	wrdreg $0xFFFFFFFF  }
0xc2: {  	_ =	task.clear_ibuf [dreg:s7], $0x2FFFF;
	_ =	strace $0x9FFFFFFF  }
0xc3: {  	(tm) =	ssettm $0x7FFFFFFF  }
tec
execute0_lowered:
.L_overlay_start_1:
0x0: {  	(tag) =	ssettag $0x1  }
0x1: {  	s5 =	rddreg [dreg:$0x0]  }
0x2: {  	s7 =	rddreg [dreg:$0x1];
	s1 =	srdreg.scid  }
0x3: {  	s0 =	stileid.u32;
	s2 =	rddreg [dreg:$0x2]  }
0x4: {  	s3 =	simm.s32 $0x0;
	s14 =	simm.s32 $0x3C00;
	s15 =	simm.s32 $0x80  }
0x5: {  	s16 =	simm.s32 $0x5C00;
	s17 =	simm.s32 $0x100;
	s18 =	simm.s32 $0x7C00  }
0x6: {  	s19 =	simm.s32 $0x180;
	s20 =	simm.s32 $0x9C00;
	s21 =	simm.s32 $0x1  }
0x7: {  	s22 =	simm.s32 $0x2;
	s23 =	simm.s32 $0x3B00;
	s26 =	simm.s32 $0x0  }
0x8: {  	s6 =	sand.u32 $0x1, s1;
	s1 =	rddreg [dreg:$0x3];
	s24 =	smul.u32 $0x2800, s0  }
0x9: {  	s4 =	sshll.u32 s0, $0x1;
	[smem:$0x7FF] =	sst s3;
	s12 =	smul.u32 $0x50000, s0  }
0xa: {  	s31 =	sshll.u32 s0, $0x6;
	s8 =	sor.u32 s6, s4;
	_ =	strace $0x8000004A  }
0xb: {  	s4 =	sadd.s32 $0x21200, s5;
	s10 =	smul.u32 $0x28000, s6;
	s6 =	ssub.s32 $0x2, s6  }
0xc: {  	s9 =	smul.u32 $0x500, s8;
	s11 =	sshrl.u32 s6, $0x1;
	s13 =	sadd.s32 s24, s5  }
0xd: {  	s30 =	sshrl.u32 s12, $0x2;
	s8 =	smul.u32 $0xA00, s8;
	s10 =	sadd.s32 s10, s5  }
0xe: {  	s11 =	ssub.s32 s6, s11;
	s12 =	sadd.s32 s30, s2;
	s6 =	sor.u32 $0x1C03, s31  }
0xf: {  	s9 =	sadd.s32 s9, s5;
	s5 =	sadd.s32 $0x49200, s13;
	s7 =	sadd.s32 s7, s8  }
0x10: {  	s25 =	sadd.s32 $0x71200, s10;
	s10 =	sshrl.u32 s12, $0x3;
	s12 =	simm.s32 $0x2800  }
0x11: {  	s13 =	simm.s32 $0x40;
	s8 =	sadd.s32 $0x17200, s9;
	s9 =	smax.u32 s11, $0x1  }
0x12: {  	s11 =	simm.s32 $0x3;
	s24 =	sadd.s32 s24, s25;
	s25 =	simm.s32 $0x3B80  }
.LBB2_1:
0x13: {  	[spmem:s10], [sflag:s6] =	dma.local [hbm:s5], $0x2800  }
0x14: {  	_ =	swait.ge [sflag:s11], $0x2800  }
0x15: {  	[sflag:s11] =	ssyncset.done $0x0  }
0x16: {  	[sflag:s11] =	ssyncadd.s32 $0xFFFFD800  }
0x17: {  	[bflag:$0x0] =	sbarrier.arrive $0xFFFF  }
0x18: {  	[tilespmem:s3], [sflag:$0x3] =	stream.linear.gather [hbm4b:s7+s3], $0x2800, $0x38;
	[tilespmem:$0x1FC00] =	vst v63  }
0x19: {  	_ =	swait.ge [sflag:s11], $0x2800  }
0x1a: {  	[sflag:s11] =	ssyncset.done $0x0  }
0x1b: {  	[sflag:s11] =	ssyncadd.s32 $0xFFFFD800  }
0x1c: {  	[tilespmem:s12], [sflag:$0x3] =	stream.linear.gather [hbm4b:s8+s3], $0x1400, $0x38;
	[tilespmem:$0x1FC00] =	vst v63  }
0x1d: {  	_ =	swait.ge [sflag:s11], $0x1400  }
0x1e: {  	[sflag:s11] =	ssyncset.done $0x0  }
0x1f: {  	[sflag:s11] =	ssyncadd.s32 $0xFFFFEC00  }
0x20: {  	[tilespmem:s14], [sflag:$0x1] =	stream.indirect.gather [hbm4b:s4+s13], $0x80, s3, s13, $0xb8;
	[tilespmem:$0x1FC00] =	vst v63  }
0x21: {  	_ = 	snop  }
0x22: {  	[tilespmem:s16], [sflag:$0x1] =	stream.indirect.gather [hbm4b:s4+s13], $0x80, s15, s13, $0xb8;
	[tilespmem:$0x1FC00] =	vst v63  }
0x23: {  	_ = 	snop  }
0x24: {  	[tilespmem:s18], [sflag:$0x2] =	stream.indirect.gather [hbm4b:s4+s13], $0x80, s17, s13, $0xb8;
	[tilespmem:$0x1FC00] =	vst v63  }
0x25: {  	_ = 	snop  }
0x26: {  	[tilespmem:s20], [sflag:$0x2] =	stream.indirect.gather [hbm4b:s4+s13], $0x80, s19, s13, $0xb8;
	[tilespmem:$0x1FC00] =	vst v63  }
0x27: {  	_ =	swait.ge [sflag:s21], $0x2000  }
0x28: {  	[sflag:s21] =	ssyncset.done $0x0  }
0x29: {  	[sflag:s21] =	ssyncadd.s32 $0xFFFFE000  }
0x2a: {  	_ =	swait.ge [sflag:s21], $0x2000  }
0x2b: {  	[sflag:s21] =	ssyncset.done $0x0  }
0x2c: {  	s28 =	simm.s32 $0x2800;
	[sflag:s21] =	ssyncadd.s32 $0xFFFFE000  }
0x2d: {  	[spmem:s2] =	stream.indirect.scatter.add.f32 [tilespmem:s14], [sflag:$0x3], $0x80, s28, s15, $0xb8;
	[tilespmem:$0x1FC00] =	vst v63  }
0x2e: {  	_ =	swait.ge [sflag:s11], $0x4000  }
0x2f: {  	[sflag:s11] =	ssyncset.done $0x0  }
0x30: {  	s28 =	simm.s32 $0x200;
	[sflag:s11] =	ssyncadd.s32 $0xFFFFC000  }
0x31: {  	[tilespmem:s14], [sflag:$0x1] =	stream.indirect.gather [hbm4b:s4+s13], $0x80, s28, s13, $0xb8;
	[tilespmem:$0x1FC00] =	vst v63  }
0x32: {  	s28 =	simm.s32 $0x280  }
0x33: {  	[tilespmem:s16], [sflag:$0x1] =	stream.indirect.gather [hbm4b:s4+s13], $0x80, s28, s13, $0xb8;
	[tilespmem:$0x1FC00] =	vst v63  }
0x34: {  	_ =	swait.ge [sflag:s22], $0x2000  }
0x35: {  	[sflag:s22] =	ssyncset.done $0x0  }
0x36: {  	[sflag:s22] =	ssyncadd.s32 $0xFFFFE000  }
0x37: {  	_ =	swait.ge [sflag:s22], $0x2000  }
0x38: {  	[sflag:s22] =	ssyncset.done $0x0  }
0x39: {  	s28 =	simm.s32 $0x2880;
	[sflag:s22] =	ssyncadd.s32 $0xFFFFE000  }
0x3a: {  	[spmem:s2] =	stream.indirect.scatter.add.f32 [tilespmem:s18], [sflag:$0x3], $0x80, s28, s15, $0xb8;
	[tilespmem:$0x1FC00] =	vst v63  }
0x3b: {  	_ =	swait.ge [sflag:s11], $0x4000  }
0x3c: {  	[sflag:s11] =	ssyncset.done $0x0  }
0x3d: {  	s28 =	simm.s32 $0x300;
	[sflag:s11] =	ssyncadd.s32 $0xFFFFC000  }
0x3e: {  	[tilespmem:s18], [sflag:$0x2] =	stream.indirect.gather [hbm4b:s4+s13], $0x80, s28, s13, $0xb8;
	[tilespmem:$0x1FC00] =	vst v63  }
0x3f: {  	s30 =	simm.s32 $0x380;
	s29 =	simm.s32 $0x2980;
	s28 =	simm.s32 $0x800  }
.LBB2_2:
0x40: {  	[tilespmem:s20], [sflag:$0x2] =	stream.indirect.gather [hbm4b:s4+s13], $0x80, s30, s13, $0xb8;
	[tilespmem:$0x1FC00] =	vst v63  }
0x41: {  	s30 =	smov.u32 s28  }
0x42: {  	p0 =	sne.s32 s28, $0x9000;
	s28 =	sadd.s32 $0x800, s28;
	_ =	swait.ge [sflag:s21], $0x2000  }
0x43: {  	[sflag:s21] =	ssyncset.done $0x0  }
0x44: {  	[sflag:s21] =	ssyncadd.s32 $0xFFFFE000  }
0x45: {  	_ =	swait.ge [sflag:s21], $0x2000  }
0x46: {  	[sflag:s21] =	ssyncset.done $0x0  }
0x47: {  	s31 =	sadd.s32 $0xFFFFFF80, s29;
	[sflag:s21] =	ssyncadd.s32 $0xFFFFE000  }
0x48: {  	[spmem:s2] =	stream.indirect.scatter.add.f32 [tilespmem:s14], [sflag:$0x3], $0x80, s31, s15, $0xb8;
	[tilespmem:$0x1FC00] =	vst v63  }
0x49: {  	_ =	swait.ge [sflag:s11], $0x4000  }
0x4a: {  	s30 =	sshra.s32 s30, $0x2;
	[sflag:s11] =	ssyncset.done $0x0  }
0x4b: {  	s31 =	sadd.s32 $0x200, s30;
	[sflag:s11] =	ssyncadd.s32 $0xFFFFC000  }
0x4c: {  	[tilespmem:s14], [sflag:$0x1] =	stream.indirect.gather [hbm4b:s4+s13], $0x80, s31, s13, $0xb8;
	[tilespmem:$0x1FC00] =	vst v63  }
0x4d: {  	s31 =	sadd.s32 $0x280, s30  }
0x4e: {  	[tilespmem:s16], [sflag:$0x1] =	stream.indirect.gather [hbm4b:s4+s13], $0x80, s31, s13, $0xb8;
	[tilespmem:$0x1FC00] =	vst v63  }
0x4f: {  	_ =	swait.ge [sflag:s22], $0x2000  }
0x50: {  	[sflag:s22] =	ssyncset.done $0x0  }
0x51: {  	[sflag:s22] =	ssyncadd.s32 $0xFFFFE000  }
0x52: {  	_ =	swait.ge [sflag:s22], $0x2000  }
0x53: {  	[sflag:s22] =	ssyncset.done $0x0  }
0x54: {  	[sflag:s22] =	ssyncadd.s32 $0xFFFFE000  }
0x55: {  	[spmem:s2] =	stream.indirect.scatter.add.f32 [tilespmem:s18], [sflag:$0x3], $0x80, s29, s15, $0xb8;
	[tilespmem:$0x1FC00] =	vst v63  }
.Ltmp0:
0x56: {  	_ =	swait.ge [sflag:s11], $0x4000;
	(pc) =	sbr.rel @p0 .LBB2_2-.Ltmp0, $4  }
0x57: {  	[sflag:s11] =	ssyncset.done $0x0  }
0x58: {  	s31 =	sadd.s32 $0x300, s30;
	[sflag:s11] =	ssyncadd.s32 $0xFFFFC000  }
0x59: {  	[tilespmem:s18], [sflag:$0x2] =	stream.indirect.gather [hbm4b:s4+s13], $0x80, s31, s13, $0xb8;
	[tilespmem:$0x1FC00] =	vst v63  }
0x5a: {  	s30 =	sadd.s32 $0x380, s30;
	s29 =	sadd.s32 $0x100, s29  }
0x5b: {  	[tilespmem:s20], [sflag:$0x2] =	stream.indirect.gather [hbm4b:s4+s13], $0x80, s30, s13, $0xb8;
	[tilespmem:$0x1FC00] =	vst v63  }
0x5c: {  	_ =	swait.ge [sflag:s21], $0x2000  }
0x5d: {  	[sflag:s21] =	ssyncset.done $0x0  }
0x5e: {  	[sflag:s21] =	ssyncadd.s32 $0xFFFFE000  }
0x5f: {  	_ =	swait.ge [sflag:s21], $0x2000  }
0x60: {  	[sflag:s21] =	ssyncset.done $0x0  }
0x61: {  	[sflag:s21] =	ssyncadd.s32 $0xFFFFE000  }
0x62: {  	[spmem:s2] =	stream.indirect.scatter.add.f32 [tilespmem:s14], [sflag:$0x3], $0x80, s23, s15, $0xb8;
	[tilespmem:$0x1FC00] =	vst v63  }
0x63: {  	_ =	swait.ge [sflag:s11], $0x4000  }
0x64: {  	[sflag:s11] =	ssyncset.done $0x0  }
0x65: {  	[sflag:s11] =	ssyncadd.s32 $0xFFFFC000  }
0x66: {  	_ =	swait.ge [sflag:s22], $0x2000  }
0x67: {  	[sflag:s22] =	ssyncset.done $0x0  }
0x68: {  	[sflag:s22] =	ssyncadd.s32 $0xFFFFE000  }
0x69: {  	_ =	swait.ge [sflag:s22], $0x2000  }
0x6a: {  	[sflag:s22] =	ssyncset.done $0x0  }
0x6b: {  	[sflag:s22] =	ssyncadd.s32 $0xFFFFE000  }
0x6c: {  	[spmem:s2] =	stream.indirect.scatter.add.f32 [tilespmem:s18], [sflag:$0x3], $0x80, s25, s15, $0xb8;
	[tilespmem:$0x1FC00] =	vst v63  }
0x6d: {  	_ =	swait.ge [sflag:s11], $0x4000  }
0x6e: {  	[sflag:s11] =	ssyncset.done $0x0  }
0x6f: {  	s28 =	sadd.s32 $0x500, s7;
	s29 =	simm.s32 $0x0;
	[sflag:s11] =	ssyncadd.s32 $0xFFFFC000  }
0x70: {  	[tilespmem:s29], [sflag:$0x3] =	stream.linear.gather [hbm4b:s28+s29], $0x2800, $0x38;
	[tilespmem:$0x1FC00] =	vst v63  }
0x71: {  	_ =	swait.ge [sflag:s11], $0x2800  }
0x72: {  	[sflag:s11] =	ssyncset.done $0x0  }
0x73: {  	s28 =	sadd.s32 $0x280, s8;
	[sflag:s11] =	ssyncadd.s32 $0xFFFFD800  }
0x74: {  	[tilespmem:s12], [sflag:$0x3] =	stream.linear.gather [hbm4b:s28+s29], $0x1400, $0x38;
	[tilespmem:$0x1FC00] =	vst v63  }
0x75: {  	_ =	swait.ge [sflag:s11], $0x1400  }
0x76: {  	[sflag:s11] =	ssyncset.done $0x0  }
0x77: {  	[sflag:s11] =	ssyncadd.s32 $0xFFFFEC00  }
0x78: {  	[tilespmem:s14], [sflag:$0x1] =	stream.indirect.gather [hbm4b:s4+s13], $0x80, s29, s13, $0xb8;
	[tilespmem:$0x1FC00] =	vst v63  }
0x79: {  	_ = 	snop  }
0x7a: {  	[tilespmem:s16], [sflag:$0x1] =	stream.indirect.gather [hbm4b:s4+s13], $0x80, s15, s13, $0xb8;
	[tilespmem:$0x1FC00] =	vst v63  }
0x7b: {  	_ = 	snop  }
0x7c: {  	[tilespmem:s18], [sflag:$0x2] =	stream.indirect.gather [hbm4b:s4+s13], $0x80, s17, s13, $0xb8;
	[tilespmem:$0x1FC00] =	vst v63  }
0x7d: {  	_ = 	snop  }
0x7e: {  	[tilespmem:s20], [sflag:$0x2] =	stream.indirect.gather [hbm4b:s4+s13], $0x80, s19, s13, $0xb8;
	[tilespmem:$0x1FC00] =	vst v63  }
0x7f: {  	_ =	swait.ge [sflag:s21], $0x2000  }
0x80: {  	[sflag:s21] =	ssyncset.done $0x0  }
0x81: {  	[sflag:s21] =	ssyncadd.s32 $0xFFFFE000  }
0x82: {  	_ =	swait.ge [sflag:s21], $0x2000  }
0x83: {  	[sflag:s21] =	ssyncset.done $0x0  }
0x84: {  	s28 =	simm.s32 $0x2800;
	[sflag:s21] =	ssyncadd.s32 $0xFFFFE000  }
0x85: {  	[spmem:s2] =	stream.indirect.scatter.add.f32 [tilespmem:s14], [sflag:$0x3], $0x80, s28, s15, $0xb8;
	[tilespmem:$0x1FC00] =	vst v63  }
0x86: {  	_ =	swait.ge [sflag:s11], $0x4000  }
0x87: {  	[sflag:s11] =	ssyncset.done $0x0  }
0x88: {  	s28 =	simm.s32 $0x200;
	[sflag:s11] =	ssyncadd.s32 $0xFFFFC000  }
0x89: {  	[tilespmem:s14], [sflag:$0x1] =	stream.indirect.gather [hbm4b:s4+s13], $0x80, s28, s13, $0xb8;
	[tilespmem:$0x1FC00] =	vst v63  }
0x8a: {  	s28 =	simm.s32 $0x280  }
0x8b: {  	[tilespmem:s16], [sflag:$0x1] =	stream.indirect.gather [hbm4b:s4+s13], $0x80, s28, s13, $0xb8;
	[tilespmem:$0x1FC00] =	vst v63  }
0x8c: {  	_ =	swait.ge [sflag:s22], $0x2000  }
0x8d: {  	[sflag:s22] =	ssyncset.done $0x0  }
0x8e: {  	[sflag:s22] =	ssyncadd.s32 $0xFFFFE000  }
0x8f: {  	_ =	swait.ge [sflag:s22], $0x2000  }
0x90: {  	[sflag:s22] =	ssyncset.done $0x0  }
0x91: {  	s28 =	simm.s32 $0x2880;
	[sflag:s22] =	ssyncadd.s32 $0xFFFFE000  }
0x92: {  	[spmem:s2] =	stream.indirect.scatter.add.f32 [tilespmem:s18], [sflag:$0x3], $0x80, s28, s15, $0xb8;
	[tilespmem:$0x1FC00] =	vst v63  }
0x93: {  	_ =	swait.ge [sflag:s11], $0x4000  }
0x94: {  	[sflag:s11] =	ssyncset.done $0x0  }
0x95: {  	s28 =	simm.s32 $0x300;
	[sflag:s11] =	ssyncadd.s32 $0xFFFFC000  }
0x96: {  	[tilespmem:s18], [sflag:$0x2] =	stream.indirect.gather [hbm4b:s4+s13], $0x80, s28, s13, $0xb8;
	[tilespmem:$0x1FC00] =	vst v63  }
0x97: {  	s30 =	simm.s32 $0x380;
	s29 =	simm.s32 $0x2980;
	s28 =	simm.s32 $0x800  }
.LBB2_4:
0x98: {  	[tilespmem:s20], [sflag:$0x2] =	stream.indirect.gather [hbm4b:s4+s13], $0x80, s30, s13, $0xb8;
	[tilespmem:$0x1FC00] =	vst v63  }
0x99: {  	s30 =	smov.u32 s28  }
0x9a: {  	p0 =	sne.s32 s28, $0x9000;
	s28 =	sadd.s32 $0x800, s28;
	_ =	swait.ge [sflag:s21], $0x2000  }
0x9b: {  	[sflag:s21] =	ssyncset.done $0x0  }
0x9c: {  	[sflag:s21] =	ssyncadd.s32 $0xFFFFE000  }
0x9d: {  	_ =	swait.ge [sflag:s21], $0x2000  }
0x9e: {  	[sflag:s21] =	ssyncset.done $0x0  }
0x9f: {  	s31 =	sadd.s32 $0xFFFFFF80, s29;
	[sflag:s21] =	ssyncadd.s32 $0xFFFFE000  }
0xa0: {  	[spmem:s2] =	stream.indirect.scatter.add.f32 [tilespmem:s14], [sflag:$0x3], $0x80, s31, s15, $0xb8;
	[tilespmem:$0x1FC00] =	vst v63  }
0xa1: {  	_ =	swait.ge [sflag:s11], $0x4000  }
0xa2: {  	s30 =	sshra.s32 s30, $0x2;
	[sflag:s11] =	ssyncset.done $0x0  }
0xa3: {  	s31 =	sadd.s32 $0x200, s30;
	[sflag:s11] =	ssyncadd.s32 $0xFFFFC000  }
0xa4: {  	[tilespmem:s14], [sflag:$0x1] =	stream.indirect.gather [hbm4b:s4+s13], $0x80, s31, s13, $0xb8;
	[tilespmem:$0x1FC00] =	vst v63  }
0xa5: {  	s31 =	sadd.s32 $0x280, s30  }
0xa6: {  	[tilespmem:s16], [sflag:$0x1] =	stream.indirect.gather [hbm4b:s4+s13], $0x80, s31, s13, $0xb8;
	[tilespmem:$0x1FC00] =	vst v63  }
0xa7: {  	_ =	swait.ge [sflag:s22], $0x2000  }
0xa8: {  	[sflag:s22] =	ssyncset.done $0x0  }
0xa9: {  	[sflag:s22] =	ssyncadd.s32 $0xFFFFE000  }
0xaa: {  	_ =	swait.ge [sflag:s22], $0x2000  }
0xab: {  	[sflag:s22] =	ssyncset.done $0x0  }
0xac: {  	[sflag:s22] =	ssyncadd.s32 $0xFFFFE000  }
0xad: {  	[spmem:s2] =	stream.indirect.scatter.add.f32 [tilespmem:s18], [sflag:$0x3], $0x80, s29, s15, $0xb8;
	[tilespmem:$0x1FC00] =	vst v63  }
.Ltmp1:
0xae: {  	_ =	swait.ge [sflag:s11], $0x4000;
	(pc) =	sbr.rel @p0 .LBB2_4-.Ltmp1, $4  }
0xaf: {  	[sflag:s11] =	ssyncset.done $0x0  }
0xb0: {  	s31 =	sadd.s32 $0x300, s30;
	[sflag:s11] =	ssyncadd.s32 $0xFFFFC000  }
0xb1: {  	[tilespmem:s18], [sflag:$0x2] =	stream.indirect.gather [hbm4b:s4+s13], $0x80, s31, s13, $0xb8;
	[tilespmem:$0x1FC00] =	vst v63  }
0xb2: {  	s30 =	sadd.s32 $0x380, s30;
	s29 =	sadd.s32 $0x100, s29  }
0xb3: {  	[tilespmem:s20], [sflag:$0x2] =	stream.indirect.gather [hbm4b:s4+s13], $0x80, s30, s13, $0xb8;
	[tilespmem:$0x1FC00] =	vst v63  }
0xb4: {  	_ =	swait.ge [sflag:s21], $0x2000  }
0xb5: {  	[sflag:s21] =	ssyncset.done $0x0  }
0xb6: {  	[sflag:s21] =	ssyncadd.s32 $0xFFFFE000  }
0xb7: {  	_ =	swait.ge [sflag:s21], $0x2000  }
0xb8: {  	[sflag:s21] =	ssyncset.done $0x0  }
0xb9: {  	[sflag:s21] =	ssyncadd.s32 $0xFFFFE000  }
0xba: {  	[spmem:s2] =	stream.indirect.scatter.add.f32 [tilespmem:s14], [sflag:$0x3], $0x80, s23, s15, $0xb8;
	[tilespmem:$0x1FC00] =	vst v63  }
0xbb: {  	_ =	swait.ge [sflag:s11], $0x4000  }
0xbc: {  	[sflag:s11] =	ssyncset.done $0x0  }
0xbd: {  	[sflag:s11] =	ssyncadd.s32 $0xFFFFC000  }
0xbe: {  	_ =	swait.ge [sflag:s22], $0x2000  }
0xbf: {  	[sflag:s22] =	ssyncset.done $0x0  }
0xc0: {  	[sflag:s22] =	ssyncadd.s32 $0xFFFFE000  }
0xc1: {  	_ =	swait.ge [sflag:s22], $0x2000  }
0xc2: {  	[sflag:s22] =	ssyncset.done $0x0  }
0xc3: {  	[sflag:s22] =	ssyncadd.s32 $0xFFFFE000  }
0xc4: {  	[spmem:s2] =	stream.indirect.scatter.add.f32 [tilespmem:s18], [sflag:$0x3], $0x80, s25, s15, $0xb8;
	[tilespmem:$0x1FC00] =	vst v63  }
0xc5: {  	_ =	swait.ge [sflag:s11], $0x4000  }
0xc6: {  	s26 =	sadd.s32 $0x1, s26;
	[sflag:s11] =	ssyncset.done $0x0  }
0xc7: {  	p0 =	sne.s32 s26, s9;
	[sflag:s11] =	ssyncadd.s32 $0xFFFFC000  }
.Ltmp2:
0xc8: {  	[bflag:$0x0] =	sbarrier.arrive $0xFFFF;
	(pc) =	sbr.rel @p0 .LBB2_1-.Ltmp2, $4  }
0xc9: {  	[hbm:s24], [sflag:s6] =	dma.local [spmem:s10], $0x2800  }
0xca: {  	_ =	swait.ge [sflag:s11], $0x2800  }
0xcb: {  	[sflag:s11] =	ssyncset.done $0x0  }
0xcc: {  	[sflag:s11] =	ssyncadd.s32 $0xFFFFD800  }
0xcd: {  	_ =	sfence.sel $0x180000  }
0xce: {  	[bflag:$0x0] =	sbarrier.arrive $0xFFFF  }
0xcf: {  	p0 =	sne.s32 s0, $0x0;
	_ =	strace $0x9000004A  }
0xd0: {  	s0 =	sadd.s32 @!p0 $0x100000, s1;
	[bflag:$0x2] =	sbarrier.arrive $0xFFFF  }
0xd1: {  	[sflag:s0] =	ssyncadd.tile.s32 @!p0 $0x1;
	_ =	shalt  }
.Lfunc_end2:
_tile_overlayer_lowered:
.L_overlay_start_2:
0xd2: {  	(tag) =	ssettag $0x2  }
0xd3: {  	s0 =	rddreg [dreg:$0x0];
	s2 =	stileid.u32  }
0xd4: {  	s1 =	rddreg [dreg:$0x1];
	p0 =	sne.s32 s2, $0x0  }
0xd5: {  	s3 =	rddreg [dreg:$0x2];
	[bflag:$0x3] =	sbarrier.arrive $0xFFFF;
	s2 =	simm.s32 @!p0 $0x1C03  }
0xd6: {  	[timem:s3], [sflag:s2] =	dma.local @!p0 [hbm:s0], s1  }
0xd7: {  	s0 =	simm.s32 @!p0 $0x3  }
0xd8: {  	_ =	swait.ge @!p0 [sflag:s0], s1  }
0xd9: {  	s1 =	ssub.s32 @!p0 $0x0, s1;
	[sflag:s0] =	ssyncset.done @!p0 $0x0  }
0xda: {  	[sflag:s0] =	ssyncadd.s32 @!p0 s1  }
0xdb: {  	[bflag:$0x3] =	sbarrier.arrive $0xFFFF  }
0xdc: {  	_ =	shalt  }

// kernel: kernel.15.cloned.1.call-start
scs
__scs_entry_jumppad:
0x0: {  	(pc) =	sbr.rel $0x88, $3  }
0x1: {  	(tag) =	ssettag $0x0;
	lr =	simm.s32 $0x1  }
0x2: {  	[smem:$0x3F96] =	sst lr;
	_ =	strace $0xD0000000  }
0x3: {  	_ = 	snop  }
0x4: {  	_ = 	snop  }
0x5: {  	_ = 	snop  }
0x6: {  	_ = 	snop  }
0x7: {  	_ = 	snop  }
__scs_overlays_trampoline_lowered:
0x8: {  	[smem:$0x3FA5] =	sst s0  }
0x9: {  	[smem:$0x3FA6] =	sst s1  }
0xa: {  	[smem:$0x3FA7] =	sst s2  }
0xb: {  	[smem:$0x3FA8] =	sst s3  }
0xc: {  	[smem:$0x3FA9] =	sst s4  }
0xd: {  	[smem:$0x3FAA] =	sst s5  }
0xe: {  	[smem:$0x3FAB] =	sst s6  }
0xf: {  	[smem:$0x3FAC] =	sst s7  }
0x10: {  	[smem:$0x3FAD] =	sst s8  }
0x11: {  	[smem:$0x3FAE] =	sst s9;
	s0 =	simm.s32 @!p0 $0x0  }
0x12: {  	s1 =	sld [smem:$0x3F94];
	s0 =	simm.s32 @p0 $0x1  }
0x13: {  	[smem:$0x3FAF] =	sst s0;
	s0 =	simm.s32 @!p1 $0x0  }
0x14: {  	s2 =	sld [smem:$0x3F93];
	s0 =	simm.s32 @p1 $0x1  }
0x15: {  	[smem:$0x3FB0] =	sst s0;
	s0 =	simm.s32 @!p2 $0x0  }
0x16: {  	s3 =	sld [smem:$0x3FDB];
	s0 =	simm.s32 @p2 $0x1  }
0x17: {  	s4 =	simm.s32 $0x1BF5;
	[smem:$0x3FB2] =	sst s0  }
0x18: {  	s0 =	sld [smem:$0x3F95];
	_ =	swait.ge [sflag:s4], $0x0  }
0x19: {  	s7 =	sld [smem:$0x3F96]  }
0x1a: {  	s8 =	sadd.s32 $0xFFFFE003, lr  }
0x1b: {  	s9 =	sadd.s32 $0xFFFFFEF7, lr;
	s5 =	simm.s32 $0xFFFFFFFF;
	p2 =	slt.u32 s8, $0xFFFFF086  }
0x1c: {  	p1 =	slt.u32 s9, $0xF7A;
	s5 =	simm.s32 @!p2 $0x0  }
0x1d: {  	s5 =	simm.s32 @p1 $0x1;
	p0 =	seq.s32 s7, s2  }
0x1e: {  	s7 =	smul.u32 @!p0 $0xF7A, s2;
	p2 =	seq.s32 @!p0 s5, $0x0  }
0x1f: {  	s9 =	smul.u32 $0xF7A, s1;
	s8 =	simm.s32 @!p0 $0x1BF5;
	p2 =	por !p2, p0  }
0x20: {  	[sflag:s8] =	ssyncset.s32 @!p0 $0xFFFFF086;
	s6 =	sadd.s32 @!p0 s3, s7;
	s7 =	simm.s32 @!p0 $0x108  }
0x21: {  	s3 =	sadd.s32 s3, s9;
	s6 =	sadd.s32 @!p0 $0x88, s6;
	s7 =	simm.s32 @p2 $0x1082  }
0x22: {  	[simem:s7], [sflag:s8] =	dma.local @!p0 [hbm:s6], $0xF7A  }
0x23: {  	s9 =	sor.u32 $0xD0000000, s2;
	s6 =	simm.s32 $0x108;
	_ =	swait.ge @!p0 [sflag:s8], $0x0  }
0x24: {  	s3 =	sadd.s32 $0x88, s3;
	s6 =	simm.s32 @!p1 $0x1082;
	[sflag:s4] =	ssyncset.s32 $0xFFFFF086  }
0x25: {  	[simem:s6], [sflag:s4] =	dma.local [hbm:s3], $0xF7A  }
0x26: {  	[smem:$0x3F96] =	sst s1;
	(tag) =	ssettag s2;
	_ =	strace s9  }
0x27: {  	s1 =	sld [smem:$0x3FA6]  }
0x28: {  	s2 =	sld [smem:$0x3FA7]  }
0x29: {  	s4 =	sld [smem:$0x3FA9]  }
0x2a: {  	p0 =	seq.s32 s5, $0x0;
	s5 =	sld [smem:$0x3FAA]  }
0x2b: {  	s6 =	sld [smem:$0x3FAB]  }
0x2c: {  	s7 =	sld [smem:$0x3FAC]  }
0x2d: {  	s3 =	simm.s32 $0x108;
	s8 =	sld [smem:$0x3FAD]  }
0x2e: {  	s3 =	simm.s32 @!p0 $0x1082;
	s9 =	sld [smem:$0x3FAE]  }
0x2f: {  	lr =	sadd.s32 s0, s3;
	s0 =	sld [smem:$0x3FA5]  }
0x30: {  	s3 =	sld [smem:$0x3FA8]  }
0x31: {  	[smem:$0x3FB1] =	sst s10  }
0x32: {  	s10 =	sld [smem:$0x3FAF];
	_ =	sdelay $0x3  }
0x33: {  	p0 =	seq.s32 s10, $0x1;
	s10 =	sld [smem:$0x3FB1];
	_ =	sdelay $0x3  }
0x34: {  	[smem:$0x3FB1] =	sst s10  }
0x35: {  	s10 =	sld [smem:$0x3FB0];
	_ =	sdelay $0x3  }
0x36: {  	p1 =	seq.s32 s10, $0x1;
	s10 =	sld [smem:$0x3FB1];
	_ =	sdelay $0x3  }
0x37: {  	[smem:$0x3FB1] =	sst s10  }
0x38: {  	s10 =	sld [smem:$0x3FB2]  }
0x39: {  	_ = 	snop;
	(pc) =	sbr.ind lr, $3  }
0x3a: {  	_ = 	snop  }
0x3b: {  	_ = 	snop  }
0x3c: {  	p2 =	seq.s32 s10, $0x1;
	s10 =	sld [smem:$0x3FB1]  }
0x3d: {  	_ =	shalt  }
0x3e: {  	_ =	shalt  }
0x3f: {  	_ =	shalt  }
0x40: {  	_ =	shalt  }
0x41: {  	_ =	shalt  }
0x42: {  	_ =	shalt  }
0x43: {  	_ =	shalt  }
0x44: {  	_ =	shalt  }
0x45: {  	_ =	shalt  }
0x46: {  	_ =	shalt  }
0x47: {  	_ =	shalt  }
0x48: {  	_ =	shalt  }
0x49: {  	_ =	shalt  }
0x4a: {  	_ =	shalt  }
0x4b: {  	_ =	shalt  }
0x4c: {  	_ =	shalt  }
0x4d: {  	_ =	shalt  }
0x4e: {  	_ =	shalt  }
0x4f: {  	_ =	shalt  }
0x50: {  	_ =	shalt  }
0x51: {  	_ =	shalt  }
0x52: {  	_ =	shalt  }
0x53: {  	_ =	shalt  }
0x54: {  	_ =	shalt  }
0x55: {  	_ =	shalt  }
0x56: {  	_ =	shalt  }
0x57: {  	_ =	shalt  }
0x58: {  	_ =	shalt  }
0x59: {  	_ =	shalt  }
0x5a: {  	_ =	shalt  }
0x5b: {  	_ =	shalt  }
0x5c: {  	_ =	shalt  }
0x5d: {  	_ =	shalt  }
0x5e: {  	_ =	shalt  }
0x5f: {  	_ =	shalt  }
0x60: {  	_ =	shalt  }
0x61: {  	_ =	shalt  }
0x62: {  	_ =	shalt  }
0x63: {  	_ =	shalt  }
0x64: {  	_ =	shalt  }
0x65: {  	_ =	shalt  }
0x66: {  	_ =	shalt  }
0x67: {  	_ =	shalt  }
0x68: {  	_ =	shalt  }
0x69: {  	_ =	shalt  }
0x6a: {  	_ =	shalt  }
0x6b: {  	_ =	shalt  }
0x6c: {  	_ =	shalt  }
0x6d: {  	_ =	shalt  }
0x6e: {  	_ =	shalt  }
0x6f: {  	_ =	shalt  }
0x70: {  	_ =	shalt  }
0x71: {  	_ =	shalt  }
0x72: {  	_ =	shalt  }
0x73: {  	_ =	shalt  }
0x74: {  	_ =	shalt  }
0x75: {  	_ =	shalt  }
0x76: {  	_ =	shalt  }
0x77: {  	_ =	shalt  }
0x78: {  	_ =	shalt  }
0x79: {  	_ =	shalt  }
0x7a: {  	_ =	shalt  }
0x7b: {  	_ =	shalt  }
0x7c: {  	_ =	shalt  }
0x7d: {  	_ =	shalt  }
0x7e: {  	_ =	shalt  }
0x7f: {  	_ =	shalt  }
0x80: {  	_ =	shalt  }
0x81: {  	_ =	shalt  }
0x82: {  	_ =	shalt  }
0x83: {  	_ =	shalt  }
0x84: {  	_ =	shalt  }
0x85: {  	_ =	shalt  }
0x86: {  	_ =	shalt  }
0x87: {  	_ =	shalt  }
.Lfunc_end0:
.L_simem_size_0:
called_computation.2_lowered:
.L_overlay_start_0:
0x88: {  	s2 =	sld [smem:$0x3FD9]  }
0x89: {  	s3 =	sld [smem:$0x3FFE];
	_ =	sdelay $0x1  }
0x8a: {  	s1 =	srdreg.scid  }
0x8b: {  	s0 =	sand.u32 $0x1, s1  }
0x8c: {  	s17 =	sshll.u32 s0, $0xA;
	s2 =	sadd.s32 s3, s2  }
0x8d: {  	s2 =	sadd.s32 s2, s17  }
0x8e: {  	[smem:$0x3FBD] =	sst s2  }
0x8f: {  	_ = 	snop  }
0x90: {  	s2 =	sld [smem:$0x3FD0];
	(tm) =	ssettm $0x1  }
0x91: {  	s18 =	sld [smem:$0x3FFB];
	_ =	sdelay $0x3  }
0x92: {  	_ =	strace s18  }
0x93: {  	s3 =	sld [smem:$0x3FFC];
	_ =	sdelay $0x3  }
0x94: {  	_ =	strace s3  }
0x95: {  	s3 =	sld [smem:$0x3FFD];
	_ =	sdelay $0x3  }
0x96: {  	_ =	strace s3  }
0x97: {  	_ =	strace $0x8FFFFFFF  }
0x98: {  	s19 =	sld [smem:$0x3FDB];
	_ =	sdelay $0x1  }
0x99: {  	s4 =	simm.s32 $_scs_section_size  }
0x9a: {  	s5 =	simm.s32 $_size__tile_overlayer_lowered;
	s6 =	simm.s32 $_tile_overlayer_lowered  }
0x9b: {  	s22 =	simm.s32 $0x1BFF;
	s21 =	sshll.u32 s6, $0x1;
	s3 =	sadd.s32 s4, s19  }
0x9c: {  	s7 =	simm.s32 $0x0;
	s20 =	sshll.u32 s5, $0x1;
	s5 =	sadd.s32 s21, s3  }
0x9d: {  	[timem:s7], [sflag:s22] =	dma.local [hbm:s5], s20  }
0x9e: {  	_ =	swait.ge [sflag:s22], s20  }
0x9f: {  	s4 =	ssub.s32 $0x0, s20;
	[sflag:s22] =	ssyncset.done $0x0  }
0xa0: {  	[sflag:s22] =	ssyncadd.s32 s4;
	_ =	sdelay $0x1  }
0xa1: {  	s23 =	simm.s32 $0x1B8B  }
0xa2: {  	_ =	swait.ge [sflag:s23], $0x1  }
0xa3: {  	[sflag:s23] =	ssyncset.done $0x0  }
0xa4: {  	s25 =	simm.s32 $0x1B8E;
	s24 =	sld [smem:$0x3FFE];
	[sflag:s23] =	ssyncadd.s32 $0xFFFFFFFF  }
0xa5: {  	s26 =	simm.s32 $execute0_lowered;
	[smem:$0x3FD2] =	sst s25  }
0xa6: {  	s5 =	sshll.u32 s26, $0x1;
	_ =	strace $0x8000004C;
	[dreg:$0x1] =	wrdreg $0xFFFFFFFF  }
0xa7: {  	s28 =	simm.s32 $_size_execute0_lowered;
	s3 =	sadd.s32 s3, s5;
	[dreg:$0x0] =	wrdreg $0x0  }
0xa8: {  	s5 =	sshll.u32 s28, $0x1;
	[dreg:$0x2] =	wrdreg s3  }
0xa9: {  	[dreg:$0x3] =	wrdreg s5  }
0xaa: {  	[dreg:$0x4] =	wrdreg $0xC0  }
0xab: {  	_ =	task [dreg:s7], $0x5FFFF  }
0xac: {  	[dreg:$0x1] =	wrdreg $0xFFFFFFFF  }
0xad: {  	[dreg:$0x0] =	wrdreg $0x60  }
0xae: {  	[dreg:$0x2] =	wrdreg s24  }
0xaf: {  	[dreg:$0x3] =	wrdreg s2  }
0xb0: {  	[dreg:$0x4] =	wrdreg $0xBC000  }
0xb1: {  	[dreg:$0x5] =	wrdreg $0x9  }
0xb2: {  	_ =	task.clear_ibuf [dreg:s7], $0x6FFFF;
	_ =	strace $0x9000004C  }
0xb3: {  	s29 =	simm.s32 $0x9;
	_ =	strace $0x8000004E  }
0xb4: {  	_ =	swait.ge [sflag:s29], $0x1  }
0xb5: {  	[sflag:s29] =	ssyncadd.s32 $0xFFFFFFFF  }
0xb6: {  	_ =	strace $0x9000004E  }
0xb7: {  	_ =	sfence  }
0xb8: {  	s30 =	sld [smem:$0x0];
	_ =	sdelay $0x2  }
0xb9: {  	s31 =	sshll.u32 s1, $0xD;
	s1 =	sshrl.u32 s1, $0x2  }
0xba: {  	s3 =	sand.u32 $0x4000, s31;
	s1 =	sadd.s32 s1, s30  }
0xbb: {  	s0 =	sor.u32 s3, s0;
	s1 =	sshll.u32 s1, $0x11  }
0xbc: {  	s0 =	sor.u32 s1, s0  }
0xbd: {  	s0 =	sadd.s32 $0x8F2B, s0  }
0xbe: {  	[sflag:s0] =	ssyncadd.remote.s32 $0x1  }
0xbf: {  	_ =	sfence.sel $0xFFFF  }
0xc0: {  	[dreg:$0x0] =	wrdreg $0xFFFFFFFF;
	(pc) =	sbr.abs _section_cstart, $3  }
0xc1: {  	[dreg:$0x1] =	wrdreg $0xFFFFFFFF  }
0xc2: {  	_ =	task.clear_ibuf [dreg:s7], $0x2FFFF;
	_ =	strace $0x9FFFFFFF  }
0xc3: {  	(tm) =	ssettm $0x7FFFFFFF  }
tec
execute0_lowered:
.L_overlay_start_1:
0x0: {  	(tag) =	ssettag $0x1  }
0x1: {  	s5 =	rddreg [dreg:$0x0]  }
0x2: {  	s7 =	rddreg [dreg:$0x1];
	s1 =	srdreg.scid  }
0x3: {  	s0 =	stileid.u32;
	s2 =	rddreg [dreg:$0x2]  }
0x4: {  	s3 =	simm.s32 $0x0;
	s14 =	simm.s32 $0x3C00;
	s15 =	simm.s32 $0x80  }
0x5: {  	s16 =	simm.s32 $0x5C00;
	s17 =	simm.s32 $0x100;
	s18 =	simm.s32 $0x7C00  }
0x6: {  	s19 =	simm.s32 $0x180;
	s20 =	simm.s32 $0x9C00;
	s21 =	simm.s32 $0x1  }
0x7: {  	s22 =	simm.s32 $0x2;
	s23 =	simm.s32 $0x3B00;
	s26 =	simm.s32 $0x0  }
0x8: {  	s6 =	sand.u32 $0x1, s1;
	s1 =	rddreg [dreg:$0x3];
	s24 =	smul.u32 $0x2800, s0  }
0x9: {  	s4 =	sshll.u32 s0, $0x1;
	[smem:$0x7FF] =	sst s3;
	s12 =	smul.u32 $0x50000, s0  }
0xa: {  	s31 =	sshll.u32 s0, $0x6;
	s8 =	sor.u32 s6, s4;
	_ =	strace $0x8000004D  }
0xb: {  	s4 =	sadd.s32 $0x21200, s5;
	s10 =	smul.u32 $0x28000, s6;
	s6 =	ssub.s32 $0x2, s6  }
0xc: {  	s9 =	smul.u32 $0x500, s8;
	s11 =	sshrl.u32 s6, $0x1;
	s13 =	sadd.s32 s24, s5  }
0xd: {  	s30 =	sshrl.u32 s12, $0x2;
	s8 =	smul.u32 $0xA00, s8;
	s10 =	sadd.s32 s10, s5  }
0xe: {  	s11 =	ssub.s32 s6, s11;
	s12 =	sadd.s32 s30, s2;
	s6 =	sor.u32 $0x1C03, s31  }
0xf: {  	s9 =	sadd.s32 s9, s5;
	s5 =	sadd.s32 $0x49200, s13;
	s7 =	sadd.s32 s7, s8  }
0x10: {  	s25 =	sadd.s32 $0x71200, s10;
	s10 =	sshrl.u32 s12, $0x3;
	s12 =	simm.s32 $0x2800  }
0x11: {  	s13 =	simm.s32 $0x40;
	s8 =	sadd.s32 $0x17200, s9;
	s9 =	smax.u32 s11, $0x1  }
0x12: {  	s11 =	simm.s32 $0x3;
	s24 =	sadd.s32 s24, s25;
	s25 =	simm.s32 $0x3B80  }
.LBB2_1:
0x13: {  	[spmem:s10], [sflag:s6] =	dma.local [hbm:s5], $0x2800  }
0x14: {  	_ =	swait.ge [sflag:s11], $0x2800  }
0x15: {  	[sflag:s11] =	ssyncset.done $0x0  }
0x16: {  	[sflag:s11] =	ssyncadd.s32 $0xFFFFD800  }
0x17: {  	[bflag:$0x0] =	sbarrier.arrive $0xFFFF  }
0x18: {  	[tilespmem:s3], [sflag:$0x3] =	stream.linear.gather [hbm4b:s7+s3], $0x2800, $0x38;
	[tilespmem:$0x1FC00] =	vst v63  }
0x19: {  	_ =	swait.ge [sflag:s11], $0x2800  }
0x1a: {  	[sflag:s11] =	ssyncset.done $0x0  }
0x1b: {  	[sflag:s11] =	ssyncadd.s32 $0xFFFFD800  }
0x1c: {  	[tilespmem:s12], [sflag:$0x3] =	stream.linear.gather [hbm4b:s8+s3], $0x1400, $0x38;
	[tilespmem:$0x1FC00] =	vst v63  }
0x1d: {  	_ =	swait.ge [sflag:s11], $0x1400  }
0x1e: {  	[sflag:s11] =	ssyncset.done $0x0  }
0x1f: {  	[sflag:s11] =	ssyncadd.s32 $0xFFFFEC00  }
0x20: {  	[tilespmem:s14], [sflag:$0x1] =	stream.indirect.gather [hbm4b:s4+s13], $0x80, s3, s13, $0xb8;
	[tilespmem:$0x1FC00] =	vst v63  }
0x21: {  	_ = 	snop  }
0x22: {  	[tilespmem:s16], [sflag:$0x1] =	stream.indirect.gather [hbm4b:s4+s13], $0x80, s15, s13, $0xb8;
	[tilespmem:$0x1FC00] =	vst v63  }
0x23: {  	_ = 	snop  }
0x24: {  	[tilespmem:s18], [sflag:$0x2] =	stream.indirect.gather [hbm4b:s4+s13], $0x80, s17, s13, $0xb8;
	[tilespmem:$0x1FC00] =	vst v63  }
0x25: {  	_ = 	snop  }
0x26: {  	[tilespmem:s20], [sflag:$0x2] =	stream.indirect.gather [hbm4b:s4+s13], $0x80, s19, s13, $0xb8;
	[tilespmem:$0x1FC00] =	vst v63  }
0x27: {  	_ =	swait.ge [sflag:s21], $0x2000  }
0x28: {  	[sflag:s21] =	ssyncset.done $0x0  }
0x29: {  	[sflag:s21] =	ssyncadd.s32 $0xFFFFE000  }
0x2a: {  	_ =	swait.ge [sflag:s21], $0x2000  }
0x2b: {  	[sflag:s21] =	ssyncset.done $0x0  }
0x2c: {  	s28 =	simm.s32 $0x2800;
	[sflag:s21] =	ssyncadd.s32 $0xFFFFE000  }
0x2d: {  	[spmem:s2] =	stream.indirect.scatter.add.f32 [tilespmem:s14], [sflag:$0x3], $0x80, s28, s15, $0xb8;
	[tilespmem:$0x1FC00] =	vst v63  }
0x2e: {  	_ =	swait.ge [sflag:s11], $0x4000  }
0x2f: {  	[sflag:s11] =	ssyncset.done $0x0  }
0x30: {  	s28 =	simm.s32 $0x200;
	[sflag:s11] =	ssyncadd.s32 $0xFFFFC000  }
0x31: {  	[tilespmem:s14], [sflag:$0x1] =	stream.indirect.gather [hbm4b:s4+s13], $0x80, s28, s13, $0xb8;
	[tilespmem:$0x1FC00] =	vst v63  }
0x32: {  	s28 =	simm.s32 $0x280  }
0x33: {  	[tilespmem:s16], [sflag:$0x1] =	stream.indirect.gather [hbm4b:s4+s13], $0x80, s28, s13, $0xb8;
	[tilespmem:$0x1FC00] =	vst v63  }
0x34: {  	_ =	swait.ge [sflag:s22], $0x2000  }
0x35: {  	[sflag:s22] =	ssyncset.done $0x0  }
0x36: {  	[sflag:s22] =	ssyncadd.s32 $0xFFFFE000  }
0x37: {  	_ =	swait.ge [sflag:s22], $0x2000  }
0x38: {  	[sflag:s22] =	ssyncset.done $0x0  }
0x39: {  	s28 =	simm.s32 $0x2880;
	[sflag:s22] =	ssyncadd.s32 $0xFFFFE000  }
0x3a: {  	[spmem:s2] =	stream.indirect.scatter.add.f32 [tilespmem:s18], [sflag:$0x3], $0x80, s28, s15, $0xb8;
	[tilespmem:$0x1FC00] =	vst v63  }
0x3b: {  	_ =	swait.ge [sflag:s11], $0x4000  }
0x3c: {  	[sflag:s11] =	ssyncset.done $0x0  }
0x3d: {  	s28 =	simm.s32 $0x300;
	[sflag:s11] =	ssyncadd.s32 $0xFFFFC000  }
0x3e: {  	[tilespmem:s18], [sflag:$0x2] =	stream.indirect.gather [hbm4b:s4+s13], $0x80, s28, s13, $0xb8;
	[tilespmem:$0x1FC00] =	vst v63  }
0x3f: {  	s30 =	simm.s32 $0x380;
	s29 =	simm.s32 $0x2980;
	s28 =	simm.s32 $0x800  }
.LBB2_2:
0x40: {  	[tilespmem:s20], [sflag:$0x2] =	stream.indirect.gather [hbm4b:s4+s13], $0x80, s30, s13, $0xb8;
	[tilespmem:$0x1FC00] =	vst v63  }
0x41: {  	s30 =	smov.u32 s28  }
0x42: {  	p0 =	sne.s32 s28, $0x9000;
	s28 =	sadd.s32 $0x800, s28;
	_ =	swait.ge [sflag:s21], $0x2000  }
0x43: {  	[sflag:s21] =	ssyncset.done $0x0  }
0x44: {  	[sflag:s21] =	ssyncadd.s32 $0xFFFFE000  }
0x45: {  	_ =	swait.ge [sflag:s21], $0x2000  }
0x46: {  	[sflag:s21] =	ssyncset.done $0x0  }
0x47: {  	s31 =	sadd.s32 $0xFFFFFF80, s29;
	[sflag:s21] =	ssyncadd.s32 $0xFFFFE000  }
0x48: {  	[spmem:s2] =	stream.indirect.scatter.add.f32 [tilespmem:s14], [sflag:$0x3], $0x80, s31, s15, $0xb8;
	[tilespmem:$0x1FC00] =	vst v63  }
0x49: {  	_ =	swait.ge [sflag:s11], $0x4000  }
0x4a: {  	s30 =	sshra.s32 s30, $0x2;
	[sflag:s11] =	ssyncset.done $0x0  }
0x4b: {  	s31 =	sadd.s32 $0x200, s30;
	[sflag:s11] =	ssyncadd.s32 $0xFFFFC000  }
0x4c: {  	[tilespmem:s14], [sflag:$0x1] =	stream.indirect.gather [hbm4b:s4+s13], $0x80, s31, s13, $0xb8;
	[tilespmem:$0x1FC00] =	vst v63  }
0x4d: {  	s31 =	sadd.s32 $0x280, s30  }
0x4e: {  	[tilespmem:s16], [sflag:$0x1] =	stream.indirect.gather [hbm4b:s4+s13], $0x80, s31, s13, $0xb8;
	[tilespmem:$0x1FC00] =	vst v63  }
0x4f: {  	_ =	swait.ge [sflag:s22], $0x2000  }
0x50: {  	[sflag:s22] =	ssyncset.done $0x0  }
0x51: {  	[sflag:s22] =	ssyncadd.s32 $0xFFFFE000  }
0x52: {  	_ =	swait.ge [sflag:s22], $0x2000  }
0x53: {  	[sflag:s22] =	ssyncset.done $0x0  }
0x54: {  	[sflag:s22] =	ssyncadd.s32 $0xFFFFE000  }
0x55: {  	[spmem:s2] =	stream.indirect.scatter.add.f32 [tilespmem:s18], [sflag:$0x3], $0x80, s29, s15, $0xb8;
	[tilespmem:$0x1FC00] =	vst v63  }
.Ltmp0:
0x56: {  	_ =	swait.ge [sflag:s11], $0x4000;
	(pc) =	sbr.rel @p0 .LBB2_2-.Ltmp0, $4  }
0x57: {  	[sflag:s11] =	ssyncset.done $0x0  }
0x58: {  	s31 =	sadd.s32 $0x300, s30;
	[sflag:s11] =	ssyncadd.s32 $0xFFFFC000  }
0x59: {  	[tilespmem:s18], [sflag:$0x2] =	stream.indirect.gather [hbm4b:s4+s13], $0x80, s31, s13, $0xb8;
	[tilespmem:$0x1FC00] =	vst v63  }
0x5a: {  	s30 =	sadd.s32 $0x380, s30;
	s29 =	sadd.s32 $0x100, s29  }
0x5b: {  	[tilespmem:s20], [sflag:$0x2] =	stream.indirect.gather [hbm4b:s4+s13], $0x80, s30, s13, $0xb8;
	[tilespmem:$0x1FC00] =	vst v63  }
0x5c: {  	_ =	swait.ge [sflag:s21], $0x2000  }
0x5d: {  	[sflag:s21] =	ssyncset.done $0x0  }
0x5e: {  	[sflag:s21] =	ssyncadd.s32 $0xFFFFE000  }
0x5f: {  	_ =	swait.ge [sflag:s21], $0x2000  }
0x60: {  	[sflag:s21] =	ssyncset.done $0x0  }
0x61: {  	[sflag:s21] =	ssyncadd.s32 $0xFFFFE000  }
0x62: {  	[spmem:s2] =	stream.indirect.scatter.add.f32 [tilespmem:s14], [sflag:$0x3], $0x80, s23, s15, $0xb8;
	[tilespmem:$0x1FC00] =	vst v63  }
0x63: {  	_ =	swait.ge [sflag:s11], $0x4000  }
0x64: {  	[sflag:s11] =	ssyncset.done $0x0  }
0x65: {  	[sflag:s11] =	ssyncadd.s32 $0xFFFFC000  }
0x66: {  	_ =	swait.ge [sflag:s22], $0x2000  }
0x67: {  	[sflag:s22] =	ssyncset.done $0x0  }
0x68: {  	[sflag:s22] =	ssyncadd.s32 $0xFFFFE000  }
0x69: {  	_ =	swait.ge [sflag:s22], $0x2000  }
0x6a: {  	[sflag:s22] =	ssyncset.done $0x0  }
0x6b: {  	[sflag:s22] =	ssyncadd.s32 $0xFFFFE000  }
0x6c: {  	[spmem:s2] =	stream.indirect.scatter.add.f32 [tilespmem:s18], [sflag:$0x3], $0x80, s25, s15, $0xb8;
	[tilespmem:$0x1FC00] =	vst v63  }
0x6d: {  	_ =	swait.ge [sflag:s11], $0x4000  }
0x6e: {  	[sflag:s11] =	ssyncset.done $0x0  }
0x6f: {  	s28 =	sadd.s32 $0x500, s7;
	s29 =	simm.s32 $0x0;
	[sflag:s11] =	ssyncadd.s32 $0xFFFFC000  }
0x70: {  	[tilespmem:s29], [sflag:$0x3] =	stream.linear.gather [hbm4b:s28+s29], $0x2800, $0x38;
	[tilespmem:$0x1FC00] =	vst v63  }
0x71: {  	_ =	swait.ge [sflag:s11], $0x2800  }
0x72: {  	[sflag:s11] =	ssyncset.done $0x0  }
0x73: {  	s28 =	sadd.s32 $0x280, s8;
	[sflag:s11] =	ssyncadd.s32 $0xFFFFD800  }
0x74: {  	[tilespmem:s12], [sflag:$0x3] =	stream.linear.gather [hbm4b:s28+s29], $0x1400, $0x38;
	[tilespmem:$0x1FC00] =	vst v63  }
0x75: {  	_ =	swait.ge [sflag:s11], $0x1400  }
0x76: {  	[sflag:s11] =	ssyncset.done $0x0  }
0x77: {  	[sflag:s11] =	ssyncadd.s32 $0xFFFFEC00  }
0x78: {  	[tilespmem:s14], [sflag:$0x1] =	stream.indirect.gather [hbm4b:s4+s13], $0x80, s29, s13, $0xb8;
	[tilespmem:$0x1FC00] =	vst v63  }
0x79: {  	_ = 	snop  }
0x7a: {  	[tilespmem:s16], [sflag:$0x1] =	stream.indirect.gather [hbm4b:s4+s13], $0x80, s15, s13, $0xb8;
	[tilespmem:$0x1FC00] =	vst v63  }
0x7b: {  	_ = 	snop  }
0x7c: {  	[tilespmem:s18], [sflag:$0x2] =	stream.indirect.gather [hbm4b:s4+s13], $0x80, s17, s13, $0xb8;
	[tilespmem:$0x1FC00] =	vst v63  }
0x7d: {  	_ = 	snop  }
0x7e: {  	[tilespmem:s20], [sflag:$0x2] =	stream.indirect.gather [hbm4b:s4+s13], $0x80, s19, s13, $0xb8;
	[tilespmem:$0x1FC00] =	vst v63  }
0x7f: {  	_ =	swait.ge [sflag:s21], $0x2000  }
0x80: {  	[sflag:s21] =	ssyncset.done $0x0  }
0x81: {  	[sflag:s21] =	ssyncadd.s32 $0xFFFFE000  }
0x82: {  	_ =	swait.ge [sflag:s21], $0x2000  }
0x83: {  	[sflag:s21] =	ssyncset.done $0x0  }
0x84: {  	s28 =	simm.s32 $0x2800;
	[sflag:s21] =	ssyncadd.s32 $0xFFFFE000  }
0x85: {  	[spmem:s2] =	stream.indirect.scatter.add.f32 [tilespmem:s14], [sflag:$0x3], $0x80, s28, s15, $0xb8;
	[tilespmem:$0x1FC00] =	vst v63  }
0x86: {  	_ =	swait.ge [sflag:s11], $0x4000  }
0x87: {  	[sflag:s11] =	ssyncset.done $0x0  }
0x88: {  	s28 =	simm.s32 $0x200;
	[sflag:s11] =	ssyncadd.s32 $0xFFFFC000  }
0x89: {  	[tilespmem:s14], [sflag:$0x1] =	stream.indirect.gather [hbm4b:s4+s13], $0x80, s28, s13, $0xb8;
	[tilespmem:$0x1FC00] =	vst v63  }
0x8a: {  	s28 =	simm.s32 $0x280  }
0x8b: {  	[tilespmem:s16], [sflag:$0x1] =	stream.indirect.gather [hbm4b:s4+s13], $0x80, s28, s13, $0xb8;
	[tilespmem:$0x1FC00] =	vst v63  }
0x8c: {  	_ =	swait.ge [sflag:s22], $0x2000  }
0x8d: {  	[sflag:s22] =	ssyncset.done $0x0  }
0x8e: {  	[sflag:s22] =	ssyncadd.s32 $0xFFFFE000  }
0x8f: {  	_ =	swait.ge [sflag:s22], $0x2000  }
0x90: {  	[sflag:s22] =	ssyncset.done $0x0  }
0x91: {  	s28 =	simm.s32 $0x2880;
	[sflag:s22] =	ssyncadd.s32 $0xFFFFE000  }
0x92: {  	[spmem:s2] =	stream.indirect.scatter.add.f32 [tilespmem:s18], [sflag:$0x3], $0x80, s28, s15, $0xb8;
	[tilespmem:$0x1FC00] =	vst v63  }
0x93: {  	_ =	swait.ge [sflag:s11], $0x4000  }
0x94: {  	[sflag:s11] =	ssyncset.done $0x0  }
0x95: {  	s28 =	simm.s32 $0x300;
	[sflag:s11] =	ssyncadd.s32 $0xFFFFC000  }
0x96: {  	[tilespmem:s18], [sflag:$0x2] =	stream.indirect.gather [hbm4b:s4+s13], $0x80, s28, s13, $0xb8;
	[tilespmem:$0x1FC00] =	vst v63  }
0x97: {  	s30 =	simm.s32 $0x380;
	s29 =	simm.s32 $0x2980;
	s28 =	simm.s32 $0x800  }
.LBB2_4:
0x98: {  	[tilespmem:s20], [sflag:$0x2] =	stream.indirect.gather [hbm4b:s4+s13], $0x80, s30, s13, $0xb8;
	[tilespmem:$0x1FC00] =	vst v63  }
0x99: {  	s30 =	smov.u32 s28  }
0x9a: {  	p0 =	sne.s32 s28, $0x9000;
	s28 =	sadd.s32 $0x800, s28;
	_ =	swait.ge [sflag:s21], $0x2000  }
0x9b: {  	[sflag:s21] =	ssyncset.done $0x0  }
0x9c: {  	[sflag:s21] =	ssyncadd.s32 $0xFFFFE000  }
0x9d: {  	_ =	swait.ge [sflag:s21], $0x2000  }
0x9e: {  	[sflag:s21] =	ssyncset.done $0x0  }
0x9f: {  	s31 =	sadd.s32 $0xFFFFFF80, s29;
	[sflag:s21] =	ssyncadd.s32 $0xFFFFE000  }
0xa0: {  	[spmem:s2] =	stream.indirect.scatter.add.f32 [tilespmem:s14], [sflag:$0x3], $0x80, s31, s15, $0xb8;
	[tilespmem:$0x1FC00] =	vst v63  }
0xa1: {  	_ =	swait.ge [sflag:s11], $0x4000  }
0xa2: {  	s30 =	sshra.s32 s30, $0x2;
	[sflag:s11] =	ssyncset.done $0x0  }
0xa3: {  	s31 =	sadd.s32 $0x200, s30;
	[sflag:s11] =	ssyncadd.s32 $0xFFFFC000  }
0xa4: {  	[tilespmem:s14], [sflag:$0x1] =	stream.indirect.gather [hbm4b:s4+s13], $0x80, s31, s13, $0xb8;
	[tilespmem:$0x1FC00] =	vst v63  }
0xa5: {  	s31 =	sadd.s32 $0x280, s30  }
0xa6: {  	[tilespmem:s16], [sflag:$0x1] =	stream.indirect.gather [hbm4b:s4+s13], $0x80, s31, s13, $0xb8;
	[tilespmem:$0x1FC00] =	vst v63  }
0xa7: {  	_ =	swait.ge [sflag:s22], $0x2000  }
0xa8: {  	[sflag:s22] =	ssyncset.done $0x0  }
0xa9: {  	[sflag:s22] =	ssyncadd.s32 $0xFFFFE000  }
0xaa: {  	_ =	swait.ge [sflag:s22], $0x2000  }
0xab: {  	[sflag:s22] =	ssyncset.done $0x0  }
0xac: {  	[sflag:s22] =	ssyncadd.s32 $0xFFFFE000  }
0xad: {  	[spmem:s2] =	stream.indirect.scatter.add.f32 [tilespmem:s18], [sflag:$0x3], $0x80, s29, s15, $0xb8;
	[tilespmem:$0x1FC00] =	vst v63  }
.Ltmp1:
0xae: {  	_ =	swait.ge [sflag:s11], $0x4000;
	(pc) =	sbr.rel @p0 .LBB2_4-.Ltmp1, $4  }
0xaf: {  	[sflag:s11] =	ssyncset.done $0x0  }
0xb0: {  	s31 =	sadd.s32 $0x300, s30;
	[sflag:s11] =	ssyncadd.s32 $0xFFFFC000  }
0xb1: {  	[tilespmem:s18], [sflag:$0x2] =	stream.indirect.gather [hbm4b:s4+s13], $0x80, s31, s13, $0xb8;
	[tilespmem:$0x1FC00] =	vst v63  }
0xb2: {  	s30 =	sadd.s32 $0x380, s30;
	s29 =	sadd.s32 $0x100, s29  }
0xb3: {  	[tilespmem:s20], [sflag:$0x2] =	stream.indirect.gather [hbm4b:s4+s13], $0x80, s30, s13, $0xb8;
	[tilespmem:$0x1FC00] =	vst v63  }
0xb4: {  	_ =	swait.ge [sflag:s21], $0x2000  }
0xb5: {  	[sflag:s21] =	ssyncset.done $0x0  }
0xb6: {  	[sflag:s21] =	ssyncadd.s32 $0xFFFFE000  }
0xb7: {  	_ =	swait.ge [sflag:s21], $0x2000  }
0xb8: {  	[sflag:s21] =	ssyncset.done $0x0  }
0xb9: {  	[sflag:s21] =	ssyncadd.s32 $0xFFFFE000  }
0xba: {  	[spmem:s2] =	stream.indirect.scatter.add.f32 [tilespmem:s14], [sflag:$0x3], $0x80, s23, s15, $0xb8;
	[tilespmem:$0x1FC00] =	vst v63  }
0xbb: {  	_ =	swait.ge [sflag:s11], $0x4000  }
0xbc: {  	[sflag:s11] =	ssyncset.done $0x0  }
0xbd: {  	[sflag:s11] =	ssyncadd.s32 $0xFFFFC000  }
0xbe: {  	_ =	swait.ge [sflag:s22], $0x2000  }
0xbf: {  	[sflag:s22] =	ssyncset.done $0x0  }
0xc0: {  	[sflag:s22] =	ssyncadd.s32 $0xFFFFE000  }
0xc1: {  	_ =	swait.ge [sflag:s22], $0x2000  }
0xc2: {  	[sflag:s22] =	ssyncset.done $0x0  }
0xc3: {  	[sflag:s22] =	ssyncadd.s32 $0xFFFFE000  }
0xc4: {  	[spmem:s2] =	stream.indirect.scatter.add.f32 [tilespmem:s18], [sflag:$0x3], $0x80, s25, s15, $0xb8;
	[tilespmem:$0x1FC00] =	vst v63  }
0xc5: {  	_ =	swait.ge [sflag:s11], $0x4000  }
0xc6: {  	s26 =	sadd.s32 $0x1, s26;
	[sflag:s11] =	ssyncset.done $0x0  }
0xc7: {  	p0 =	sne.s32 s26, s9;
	[sflag:s11] =	ssyncadd.s32 $0xFFFFC000  }
.Ltmp2:
0xc8: {  	[bflag:$0x0] =	sbarrier.arrive $0xFFFF;
	(pc) =	sbr.rel @p0 .LBB2_1-.Ltmp2, $4  }
0xc9: {  	[hbm:s24], [sflag:s6] =	dma.local [spmem:s10], $0x2800  }
0xca: {  	_ =	swait.ge [sflag:s11], $0x2800  }
0xcb: {  	[sflag:s11] =	ssyncset.done $0x0  }
0xcc: {  	[sflag:s11] =	ssyncadd.s32 $0xFFFFD800  }
0xcd: {  	_ =	sfence.sel $0x180000  }
0xce: {  	[bflag:$0x0] =	sbarrier.arrive $0xFFFF  }
0xcf: {  	p0 =	sne.s32 s0, $0x0;
	_ =	strace $0x9000004D  }
0xd0: {  	s0 =	sadd.s32 @!p0 $0x100000, s1;
	[bflag:$0x2] =	sbarrier.arrive $0xFFFF  }
0xd1: {  	[sflag:s0] =	ssyncadd.tile.s32 @!p0 $0x1;
	_ =	shalt  }
.Lfunc_end2:
_tile_overlayer_lowered:
.L_overlay_start_2:
0xd2: {  	(tag) =	ssettag $0x2  }
0xd3: {  	s0 =	rddreg [dreg:$0x0];
	s2 =	stileid.u32  }
0xd4: {  	s1 =	rddreg [dreg:$0x1];
	p0 =	sne.s32 s2, $0x0  }
0xd5: {  	s3 =	rddreg [dreg:$0x2];
	[bflag:$0x3] =	sbarrier.arrive $0xFFFF;
	s2 =	simm.s32 @!p0 $0x1C03  }
0xd6: {  	[timem:s3], [sflag:s2] =	dma.local @!p0 [hbm:s0], s1  }
0xd7: {  	s0 =	simm.s32 @!p0 $0x3  }
0xd8: {  	_ =	swait.ge @!p0 [sflag:s0], s1  }
0xd9: {  	s1 =	ssub.s32 @!p0 $0x0, s1;
	[sflag:s0] =	ssyncset.done @!p0 $0x0  }
0xda: {  	[sflag:s0] =	ssyncadd.s32 @!p0 s1  }
0xdb: {  	[bflag:$0x3] =	sbarrier.arrive $0xFFFF  }
0xdc: {  	_ =	shalt  }

// kernel: kernel.9.cloned.1.call-start
scs
__scs_entry_jumppad:
0x0: {  	(pc) =	sbr.rel $0x88, $3  }
0x1: {  	(tag) =	ssettag $0x0;
	lr =	simm.s32 $0x1  }
0x2: {  	[smem:$0x3F96] =	sst lr;
	_ =	strace $0xD0000000  }
0x3: {  	_ = 	snop  }
0x4: {  	_ = 	snop  }
0x5: {  	_ = 	snop  }
0x6: {  	_ = 	snop  }
0x7: {  	_ = 	snop  }
__scs_overlays_trampoline_lowered:
0x8: {  	[smem:$0x3FA5] =	sst s0  }
0x9: {  	[smem:$0x3FA6] =	sst s1  }
0xa: {  	[smem:$0x3FA7] =	sst s2  }
0xb: {  	[smem:$0x3FA8] =	sst s3  }
0xc: {  	[smem:$0x3FA9] =	sst s4  }
0xd: {  	[smem:$0x3FAA] =	sst s5  }
0xe: {  	[smem:$0x3FAB] =	sst s6  }
0xf: {  	[smem:$0x3FAC] =	sst s7  }
0x10: {  	[smem:$0x3FAD] =	sst s8  }
0x11: {  	[smem:$0x3FAE] =	sst s9;
	s0 =	simm.s32 @!p0 $0x0  }
0x12: {  	s1 =	sld [smem:$0x3F94];
	s0 =	simm.s32 @p0 $0x1  }
0x13: {  	[smem:$0x3FAF] =	sst s0;
	s0 =	simm.s32 @!p1 $0x0  }
0x14: {  	s2 =	sld [smem:$0x3F93];
	s0 =	simm.s32 @p1 $0x1  }
0x15: {  	[smem:$0x3FB0] =	sst s0;
	s0 =	simm.s32 @!p2 $0x0  }
0x16: {  	s3 =	sld [smem:$0x3FDB];
	s0 =	simm.s32 @p2 $0x1  }
0x17: {  	s4 =	simm.s32 $0x1BF5;
	[smem:$0x3FB2] =	sst s0  }
0x18: {  	s0 =	sld [smem:$0x3F95];
	_ =	swait.ge [sflag:s4], $0x0  }
0x19: {  	s7 =	sld [smem:$0x3F96]  }
0x1a: {  	s8 =	sadd.s32 $0xFFFFE003, lr  }
0x1b: {  	s9 =	sadd.s32 $0xFFFFFEF7, lr;
	s5 =	simm.s32 $0xFFFFFFFF;
	p2 =	slt.u32 s8, $0xFFFFF086  }
0x1c: {  	p1 =	slt.u32 s9, $0xF7A;
	s5 =	simm.s32 @!p2 $0x0  }
0x1d: {  	s5 =	simm.s32 @p1 $0x1;
	p0 =	seq.s32 s7, s2  }
0x1e: {  	s7 =	smul.u32 @!p0 $0xF7A, s2;
	p2 =	seq.s32 @!p0 s5, $0x0  }
0x1f: {  	s9 =	smul.u32 $0xF7A, s1;
	s8 =	simm.s32 @!p0 $0x1BF5;
	p2 =	por !p2, p0  }
0x20: {  	[sflag:s8] =	ssyncset.s32 @!p0 $0xFFFFF086;
	s6 =	sadd.s32 @!p0 s3, s7;
	s7 =	simm.s32 @!p0 $0x108  }
0x21: {  	s3 =	sadd.s32 s3, s9;
	s6 =	sadd.s32 @!p0 $0x88, s6;
	s7 =	simm.s32 @p2 $0x1082  }
0x22: {  	[simem:s7], [sflag:s8] =	dma.local @!p0 [hbm:s6], $0xF7A  }
0x23: {  	s9 =	sor.u32 $0xD0000000, s2;
	s6 =	simm.s32 $0x108;
	_ =	swait.ge @!p0 [sflag:s8], $0x0  }
0x24: {  	s3 =	sadd.s32 $0x88, s3;
	s6 =	simm.s32 @!p1 $0x1082;
	[sflag:s4] =	ssyncset.s32 $0xFFFFF086  }
0x25: {  	[simem:s6], [sflag:s4] =	dma.local [hbm:s3], $0xF7A  }
0x26: {  	[smem:$0x3F96] =	sst s1;
	(tag) =	ssettag s2;
	_ =	strace s9  }
0x27: {  	s1 =	sld [smem:$0x3FA6]  }
0x28: {  	s2 =	sld [smem:$0x3FA7]  }
0x29: {  	s4 =	sld [smem:$0x3FA9]  }
0x2a: {  	p0 =	seq.s32 s5, $0x0;
	s5 =	sld [smem:$0x3FAA]  }
0x2b: {  	s6 =	sld [smem:$0x3FAB]  }
0x2c: {  	s7 =	sld [smem:$0x3FAC]  }
0x2d: {  	s3 =	simm.s32 $0x108;
	s8 =	sld [smem:$0x3FAD]  }
0x2e: {  	s3 =	simm.s32 @!p0 $0x1082;
	s9 =	sld [smem:$0x3FAE]  }
0x2f: {  	lr =	sadd.s32 s0, s3;
	s0 =	sld [smem:$0x3FA5]  }
0x30: {  	s3 =	sld [smem:$0x3FA8]  }
0x31: {  	[smem:$0x3FB1] =	sst s10  }
0x32: {  	s10 =	sld [smem:$0x3FAF];
	_ =	sdelay $0x3  }
0x33: {  	p0 =	seq.s32 s10, $0x1;
	s10 =	sld [smem:$0x3FB1];
	_ =	sdelay $0x3  }
0x34: {  	[smem:$0x3FB1] =	sst s10  }
0x35: {  	s10 =	sld [smem:$0x3FB0];
	_ =	sdelay $0x3  }
0x36: {  	p1 =	seq.s32 s10, $0x1;
	s10 =	sld [smem:$0x3FB1];
	_ =	sdelay $0x3  }
0x37: {  	[smem:$0x3FB1] =	sst s10  }
0x38: {  	s10 =	sld [smem:$0x3FB2]  }
0x39: {  	_ = 	snop;
	(pc) =	sbr.ind lr, $3  }
0x3a: {  	_ = 	snop  }
0x3b: {  	_ = 	snop  }
0x3c: {  	p2 =	seq.s32 s10, $0x1;
	s10 =	sld [smem:$0x3FB1]  }
0x3d: {  	_ =	shalt  }
0x3e: {  	_ =	shalt  }
0x3f: {  	_ =	shalt  }
0x40: {  	_ =	shalt  }
0x41: {  	_ =	shalt  }
0x42: {  	_ =	shalt  }
0x43: {  	_ =	shalt  }
0x44: {  	_ =	shalt  }
0x45: {  	_ =	shalt  }
0x46: {  	_ =	shalt  }
0x47: {  	_ =	shalt  }
0x48: {  	_ =	shalt  }
0x49: {  	_ =	shalt  }
0x4a: {  	_ =	shalt  }
0x4b: {  	_ =	shalt  }
0x4c: {  	_ =	shalt  }
0x4d: {  	_ =	shalt  }
0x4e: {  	_ =	shalt  }
0x4f: {  	_ =	shalt  }
0x50: {  	_ =	shalt  }
0x51: {  	_ =	shalt  }
0x52: {  	_ =	shalt  }
0x53: {  	_ =	shalt  }
0x54: {  	_ =	shalt  }
0x55: {  	_ =	shalt  }
0x56: {  	_ =	shalt  }
0x57: {  	_ =	shalt  }
0x58: {  	_ =	shalt  }
0x59: {  	_ =	shalt  }
0x5a: {  	_ =	shalt  }
0x5b: {  	_ =	shalt  }
0x5c: {  	_ =	shalt  }
0x5d: {  	_ =	shalt  }
0x5e: {  	_ =	shalt  }
0x5f: {  	_ =	shalt  }
0x60: {  	_ =	shalt  }
0x61: {  	_ =	shalt  }
0x62: {  	_ =	shalt  }
0x63: {  	_ =	shalt  }
0x64: {  	_ =	shalt  }
0x65: {  	_ =	shalt  }
0x66: {  	_ =	shalt  }
0x67: {  	_ =	shalt  }
0x68: {  	_ =	shalt  }
0x69: {  	_ =	shalt  }
0x6a: {  	_ =	shalt  }
0x6b: {  	_ =	shalt  }
0x6c: {  	_ =	shalt  }
0x6d: {  	_ =	shalt  }
0x6e: {  	_ =	shalt  }
0x6f: {  	_ =	shalt  }
0x70: {  	_ =	shalt  }
0x71: {  	_ =	shalt  }
0x72: {  	_ =	shalt  }
0x73: {  	_ =	shalt  }
0x74: {  	_ =	shalt  }
0x75: {  	_ =	shalt  }
0x76: {  	_ =	shalt  }
0x77: {  	_ =	shalt  }
0x78: {  	_ =	shalt  }
0x79: {  	_ =	shalt  }
0x7a: {  	_ =	shalt  }
0x7b: {  	_ =	shalt  }
0x7c: {  	_ =	shalt  }
0x7d: {  	_ =	shalt  }
0x7e: {  	_ =	shalt  }
0x7f: {  	_ =	shalt  }
0x80: {  	_ =	shalt  }
0x81: {  	_ =	shalt  }
0x82: {  	_ =	shalt  }
0x83: {  	_ =	shalt  }
0x84: {  	_ =	shalt  }
0x85: {  	_ =	shalt  }
0x86: {  	_ =	shalt  }
0x87: {  	_ =	shalt  }
.Lfunc_end0:
.L_simem_size_0:
called_computation_lowered:
.L_overlay_start_0:
0x88: {  	s2 =	sld [smem:$0x3FD9]  }
0x89: {  	s3 =	sld [smem:$0x3FFE];
	_ =	sdelay $0x1  }
0x8a: {  	s1 =	srdreg.scid  }
0x8b: {  	s0 =	sand.u32 $0x1, s1  }
0x8c: {  	s16 =	sshll.u32 s0, $0xA;
	s2 =	sadd.s32 s3, s2  }
0x8d: {  	s2 =	sadd.s32 s2, s16  }
0x8e: {  	[smem:$0x3FBD] =	sst s2  }
0x8f: {  	_ = 	snop  }
0x90: {  	(tm) =	ssettm $0x1  }
0x91: {  	s17 =	sld [smem:$0x3FFB];
	_ =	sdelay $0x3  }
0x92: {  	_ =	strace s17  }
0x93: {  	s2 =	sld [smem:$0x3FFC];
	_ =	sdelay $0x3  }
0x94: {  	_ =	strace s2  }
0x95: {  	s2 =	sld [smem:$0x3FFD];
	_ =	sdelay $0x3  }
0x96: {  	_ =	strace s2  }
0x97: {  	_ =	strace $0x8FFFFFFF  }
0x98: {  	s18 =	sld [smem:$0x3FDB];
	_ =	sdelay $0x1  }
0x99: {  	s19 =	simm.s32 $_scs_section_size  }
0x9a: {  	s4 =	simm.s32 $_size__tile_overlayer_lowered;
	s5 =	simm.s32 $_tile_overlayer_lowered  }
0x9b: {  	s22 =	simm.s32 $0x1BFF;
	s21 =	sshll.u32 s5, $0x1;
	s2 =	sadd.s32 s19, s18  }
0x9c: {  	s6 =	simm.s32 $0x0;
	s20 =	sshll.u32 s4, $0x1;
	s4 =	sadd.s32 s21, s2  }
0x9d: {  	[timem:s6], [sflag:s22] =	dma.local [hbm:s4], s20  }
0x9e: {  	_ =	swait.ge [sflag:s22], s20  }
0x9f: {  	s3 =	ssub.s32 $0x0, s20;
	[sflag:s22] =	ssyncset.done $0x0  }
0xa0: {  	[sflag:s22] =	ssyncadd.s32 s3;
	_ =	sdelay $0x1  }
0xa1: {  	s23 =	simm.s32 $0x1B8B  }
0xa2: {  	_ =	swait.ge [sflag:s23], $0x1  }
0xa3: {  	[sflag:s23] =	ssyncset.done $0x0  }
0xa4: {  	s25 =	simm.s32 $0x1B8E;
	s24 =	sld [smem:$0x3FFE];
	[sflag:s23] =	ssyncadd.s32 $0xFFFFFFFF  }
0xa5: {  	s26 =	simm.s32 $execute0_lowered;
	[smem:$0x3FD2] =	sst s25  }
0xa6: {  	s4 =	sshll.u32 s26, $0x1;
	_ =	strace $0x80000046;
	[dreg:$0x1] =	wrdreg $0xFFFFFFFF  }
0xa7: {  	s28 =	simm.s32 $_size_execute0_lowered;
	s2 =	sadd.s32 s2, s4;
	[dreg:$0x0] =	wrdreg $0x0  }
0xa8: {  	s4 =	sshll.u32 s28, $0x1;
	[dreg:$0x2] =	wrdreg s2  }
0xa9: {  	[dreg:$0x3] =	wrdreg s4  }
0xaa: {  	[dreg:$0x4] =	wrdreg $0xC0  }
0xab: {  	_ =	task [dreg:s6], $0x5FFFF  }
0xac: {  	[dreg:$0x1] =	wrdreg $0xFFFFFFFF  }
0xad: {  	[dreg:$0x0] =	wrdreg $0x60  }
0xae: {  	[dreg:$0x2] =	wrdreg s24  }
0xaf: {  	[dreg:$0x3] =	wrdreg $0x9  }
0xb0: {  	_ =	task.clear_ibuf [dreg:s6], $0x4FFFF;
	_ =	strace $0x90000046  }
0xb1: {  	s29 =	simm.s32 $0x9;
	_ =	strace $0x80000048  }
0xb2: {  	_ =	swait.ge [sflag:s29], $0x1  }
0xb3: {  	[sflag:s29] =	ssyncadd.s32 $0xFFFFFFFF  }
0xb4: {  	_ =	strace $0x90000048  }
0xb5: {  	_ =	sfence  }
0xb6: {  	s30 =	sld [smem:$0x0];
	_ =	sdelay $0x2  }
0xb7: {  	s31 =	sshll.u32 s1, $0xD;
	s1 =	sshrl.u32 s1, $0x2  }
0xb8: {  	s3 =	sand.u32 $0x4000, s31;
	s1 =	sadd.s32 s1, s30  }
0xb9: {  	s0 =	sor.u32 s3, s0;
	s1 =	sshll.u32 s1, $0x11  }
0xba: {  	s0 =	sor.u32 s1, s0  }
0xbb: {  	s0 =	sadd.s32 $0x8F2B, s0  }
0xbc: {  	[sflag:s0] =	ssyncadd.remote.s32 $0x1  }
0xbd: {  	_ =	sfence.sel $0xFFFF  }
0xbe: {  	[dreg:$0x0] =	wrdreg $0xFFFFFFFF;
	(pc) =	sbr.abs _section_cstart, $3  }
0xbf: {  	[dreg:$0x1] =	wrdreg $0xFFFFFFFF  }
0xc0: {  	_ =	task.clear_ibuf [dreg:s6], $0x2FFFF;
	_ =	strace $0x9FFFFFFF  }
0xc1: {  	(tm) =	ssettm $0x7FFFFFFF  }
tec
execute0_lowered:
.L_overlay_start_1:
0x0: {  	(tag) =	ssettag $0x1  }
0x1: {  	s1 =	srdreg.scid  }
0x2: {  	s0 =	stileid.u32;
	s5 =	rddreg [dreg:$0x0];
	s7 =	simm.s32 $0x400  }
0x3: {  	s8 =	simm.s32 $0x1;
	s9 =	simm.s32 $0x2800;
	s10 =	simm.s32 $0x0  }
0x4: {  	s3 =	sand.u32 $0x1, s1;
	s29 =	sshrl.u32 s0, $0x2;
	s2 =	sshll.u32 s0, $0x8  }
0x5: {  	s4 =	smul.u32 $0x14000, s29;
	s30 =	sshll.u32 s3, $0x7;
	s2 =	sand.u32 $0x300, s2  }
0x6: {  	s1 =	rddreg [dreg:$0x1];
	s3 =	ssub.s32 $0x2, s3;
	s6 =	sor.u32 s30, s2  }
0x7: {  	s2 =	simm.s32 $0x0;
	s31 =	sshrl.u32 s3, $0x1;
	s4 =	sor.u32 s4, s6  }
0x8: {  	[smem:$0x7FF] =	sst s2;
	s6 =	simm.s32 $0x80;
	s4 =	sshrl.u32 s4, $0x3  }
0x9: {  	_ =	strace $0x80000047;
	s4 =	sadd.s32 s4, s5;
	s5 =	ssub.s32 s3, s31  }
0xa: {  	v0 =	vimm.f32 $0.0e+00;
	v1 =	vimm.f32 $1.000000000e+00;
	s3 =	sadd.s32 $0x3200, s4;
	s4 =	sadd.s32 $0xD200, s4;
	s5 =	smax.u32 s5, $0x1  }
.LBB2_1:
0xb: {  	[tilespmem:s2], [sflag:$0x1] =	stream.strided.gather [hbm4b:s3+s6], $0x2800, s7, s6, $0x38;
	[tilespmem:$0x5000] =	vst v63  }
0xc: {  	_ =	swait.ge [sflag:s8], $0x2800  }
0xd: {  	[sflag:s8] =	ssyncset.done $0x0  }
0xe: {  	s11 =	simm.s32 $0x0;
	[sflag:s8] =	ssyncadd.s32 $0xFFFFD800  }
.LBB2_2:
0xf: {  	p0 =	sne.s32 s11, $0x9FC0  }
.Ltmp0:
0x10: {  	_ = 	snop;
	(pc) =	sbr.rel @p0 .LBB2_2-.Ltmp0, $3  }
0x11: {  	_ =	sdelay $0x1  }
0x12: {  	s12 =	sshra.s32 s11, $0x2  }
0x13: {  	s11 =	sadd.s32 $0x40, s11;
	[tilespmem:s12+$0x2800] =	vst v0  }
0x14: {  	s12 =	simm.s32 $0x0;
	s11 =	simm.s32 $0x40  }
.LBB2_4:
0x15: {  	p0 =	sne.s32 s11, $0x9FC0;
	v2 =	vld [tilespmem:s12+$0x0];
	_ =	sdelay $0x3  }
.Ltmp1:
0x16: {  	(pc) =	sbr.rel @p0 .LBB2_4-.Ltmp1, $2  }
0x17: {  	_ =	sdelay $0x2  }
0x18: {  	s12 =	sshra.s32 s11, $0x2;
	s11 =	sadd.s32 $0x40, s11;
	[tilespmem:v2+s9+$0x0] =	vst.idx.add.f32.msk $0xffff, v1  }
0x19: {  	v2 =	vld [tilespmem:s12+$0x0];
	_ =	sdelay $0x5  }
0x1a: {  	s10 =	sadd.s32 $0x1, s10  }
0x1b: {  	p0 =	sne.s32 s10, s5  }
.Ltmp2:
0x1c: {  	[tilespmem:v2+s9+$0x0] =	vst.idx.add.f32.msk $0xffff, v1;
	(pc) =	sbr.rel @p0 .LBB2_1-.Ltmp2, $4  }
0x1d: {  	[hbm4b:s4+s6] =	stream.strided.scatter [tilespmem:s9], [sflag:$0x1], $0x2800, s7, s6, $0x38;
	[tilespmem:$0x5000] =	vst v63  }
0x1e: {  	_ =	swait.ge [sflag:s8], $0x2800  }
0x1f: {  	[sflag:s8] =	ssyncset.done $0x0  }
0x20: {  	[sflag:s8] =	ssyncadd.s32 $0xFFFFD800  }
0x21: {  	_ =	sfence.sel $0x180000  }
0x22: {  	[bflag:$0x0] =	sbarrier.arrive $0xFFFF  }
0x23: {  	p0 =	sne.s32 s0, $0x0;
	_ =	strace $0x90000047  }
0x24: {  	s0 =	sadd.s32 @!p0 $0x100000, s1;
	[bflag:$0x2] =	sbarrier.arrive $0xFFFF  }
0x25: {  	[sflag:s0] =	ssyncadd.tile.s32 @!p0 $0x1;
	_ =	shalt  }
.Lfunc_end2:
_tile_overlayer_lowered:
.L_overlay_start_2:
0x26: {  	(tag) =	ssettag $0x2  }
0x27: {  	s0 =	rddreg [dreg:$0x0];
	s2 =	stileid.u32  }
0x28: {  	s1 =	rddreg [dreg:$0x1];
	p0 =	sne.s32 s2, $0x0  }
0x29: {  	s3 =	rddreg [dreg:$0x2];
	[bflag:$0x3] =	sbarrier.arrive $0xFFFF;
	s2 =	simm.s32 @!p0 $0x1C01  }
0x2a: {  	[timem:s3], [sflag:s2] =	dma.local @!p0 [hbm:s0], s1  }
0x2b: {  	s0 =	simm.s32 @!p0 $0x1  }
0x2c: {  	_ =	swait.ge @!p0 [sflag:s0], s1  }
0x2d: {  	s1 =	ssub.s32 @!p0 $0x0, s1;
	[sflag:s0] =	ssyncset.done @!p0 $0x0  }
0x2e: {  	[sflag:s0] =	ssyncadd.s32 @!p0 s1  }
0x2f: {  	[bflag:$0x3] =	sbarrier.arrive $0xFFFF  }
0x30: {  	_ =	shalt  }

</sc_bundles>
